<compile_context>
chip_gen: v7x
topology: tpu7x:2x2x1
jax: 0.10.2.dev20260603
libtpu: 0.0.44.dev20260713+nightly
codegen_flags: <defaults>
</compile_context>

<pallas_src>
import functools

import jax
import jax.numpy as jnp
from jax import lax
from jax.experimental import pallas as pl
from jax.experimental.pallas import tpu as pltpu
from jax.experimental.pallas import tpu_sc as plsc

N_NODES = 100000
SUBTOK_LEN = 8
EMBED_DIM = 64

NUM_WORKERS = 32
CHUNK = 80
NUM_CHUNKS = N_NODES // CHUNK
PAIRS = 20
MAX_TRIPS = 40
MAX_NODES_W = MAX_TRIPS * CHUNK
MIN_NODES_W = (MAX_TRIPS - 1) * CHUNK


def _make_sc_kernel():
    mesh = plsc.VectorSubcoreMesh(core_axis_name="c", subcore_axis_name="s")

    @functools.partial(
        pl.kernel,
        mesh=mesh,
        out_type=jax.ShapeDtypeStruct((EMBED_DIM, N_NODES), jnp.float32),
        scratch_types=[
            pltpu.VMEM((SUBTOK_LEN, MAX_NODES_W), jnp.int32),
            pltpu.VMEM((SUBTOK_LEN, CHUNK, EMBED_DIM), jnp.float32),
            pltpu.VMEM((SUBTOK_LEN, CHUNK, EMBED_DIM), jnp.float32),
            pltpu.VMEM((EMBED_DIM, CHUNK + 1), jnp.float32),
            pltpu.VMEM((EMBED_DIM, CHUNK + 1), jnp.float32),
            pltpu.SemaphoreType.DMA,
            pltpu.SemaphoreType.DMA,
            pltpu.SemaphoreType.DMA,
            pltpu.SemaphoreType.DMA,
        ],
        compiler_params=pltpu.CompilerParams(
            use_tc_tiling_on_sc=False, needs_layout_passes=False),
    )
    def k(ids_hbm, table_hbm, out_hbm,
          idx_all, rows0, rows1, acc0, acc1,
          gsem0, gsem1, osem0, osem1):
        wid = lax.axis_index("s") * 2 + lax.axis_index("c")
        trips = jnp.where(wid < 2, MAX_TRIPS, MAX_TRIPS - 1)
        start_chunk = (MAX_TRIPS - 1) * wid + jnp.minimum(wid, 2)
        node_start = start_chunk * CHUNK

        @pl.when(wid < 2)
        def _():
            pltpu.sync_copy(
                ids_hbm.at[:, pl.ds(node_start, MAX_NODES_W)],
                idx_all.at[:, pl.ds(0, MAX_NODES_W)])

        @pl.when(wid >= 2)
        def _():
            pltpu.sync_copy(
                ids_hbm.at[:, pl.ds(node_start, MIN_NODES_W)],
                idx_all.at[:, pl.ds(0, MIN_NODES_W)])

        def fire_gathers(g, rows, gsem):
            for l in range(SUBTOK_LEN):
                pltpu.async_copy(
                    table_hbm.at[idx_all.at[l, pl.ds(g * CHUNK, CHUNK)]],
                    rows.at[l], gsem)

        def drain_gather(rows, gsem):
            for l in range(SUBTOK_LEN):
                pltpu.make_async_copy(
                    table_hbm.at[pl.ds(0, CHUNK)], rows.at[l], gsem).wait()

        def compute(rows, acc):
            iota16 = lax.iota(jnp.int32, 16)
            row_ids = [iota16 + (d * 16) for d in range(EMBED_DIM // 16)]
            sls = [pl.ds(d * 16, 16) for d in range(EMBED_DIM // 16)]

            def one_node(i):
                accs = [rows[0, i, sl] for sl in sls]
                for l in range(1, SUBTOK_LEN):
                    for d, sl in enumerate(sls):
                        accs[d] = accs[d] + rows[l, i, sl]
                col = jnp.full((16,), i, dtype=jnp.int32)
                for d in range(EMBED_DIM // 16):
                    plsc.store_scatter(acc, [row_ids[d], col], accs[d])

            def node_body(j, c):
                for u in range(4):
                    one_node(j * 4 + u)
                return c

            lax.fori_loop(0, CHUNK // 4, node_body, 0)

        def store_out(g, acc, osem):
            pltpu.async_copy(
                acc.at[:, pl.ds(0, CHUNK)],
                out_hbm.at[:, pl.ds((start_chunk + g) * CHUNK, CHUNK)], osem)

        def drain_out(acc, osem):
            pltpu.make_async_copy(
                acc.at[:, pl.ds(0, CHUNK)],
                out_hbm.at[:, pl.ds(0, CHUNK)], osem).wait()

        fire_gathers(0, rows0, gsem0)

        def pair_body(p, carry):
            g0 = 2 * p
            g1 = g0 + 1
            g2 = g0 + 2

            @pl.when(g1 < trips)
            def _():
                fire_gathers(g1, rows1, gsem1)

            drain_gather(rows0, gsem0)

            @pl.when(p > 0)
            def _():
                drain_out(acc0, osem0)

            compute(rows0, acc0)
            store_out(g0, acc0, osem0)

            @pl.when(g2 < trips)
            def _():
                fire_gathers(g2, rows0, gsem0)

            @pl.when(g1 < trips)
            def _():
                drain_gather(rows1, gsem1)

                @pl.when(p > 0)
                def _():
                    drain_out(acc1, osem1)

                compute(rows1, acc1)
                store_out(g1, acc1, osem1)

            return carry

        lax.fori_loop(0, PAIRS, pair_body, 0)
        drain_out(acc0, osem0)
        drain_out(acc1, osem1)

    return k


def kernel(subtokens, table):
    ids = subtokens.T
    return _make_sc_kernel()(ids, table).T

# --- scband reference (transcript-rebuilt; emitter-appended) ---
"""Pipeline reference for scband-sub-token-embedding-86011015070151 (READ-ONLY COPY).

The authoritative reference and input builder live on the scoring server;
editing this copy changes nothing except your own understanding.
"""

import jax, jax.numpy as jnp
import numpy as np

N_NODES = 100000
SUBTOK_LEN = 8
VOCAB = 100000
EMBED_DIM = 64
PADDING_INDEX = 0


def setup_inputs(seed: int = 0) -> dict:
    key = jax.random.key(seed)
    k1, k2 = jax.random.split(key)
    # int32 used because jax defaults to 32-bit; values identical to int64 spec
    subtokens = jax.random.randint(k1, (N_NODES, SUBTOK_LEN), 0, VOCAB, dtype=jnp.int32)
    table = jax.random.normal(k2, (VOCAB, EMBED_DIM), dtype=jnp.float32) * 0.02
    # nn.Embedding(padding_idx=PADDING_INDEX) keeps the padding row at zero
    table = table.at[PADDING_INDEX].set(0.0)
    return {"subtokens": subtokens, "table": table}


def reference(subtokens, table):
    # Faithful to: graph.ndata['token_embeds'] = torch.sum(self.subtoken_embedding(subtokens), dim=1)
    # Embedding gather over the subtoken id matrix, then sum over the subtoken axis.
    emb = jnp.take(table, subtokens, axis=0)  # [N, L, D]
    # padding_idx semantics: padding positions contribute zero (and receive zero grad)
    mask = (subtokens != PADDING_INDEX)[..., None].astype(emb.dtype)
    token_embeds = jnp.sum(emb * mask, axis=1)  # [N, D]
    return token_embeds

if __name__ == "__main__":
    import jax
    _d = setup_inputs()
    print(jax.jit(kernel)(*tuple(_d.values())))

</pallas_src>

<mosaic_0001>
#map = affine_map<(d0, d1) -> (0, 0)>
module attributes {stable_mosaic.version = 14 : i64} {
  func.func @k(%arg0: i32, %arg1: i32, %arg2: memref<8x100000xi32, #tpu.memory_space<hbm>>, %arg3: memref<100000x64xf32, #tpu.memory_space<hbm>>, %arg4: memref<64x100000xf32, #tpu.memory_space<hbm>>, %arg5: memref<8x3200xi32, #tpu.memory_space<vmem>>, %arg6: memref<8x80x64xf32, #tpu.memory_space<vmem>>, %arg7: memref<8x80x64xf32, #tpu.memory_space<vmem>>, %arg8: memref<64x81xf32, #tpu.memory_space<vmem>>, %arg9: memref<64x81xf32, #tpu.memory_space<vmem>>, %arg10: memref<!tpu.dma_semaphore, #tpu.memory_space<semaphore_mem>>, %arg11: memref<!tpu.dma_semaphore, #tpu.memory_space<semaphore_mem>>, %arg12: memref<!tpu.dma_semaphore, #tpu.memory_space<semaphore_mem>>, %arg13: memref<!tpu.dma_semaphore, #tpu.memory_space<semaphore_mem>>) attributes {dimension_semantics = [#tpu.dimension_semantics<core_parallel>, #tpu.dimension_semantics<subcore_parallel>], iteration_bounds = array<i64: 2, 16>, scalar_prefetch = 0 : i64, scratch_operands = 9 : i64, tpu.core_type = #tpu.core_type<sc_vector_subcore>, window_params = [{transform_indices = #map}, {transform_indices = #map}, {transform_indices = #map}]} {
    %mul3A = arith.constant 2 : i32
    %mul3A_0 = arith.muli %arg1, %mul3A : i32
    %add3A = arith.addi %mul3A_0, %arg0 : i32
    %lt3A = arith.constant 2 : i32
    %lt3A_1 = arith.cmpi slt, %add3A, %lt3A : i32
    %jit3A = arith.constant 40 : i32
    %jit3A_2 = arith.constant 39 : i32
    %select_n3A = arith.select %lt3A_1, %jit3A, %jit3A_2 : i32
    %mul3A_3 = arith.constant 39 : i32
    %mul3A_4 = arith.muli %mul3A_3, %add3A : i32
    %min3A = arith.constant 2 : i32
    %min3A_5 = arith.minsi %add3A, %min3A : i32
    %add3A_6 = arith.addi %mul3A_4, %min3A_5 : i32
    %mul3A_7 = arith.constant 80 : i32
    %mul3A_8 = arith.muli %add3A_6, %mul3A_7 : i32
    %lt3A_9 = arith.constant 2 : i32
    %lt3A_10 = arith.cmpi slt, %add3A, %lt3A_9 : i32
    %convert_element_type3A = arith.extui %lt3A_10 : i1 to i32
    %cond3A = arith.constant 0 : i32
    %cond3A_11 = arith.cmpi ne, %convert_element_type3A, %cond3A : i32
    scf.if %cond3A_11 {
      "tpu.region"() ({
        %run_scoped3A = tpu.sem_alloc : memref<!tpu.dma_semaphore, #tpu.memory_space<semaphore_mem>>
        %dma_start3A_139 = arith.constant 0 : i32
        %dma_start3A_140 = arith.constant 0 : i32
        %dma_start3A_141 = tpu.memref_slice %arg5[%dma_start3A_139, %dma_start3A_140] : memref<8x3200xi32, #tpu.memory_space<vmem>> -> memref<8x3200xi32, #tpu.memory_space<vmem>>
        %dma_start3A_142 = arith.constant 0 : i32
        %dma_start3A_143 = tpu.memref_slice %arg2[%dma_start3A_142, %mul3A_8] : memref<8x100000xi32, #tpu.memory_space<hbm>> -> memref<8x3200xi32, #tpu.memory_space<hbm>>
        %dma_start3A_144 = arith.constant 0 : i32
        %dma_start3A_145 = arith.constant 0 : i32
        %dma_start3A_146 = tpu.memref_slice %arg5[%dma_start3A_144, %dma_start3A_145] : memref<8x3200xi32, #tpu.memory_space<vmem>> -> memref<8x3200xi32, #tpu.memory_space<vmem>>
        %dma_start3A_147 = arith.constant 0 : i32
        %dma_start3A_148 = tpu.memref_slice %arg2[%dma_start3A_147, %mul3A_8] : memref<8x100000xi32, #tpu.memory_space<hbm>> -> memref<8x3200xi32, #tpu.memory_space<hbm>>
        tpu.enqueue_dma source(%dma_start3A_148 : memref<8x3200xi32, #tpu.memory_space<hbm>>) target(%dma_start3A_146 : memref<8x3200xi32, #tpu.memory_space<vmem>>) target_semaphore(%run_scoped3A : memref<!tpu.dma_semaphore, #tpu.memory_space<semaphore_mem>>)
        %dma_wait3A_149 = arith.constant 0 : i32
        %dma_wait3A_150 = arith.constant 0 : i32
        %dma_wait3A_151 = tpu.memref_slice %arg5[%dma_wait3A_149, %dma_wait3A_150] : memref<8x3200xi32, #tpu.memory_space<vmem>> -> memref<8x3200xi32, #tpu.memory_space<vmem>>
        %dma_wait3A_152 = arith.constant 0 : i32
        %dma_wait3A_153 = tpu.memref_slice %arg2[%dma_wait3A_152, %mul3A_8] : memref<8x100000xi32, #tpu.memory_space<hbm>> -> memref<8x3200xi32, #tpu.memory_space<hbm>>
        %dma_wait3A_154 = arith.constant 0 : i32
        %dma_wait3A_155 = arith.constant 0 : i32
        %dma_wait3A_156 = tpu.memref_slice %arg5[%dma_wait3A_154, %dma_wait3A_155] : memref<8x3200xi32, #tpu.memory_space<vmem>> -> memref<8x3200xi32, #tpu.memory_space<vmem>>
        %dma_wait3A_157 = arith.constant 0 : i32
        %dma_wait3A_158 = tpu.memref_slice %arg2[%dma_wait3A_157, %mul3A_8] : memref<8x100000xi32, #tpu.memory_space<hbm>> -> memref<8x3200xi32, #tpu.memory_space<hbm>>
        tpu.wait_dma2 semaphore(%run_scoped3A : memref<!tpu.dma_semaphore, #tpu.memory_space<semaphore_mem>>) src(%dma_wait3A_158 : memref<8x3200xi32, #tpu.memory_space<hbm>>) dst(%dma_wait3A_156 : memref<8x3200xi32, #tpu.memory_space<vmem>>)
        tpu.yield
      }) : () -> ()
    } else {
    }
    %ge3A = arith.constant 2 : i32
    %ge3A_12 = arith.cmpi sge, %add3A, %ge3A : i32
    %convert_element_type3A_13 = arith.extui %ge3A_12 : i1 to i32
    %cond3A_14 = arith.constant 0 : i32
    %cond3A_15 = arith.cmpi ne, %convert_element_type3A_13, %cond3A_14 : i32
    scf.if %cond3A_15 {
      "tpu.region"() ({
        %run_scoped3A = tpu.sem_alloc : memref<!tpu.dma_semaphore, #tpu.memory_space<semaphore_mem>>
        %dma_start3A_139 = arith.constant 0 : i32
        %dma_start3A_140 = arith.constant 0 : i32
        %dma_start3A_141 = tpu.memref_slice %arg5[%dma_start3A_139, %dma_start3A_140] : memref<8x3200xi32, #tpu.memory_space<vmem>> -> memref<8x3120xi32, #tpu.memory_space<vmem>>
        %dma_start3A_142 = arith.constant 0 : i32
        %dma_start3A_143 = tpu.memref_slice %arg2[%dma_start3A_142, %mul3A_8] : memref<8x100000xi32, #tpu.memory_space<hbm>> -> memref<8x3120xi32, #tpu.memory_space<hbm>>
        %dma_start3A_144 = arith.constant 0 : i32
        %dma_start3A_145 = arith.constant 0 : i32
        %dma_start3A_146 = tpu.memref_slice %arg5[%dma_start3A_144, %dma_start3A_145] : memref<8x3200xi32, #tpu.memory_space<vmem>> -> memref<8x3120xi32, #tpu.memory_space<vmem>>
        %dma_start3A_147 = arith.constant 0 : i32
        %dma_start3A_148 = tpu.memref_slice %arg2[%dma_start3A_147, %mul3A_8] : memref<8x100000xi32, #tpu.memory_space<hbm>> -> memref<8x3120xi32, #tpu.memory_space<hbm>>
        tpu.enqueue_dma source(%dma_start3A_148 : memref<8x3120xi32, #tpu.memory_space<hbm>>) target(%dma_start3A_146 : memref<8x3120xi32, #tpu.memory_space<vmem>>) target_semaphore(%run_scoped3A : memref<!tpu.dma_semaphore, #tpu.memory_space<semaphore_mem>>)
        %dma_wait3A_149 = arith.constant 0 : i32
        %dma_wait3A_150 = arith.constant 0 : i32
        %dma_wait3A_151 = tpu.memref_slice %arg5[%dma_wait3A_149, %dma_wait3A_150] : memref<8x3200xi32, #tpu.memory_space<vmem>> -> memref<8x3120xi32, #tpu.memory_space<vmem>>
        %dma_wait3A_152 = arith.constant 0 : i32
        %dma_wait3A_153 = tpu.memref_slice %arg2[%dma_wait3A_152, %mul3A_8] : memref<8x100000xi32, #tpu.memory_space<hbm>> -> memref<8x3120xi32, #tpu.memory_space<hbm>>
        %dma_wait3A_154 = arith.constant 0 : i32
        %dma_wait3A_155 = arith.constant 0 : i32
        %dma_wait3A_156 = tpu.memref_slice %arg5[%dma_wait3A_154, %dma_wait3A_155] : memref<8x3200xi32, #tpu.memory_space<vmem>> -> memref<8x3120xi32, #tpu.memory_space<vmem>>
        %dma_wait3A_157 = arith.constant 0 : i32
        %dma_wait3A_158 = tpu.memref_slice %arg2[%dma_wait3A_157, %mul3A_8] : memref<8x100000xi32, #tpu.memory_space<hbm>> -> memref<8x3120xi32, #tpu.memory_space<hbm>>
        tpu.wait_dma2 semaphore(%run_scoped3A : memref<!tpu.dma_semaphore, #tpu.memory_space<semaphore_mem>>) src(%dma_wait3A_158 : memref<8x3120xi32, #tpu.memory_space<hbm>>) dst(%dma_wait3A_156 : memref<8x3120xi32, #tpu.memory_space<vmem>>)
        tpu.yield
      }) : () -> ()
    } else {
    }
    %dma_start3A = arith.constant 0 : i32
    %dma_start3A_16 = arith.constant 0 : i32
    %dma_start3A_17 = arith.constant 0 : i32
    %dma_start3A_18 = arith.constant 0 : i32
    %dma_start3A_19 = tpu.memref_slice %arg6[%dma_start3A_16, %dma_start3A_17, %dma_start3A_18] : memref<8x80x64xf32, #tpu.memory_space<vmem>> -> memref<1x80x64xf32, #tpu.memory_space<vmem>>
    %dma_start3A_20 = tpu.memref_squeeze %dma_start3A_19 : memref<1x80x64xf32, #tpu.memory_space<vmem>> -> memref<80x64xf32, #tpu.memory_space<vmem>>
    %dma_start3A_21 = arith.constant 0 : i32
    %dma_start3A_22 = tpu.memref_slice %arg5[%dma_start3A, %dma_start3A_21] : memref<8x3200xi32, #tpu.memory_space<vmem>> -> memref<1x80xi32, #tpu.memory_space<vmem>>
    %dma_start3A_23 = tpu.memref_squeeze %dma_start3A_22 : memref<1x80xi32, #tpu.memory_space<vmem>> -> memref<80xi32, #tpu.memory_space<vmem>>
    %dma_start3A_24 = arith.constant 0 : i32
    %dma_start3A_25 = arith.constant 0 : i32
    %dma_start3A_26 = tpu.memref_slice %arg3[%dma_start3A_24, %dma_start3A_25] : memref<100000x64xf32, #tpu.memory_space<hbm>> -> memref<100000x64xf32, #tpu.memory_space<hbm>>
    tpu.enqueue_indirect_dma source(%dma_start3A_26 : memref<100000x64xf32, #tpu.memory_space<hbm>>) target(%dma_start3A_20 : memref<80x64xf32, #tpu.memory_space<vmem>>) offsets(%dma_start3A_23 : memref<80xi32, #tpu.memory_space<vmem>>) semaphore(%arg10 : memref<!tpu.dma_semaphore, #tpu.memory_space<semaphore_mem>>)
    %dma_start3A_27 = arith.constant 1 : i32
    %dma_start3A_28 = arith.constant 1 : i32
    %dma_start3A_29 = arith.constant 0 : i32
    %dma_start3A_30 = arith.constant 0 : i32
    %dma_start3A_31 = tpu.memref_slice %arg6[%dma_start3A_28, %dma_start3A_29, %dma_start3A_30] : memref<8x80x64xf32, #tpu.memory_space<vmem>> -> memref<1x80x64xf32, #tpu.memory_space<vmem>>
    %dma_start3A_32 = tpu.memref_squeeze %dma_start3A_31 : memref<1x80x64xf32, #tpu.memory_space<vmem>> -> memref<80x64xf32, #tpu.memory_space<vmem>>
    %dma_start3A_33 = arith.constant 0 : i32
    %dma_start3A_34 = tpu.memref_slice %arg5[%dma_start3A_27, %dma_start3A_33] : memref<8x3200xi32, #tpu.memory_space<vmem>> -> memref<1x80xi32, #tpu.memory_space<vmem>>
    %dma_start3A_35 = tpu.memref_squeeze %dma_start3A_34 : memref<1x80xi32, #tpu.memory_space<vmem>> -> memref<80xi32, #tpu.memory_space<vmem>>
    %dma_start3A_36 = arith.constant 0 : i32
    %dma_start3A_37 = arith.constant 0 : i32
    %dma_start3A_38 = tpu.memref_slice %arg3[%dma_start3A_36, %dma_start3A_37] : memref<100000x64xf32, #tpu.memory_space<hbm>> -> memref<100000x64xf32, #tpu.memory_space<hbm>>
    tpu.enqueue_indirect_dma source(%dma_start3A_38 : memref<100000x64xf32, #tpu.memory_space<hbm>>) target(%dma_start3A_32 : memref<80x64xf32, #tpu.memory_space<vmem>>) offsets(%dma_start3A_35 : memref<80xi32, #tpu.memory_space<vmem>>) semaphore(%arg10 : memref<!tpu.dma_semaphore, #tpu.memory_space<semaphore_mem>>)
    %dma_start3A_39 = arith.constant 2 : i32
    %dma_start3A_40 = arith.constant 2 : i32
    %dma_start3A_41 = arith.constant 0 : i32
    %dma_start3A_42 = arith.constant 0 : i32
    %dma_start3A_43 = tpu.memref_slice %arg6[%dma_start3A_40, %dma_start3A_41, %dma_start3A_42] : memref<8x80x64xf32, #tpu.memory_space<vmem>> -> memref<1x80x64xf32, #tpu.memory_space<vmem>>
    %dma_start3A_44 = tpu.memref_squeeze %dma_start3A_43 : memref<1x80x64xf32, #tpu.memory_space<vmem>> -> memref<80x64xf32, #tpu.memory_space<vmem>>
    %dma_start3A_45 = arith.constant 0 : i32
    %dma_start3A_46 = tpu.memref_slice %arg5[%dma_start3A_39, %dma_start3A_45] : memref<8x3200xi32, #tpu.memory_space<vmem>> -> memref<1x80xi32, #tpu.memory_space<vmem>>
    %dma_start3A_47 = tpu.memref_squeeze %dma_start3A_46 : memref<1x80xi32, #tpu.memory_space<vmem>> -> memref<80xi32, #tpu.memory_space<vmem>>
    %dma_start3A_48 = arith.constant 0 : i32
    %dma_start3A_49 = arith.constant 0 : i32
    %dma_start3A_50 = tpu.memref_slice %arg3[%dma_start3A_48, %dma_start3A_49] : memref<100000x64xf32, #tpu.memory_space<hbm>> -> memref<100000x64xf32, #tpu.memory_space<hbm>>
    tpu.enqueue_indirect_dma source(%dma_start3A_50 : memref<100000x64xf32, #tpu.memory_space<hbm>>) target(%dma_start3A_44 : memref<80x64xf32, #tpu.memory_space<vmem>>) offsets(%dma_start3A_47 : memref<80xi32, #tpu.memory_space<vmem>>) semaphore(%arg10 : memref<!tpu.dma_semaphore, #tpu.memory_space<semaphore_mem>>)
    %dma_start3A_51 = arith.constant 3 : i32
    %dma_start3A_52 = arith.constant 3 : i32
    %dma_start3A_53 = arith.constant 0 : i32
    %dma_start3A_54 = arith.constant 0 : i32
    %dma_start3A_55 = tpu.memref_slice %arg6[%dma_start3A_52, %dma_start3A_53, %dma_start3A_54] : memref<8x80x64xf32, #tpu.memory_space<vmem>> -> memref<1x80x64xf32, #tpu.memory_space<vmem>>
    %dma_start3A_56 = tpu.memref_squeeze %dma_start3A_55 : memref<1x80x64xf32, #tpu.memory_space<vmem>> -> memref<80x64xf32, #tpu.memory_space<vmem>>
    %dma_start3A_57 = arith.constant 0 : i32
    %dma_start3A_58 = tpu.memref_slice %arg5[%dma_start3A_51, %dma_start3A_57] : memref<8x3200xi32, #tpu.memory_space<vmem>> -> memref<1x80xi32, #tpu.memory_space<vmem>>
    %dma_start3A_59 = tpu.memref_squeeze %dma_start3A_58 : memref<1x80xi32, #tpu.memory_space<vmem>> -> memref<80xi32, #tpu.memory_space<vmem>>
    %dma_start3A_60 = arith.constant 0 : i32
    %dma_start3A_61 = arith.constant 0 : i32
    %dma_start3A_62 = tpu.memref_slice %arg3[%dma_start3A_60, %dma_start3A_61] : memref<100000x64xf32, #tpu.memory_space<hbm>> -> memref<100000x64xf32, #tpu.memory_space<hbm>>
    tpu.enqueue_indirect_dma source(%dma_start3A_62 : memref<100000x64xf32, #tpu.memory_space<hbm>>) target(%dma_start3A_56 : memref<80x64xf32, #tpu.memory_space<vmem>>) offsets(%dma_start3A_59 : memref<80xi32, #tpu.memory_space<vmem>>) semaphore(%arg10 : memref<!tpu.dma_semaphore, #tpu.memory_space<semaphore_mem>>)
    %dma_start3A_63 = arith.constant 4 : i32
    %dma_start3A_64 = arith.constant 4 : i32
    %dma_start3A_65 = arith.constant 0 : i32
    %dma_start3A_66 = arith.constant 0 : i32
    %dma_start3A_67 = tpu.memref_slice %arg6[%dma_start3A_64, %dma_start3A_65, %dma_start3A_66] : memref<8x80x64xf32, #tpu.memory_space<vmem>> -> memref<1x80x64xf32, #tpu.memory_space<vmem>>
    %dma_start3A_68 = tpu.memref_squeeze %dma_start3A_67 : memref<1x80x64xf32, #tpu.memory_space<vmem>> -> memref<80x64xf32, #tpu.memory_space<vmem>>
    %dma_start3A_69 = arith.constant 0 : i32
    %dma_start3A_70 = tpu.memref_slice %arg5[%dma_start3A_63, %dma_start3A_69] : memref<8x3200xi32, #tpu.memory_space<vmem>> -> memref<1x80xi32, #tpu.memory_space<vmem>>
    %dma_start3A_71 = tpu.memref_squeeze %dma_start3A_70 : memref<1x80xi32, #tpu.memory_space<vmem>> -> memref<80xi32, #tpu.memory_space<vmem>>
    %dma_start3A_72 = arith.constant 0 : i32
    %dma_start3A_73 = arith.constant 0 : i32
    %dma_start3A_74 = tpu.memref_slice %arg3[%dma_start3A_72, %dma_start3A_73] : memref<100000x64xf32, #tpu.memory_space<hbm>> -> memref<100000x64xf32, #tpu.memory_space<hbm>>
    tpu.enqueue_indirect_dma source(%dma_start3A_74 : memref<100000x64xf32, #tpu.memory_space<hbm>>) target(%dma_start3A_68 : memref<80x64xf32, #tpu.memory_space<vmem>>) offsets(%dma_start3A_71 : memref<80xi32, #tpu.memory_space<vmem>>) semaphore(%arg10 : memref<!tpu.dma_semaphore, #tpu.memory_space<semaphore_mem>>)
    %dma_start3A_75 = arith.constant 5 : i32
    %dma_start3A_76 = arith.constant 5 : i32
    %dma_start3A_77 = arith.constant 0 : i32
    %dma_start3A_78 = arith.constant 0 : i32
    %dma_start3A_79 = tpu.memref_slice %arg6[%dma_start3A_76, %dma_start3A_77, %dma_start3A_78] : memref<8x80x64xf32, #tpu.memory_space<vmem>> -> memref<1x80x64xf32, #tpu.memory_space<vmem>>
    %dma_start3A_80 = tpu.memref_squeeze %dma_start3A_79 : memref<1x80x64xf32, #tpu.memory_space<vmem>> -> memref<80x64xf32, #tpu.memory_space<vmem>>
    %dma_start3A_81 = arith.constant 0 : i32
    %dma_start3A_82 = tpu.memref_slice %arg5[%dma_start3A_75, %dma_start3A_81] : memref<8x3200xi32, #tpu.memory_space<vmem>> -> memref<1x80xi32, #tpu.memory_space<vmem>>
    %dma_start3A_83 = tpu.memref_squeeze %dma_start3A_82 : memref<1x80xi32, #tpu.memory_space<vmem>> -> memref<80xi32, #tpu.memory_space<vmem>>
    %dma_start3A_84 = arith.constant 0 : i32
    %dma_start3A_85 = arith.constant 0 : i32
    %dma_start3A_86 = tpu.memref_slice %arg3[%dma_start3A_84, %dma_start3A_85] : memref<100000x64xf32, #tpu.memory_space<hbm>> -> memref<100000x64xf32, #tpu.memory_space<hbm>>
    tpu.enqueue_indirect_dma source(%dma_start3A_86 : memref<100000x64xf32, #tpu.memory_space<hbm>>) target(%dma_start3A_80 : memref<80x64xf32, #tpu.memory_space<vmem>>) offsets(%dma_start3A_83 : memref<80xi32, #tpu.memory_space<vmem>>) semaphore(%arg10 : memref<!tpu.dma_semaphore, #tpu.memory_space<semaphore_mem>>)
    %dma_start3A_87 = arith.constant 6 : i32
    %dma_start3A_88 = arith.constant 6 : i32
    %dma_start3A_89 = arith.constant 0 : i32
    %dma_start3A_90 = arith.constant 0 : i32
    %dma_start3A_91 = tpu.memref_slice %arg6[%dma_start3A_88, %dma_start3A_89, %dma_start3A_90] : memref<8x80x64xf32, #tpu.memory_space<vmem>> -> memref<1x80x64xf32, #tpu.memory_space<vmem>>
    %dma_start3A_92 = tpu.memref_squeeze %dma_start3A_91 : memref<1x80x64xf32, #tpu.memory_space<vmem>> -> memref<80x64xf32, #tpu.memory_space<vmem>>
    %dma_start3A_93 = arith.constant 0 : i32
    %dma_start3A_94 = tpu.memref_slice %arg5[%dma_start3A_87, %dma_start3A_93] : memref<8x3200xi32, #tpu.memory_space<vmem>> -> memref<1x80xi32, #tpu.memory_space<vmem>>
    %dma_start3A_95 = tpu.memref_squeeze %dma_start3A_94 : memref<1x80xi32, #tpu.memory_space<vmem>> -> memref<80xi32, #tpu.memory_space<vmem>>
    %dma_start3A_96 = arith.constant 0 : i32
    %dma_start3A_97 = arith.constant 0 : i32
    %dma_start3A_98 = tpu.memref_slice %arg3[%dma_start3A_96, %dma_start3A_97] : memref<100000x64xf32, #tpu.memory_space<hbm>> -> memref<100000x64xf32, #tpu.memory_space<hbm>>
    tpu.enqueue_indirect_dma source(%dma_start3A_98 : memref<100000x64xf32, #tpu.memory_space<hbm>>) target(%dma_start3A_92 : memref<80x64xf32, #tpu.memory_space<vmem>>) offsets(%dma_start3A_95 : memref<80xi32, #tpu.memory_space<vmem>>) semaphore(%arg10 : memref<!tpu.dma_semaphore, #tpu.memory_space<semaphore_mem>>)
    %dma_start3A_99 = arith.constant 7 : i32
    %dma_start3A_100 = arith.constant 7 : i32
    %dma_start3A_101 = arith.constant 0 : i32
    %dma_start3A_102 = arith.constant 0 : i32
    %dma_start3A_103 = tpu.memref_slice %arg6[%dma_start3A_100, %dma_start3A_101, %dma_start3A_102] : memref<8x80x64xf32, #tpu.memory_space<vmem>> -> memref<1x80x64xf32, #tpu.memory_space<vmem>>
    %dma_start3A_104 = tpu.memref_squeeze %dma_start3A_103 : memref<1x80x64xf32, #tpu.memory_space<vmem>> -> memref<80x64xf32, #tpu.memory_space<vmem>>
    %dma_start3A_105 = arith.constant 0 : i32
    %dma_start3A_106 = tpu.memref_slice %arg5[%dma_start3A_99, %dma_start3A_105] : memref<8x3200xi32, #tpu.memory_space<vmem>> -> memref<1x80xi32, #tpu.memory_space<vmem>>
    %dma_start3A_107 = tpu.memref_squeeze %dma_start3A_106 : memref<1x80xi32, #tpu.memory_space<vmem>> -> memref<80xi32, #tpu.memory_space<vmem>>
    %dma_start3A_108 = arith.constant 0 : i32
    %dma_start3A_109 = arith.constant 0 : i32
    %dma_start3A_110 = tpu.memref_slice %arg3[%dma_start3A_108, %dma_start3A_109] : memref<100000x64xf32, #tpu.memory_space<hbm>> -> memref<100000x64xf32, #tpu.memory_space<hbm>>
    tpu.enqueue_indirect_dma source(%dma_start3A_110 : memref<100000x64xf32, #tpu.memory_space<hbm>>) target(%dma_start3A_104 : memref<80x64xf32, #tpu.memory_space<vmem>>) offsets(%dma_start3A_107 : memref<80xi32, #tpu.memory_space<vmem>>) semaphore(%arg10 : memref<!tpu.dma_semaphore, #tpu.memory_space<semaphore_mem>>)
    %scan3A = arith.constant 0 : i32
    %scan3A_111 = arith.constant 0 : i32
    %scan3A_112 = arith.constant 20 : i32
    %scan3A_113 = arith.addi %scan3A_111, %scan3A_112 : i32
    %scan3A_114 = arith.constant 1 : i32
    scf.for %scan3A_139 = %scan3A_111 to %scan3A_113 step %scan3A_114  : i32 {
      %mul3A_140 = arith.constant 2 : i32
      %mul3A_141 = arith.muli %mul3A_140, %scan3A_139 : i32
      %add3A_142 = arith.constant 1 : i32
      %add3A_143 = arith.addi %mul3A_141, %add3A_142 : i32
      %add3A_144 = arith.constant 2 : i32
      %add3A_145 = arith.addi %mul3A_141, %add3A_144 : i32
      %lt3A_146 = arith.cmpi slt, %add3A_143, %select_n3A : i32
      %convert_element_type3A_147 = arith.extui %lt3A_146 : i1 to i32
      %cond3A_148 = arith.constant 0 : i32
      %cond3A_149 = arith.cmpi ne, %convert_element_type3A_147, %cond3A_148 : i32
      scf.if %cond3A_149 {
        %mul3A_313 = arith.constant 80 : i32
        %mul3A_314 = arith.muli %add3A_143, %mul3A_313 : i32
        %dma_start3A_315 = arith.constant 0 : i32
        %dma_start3A_316 = arith.constant 0 : i32
        %dma_start3A_317 = arith.constant 0 : i32
        %dma_start3A_318 = arith.constant 0 : i32
        %dma_start3A_319 = tpu.memref_slice %arg7[%dma_start3A_316, %dma_start3A_317, %dma_start3A_318] : memref<8x80x64xf32, #tpu.memory_space<vmem>> -> memref<1x80x64xf32, #tpu.memory_space<vmem>>
        %dma_start3A_320 = tpu.memref_squeeze %dma_start3A_319 : memref<1x80x64xf32, #tpu.memory_space<vmem>> -> memref<80x64xf32, #tpu.memory_space<vmem>>
        %dma_start3A_321 = tpu.memref_slice %arg5[%dma_start3A_315, %mul3A_314] : memref<8x3200xi32, #tpu.memory_space<vmem>> -> memref<1x80xi32, #tpu.memory_space<vmem>>
        %dma_start3A_322 = tpu.memref_squeeze %dma_start3A_321 : memref<1x80xi32, #tpu.memory_space<vmem>> -> memref<80xi32, #tpu.memory_space<vmem>>
        %dma_start3A_323 = arith.constant 0 : i32
        %dma_start3A_324 = arith.constant 0 : i32
        %dma_start3A_325 = tpu.memref_slice %arg3[%dma_start3A_323, %dma_start3A_324] : memref<100000x64xf32, #tpu.memory_space<hbm>> -> memref<100000x64xf32, #tpu.memory_space<hbm>>
        tpu.enqueue_indirect_dma source(%dma_start3A_325 : memref<100000x64xf32, #tpu.memory_space<hbm>>) target(%dma_start3A_320 : memref<80x64xf32, #tpu.memory_space<vmem>>) offsets(%dma_start3A_322 : memref<80xi32, #tpu.memory_space<vmem>>) semaphore(%arg11 : memref<!tpu.dma_semaphore, #tpu.memory_space<semaphore_mem>>)
        %mul3A_326 = arith.constant 80 : i32
        %mul3A_327 = arith.muli %add3A_143, %mul3A_326 : i32
        %dma_start3A_328 = arith.constant 1 : i32
        %dma_start3A_329 = arith.constant 1 : i32
        %dma_start3A_330 = arith.constant 0 : i32
        %dma_start3A_331 = arith.constant 0 : i32
        %dma_start3A_332 = tpu.memref_slice %arg7[%dma_start3A_329, %dma_start3A_330, %dma_start3A_331] : memref<8x80x64xf32, #tpu.memory_space<vmem>> -> memref<1x80x64xf32, #tpu.memory_space<vmem>>
        %dma_start3A_333 = tpu.memref_squeeze %dma_start3A_332 : memref<1x80x64xf32, #tpu.memory_space<vmem>> -> memref<80x64xf32, #tpu.memory_space<vmem>>
        %dma_start3A_334 = tpu.memref_slice %arg5[%dma_start3A_328, %mul3A_327] : memref<8x3200xi32, #tpu.memory_space<vmem>> -> memref<1x80xi32, #tpu.memory_space<vmem>>
        %dma_start3A_335 = tpu.memref_squeeze %dma_start3A_334 : memref<1x80xi32, #tpu.memory_space<vmem>> -> memref<80xi32, #tpu.memory_space<vmem>>
        %dma_start3A_336 = arith.constant 0 : i32
        %dma_start3A_337 = arith.constant 0 : i32
        %dma_start3A_338 = tpu.memref_slice %arg3[%dma_start3A_336, %dma_start3A_337] : memref<100000x64xf32, #tpu.memory_space<hbm>> -> memref<100000x64xf32, #tpu.memory_space<hbm>>
        tpu.enqueue_indirect_dma source(%dma_start3A_338 : memref<100000x64xf32, #tpu.memory_space<hbm>>) target(%dma_start3A_333 : memref<80x64xf32, #tpu.memory_space<vmem>>) offsets(%dma_start3A_335 : memref<80xi32, #tpu.memory_space<vmem>>) semaphore(%arg11 : memref<!tpu.dma_semaphore, #tpu.memory_space<semaphore_mem>>)
        %mul3A_339 = arith.constant 80 : i32
        %mul3A_340 = arith.muli %add3A_143, %mul3A_339 : i32
        %dma_start3A_341 = arith.constant 2 : i32
        %dma_start3A_342 = arith.constant 2 : i32
        %dma_start3A_343 = arith.constant 0 : i32
        %dma_start3A_344 = arith.constant 0 : i32
        %dma_start3A_345 = tpu.memref_slice %arg7[%dma_start3A_342, %dma_start3A_343, %dma_start3A_344] : memref<8x80x64xf32, #tpu.memory_space<vmem>> -> memref<1x80x64xf32, #tpu.memory_space<vmem>>
        %dma_start3A_346 = tpu.memref_squeeze %dma_start3A_345 : memref<1x80x64xf32, #tpu.memory_space<vmem>> -> memref<80x64xf32, #tpu.memory_space<vmem>>
        %dma_start3A_347 = tpu.memref_slice %arg5[%dma_start3A_341, %mul3A_340] : memref<8x3200xi32, #tpu.memory_space<vmem>> -> memref<1x80xi32, #tpu.memory_space<vmem>>
        %dma_start3A_348 = tpu.memref_squeeze %dma_start3A_347 : memref<1x80xi32, #tpu.memory_space<vmem>> -> memref<80xi32, #tpu.memory_space<vmem>>
        %dma_start3A_349 = arith.constant 0 : i32
        %dma_start3A_350 = arith.constant 0 : i32
        %dma_start3A_351 = tpu.memref_slice %arg3[%dma_start3A_349, %dma_start3A_350] : memref<100000x64xf32, #tpu.memory_space<hbm>> -> memref<100000x64xf32, #tpu.memory_space<hbm>>
        tpu.enqueue_indirect_dma source(%dma_start3A_351 : memref<100000x64xf32, #tpu.memory_space<hbm>>) target(%dma_start3A_346 : memref<80x64xf32, #tpu.memory_space<vmem>>) offsets(%dma_start3A_348 : memref<80xi32, #tpu.memory_space<vmem>>) semaphore(%arg11 : memref<!tpu.dma_semaphore, #tpu.memory_space<semaphore_mem>>)
        %mul3A_352 = arith.constant 80 : i32
        %mul3A_353 = arith.muli %add3A_143, %mul3A_352 : i32
        %dma_start3A_354 = arith.constant 3 : i32
        %dma_start3A_355 = arith.constant 3 : i32
        %dma_start3A_356 = arith.constant 0 : i32
        %dma_start3A_357 = arith.constant 0 : i32
        %dma_start3A_358 = tpu.memref_slice %arg7[%dma_start3A_355, %dma_start3A_356, %dma_start3A_357] : memref<8x80x64xf32, #tpu.memory_space<vmem>> -> memref<1x80x64xf32, #tpu.memory_space<vmem>>
        %dma_start3A_359 = tpu.memref_squeeze %dma_start3A_358 : memref<1x80x64xf32, #tpu.memory_space<vmem>> -> memref<80x64xf32, #tpu.memory_space<vmem>>
        %dma_start3A_360 = tpu.memref_slice %arg5[%dma_start3A_354, %mul3A_353] : memref<8x3200xi32, #tpu.memory_space<vmem>> -> memref<1x80xi32, #tpu.memory_space<vmem>>
        %dma_start3A_361 = tpu.memref_squeeze %dma_start3A_360 : memref<1x80xi32, #tpu.memory_space<vmem>> -> memref<80xi32, #tpu.memory_space<vmem>>
        %dma_start3A_362 = arith.constant 0 : i32
        %dma_start3A_363 = arith.constant 0 : i32
        %dma_start3A_364 = tpu.memref_slice %arg3[%dma_start3A_362, %dma_start3A_363] : memref<100000x64xf32, #tpu.memory_space<hbm>> -> memref<100000x64xf32, #tpu.memory_space<hbm>>
        tpu.enqueue_indirect_dma source(%dma_start3A_364 : memref<100000x64xf32, #tpu.memory_space<hbm>>) target(%dma_start3A_359 : memref<80x64xf32, #tpu.memory_space<vmem>>) offsets(%dma_start3A_361 : memref<80xi32, #tpu.memory_space<vmem>>) semaphore(%arg11 : memref<!tpu.dma_semaphore, #tpu.memory_space<semaphore_mem>>)
        %mul3A_365 = arith.constant 80 : i32
        %mul3A_366 = arith.muli %add3A_143, %mul3A_365 : i32
        %dma_start3A_367 = arith.constant 4 : i32
        %dma_start3A_368 = arith.constant 4 : i32
        %dma_start3A_369 = arith.constant 0 : i32
        %dma_start3A_370 = arith.constant 0 : i32
        %dma_start3A_371 = tpu.memref_slice %arg7[%dma_start3A_368, %dma_start3A_369, %dma_start3A_370] : memref<8x80x64xf32, #tpu.memory_space<vmem>> -> memref<1x80x64xf32, #tpu.memory_space<vmem>>
        %dma_start3A_372 = tpu.memref_squeeze %dma_start3A_371 : memref<1x80x64xf32, #tpu.memory_space<vmem>> -> memref<80x64xf32, #tpu.memory_space<vmem>>
        %dma_start3A_373 = tpu.memref_slice %arg5[%dma_start3A_367, %mul3A_366] : memref<8x3200xi32, #tpu.memory_space<vmem>> -> memref<1x80xi32, #tpu.memory_space<vmem>>
        %dma_start3A_374 = tpu.memref_squeeze %dma_start3A_373 : memref<1x80xi32, #tpu.memory_space<vmem>> -> memref<80xi32, #tpu.memory_space<vmem>>
        %dma_start3A_375 = arith.constant 0 : i32
        %dma_start3A_376 = arith.constant 0 : i32
        %dma_start3A_377 = tpu.memref_slice %arg3[%dma_start3A_375, %dma_start3A_376] : memref<100000x64xf32, #tpu.memory_space<hbm>> -> memref<100000x64xf32, #tpu.memory_space<hbm>>
        tpu.enqueue_indirect_dma source(%dma_start3A_377 : memref<100000x64xf32, #tpu.memory_space<hbm>>) target(%dma_start3A_372 : memref<80x64xf32, #tpu.memory_space<vmem>>) offsets(%dma_start3A_374 : memref<80xi32, #tpu.memory_space<vmem>>) semaphore(%arg11 : memref<!tpu.dma_semaphore, #tpu.memory_space<semaphore_mem>>)
        %mul3A_378 = arith.constant 80 : i32
        %mul3A_379 = arith.muli %add3A_143, %mul3A_378 : i32
        %dma_start3A_380 = arith.constant 5 : i32
        %dma_start3A_381 = arith.constant 5 : i32
        %dma_start3A_382 = arith.constant 0 : i32
        %dma_start3A_383 = arith.constant 0 : i32
        %dma_start3A_384 = tpu.memref_slice %arg7[%dma_start3A_381, %dma_start3A_382, %dma_start3A_383] : memref<8x80x64xf32, #tpu.memory_space<vmem>> -> memref<1x80x64xf32, #tpu.memory_space<vmem>>
        %dma_start3A_385 = tpu.memref_squeeze %dma_start3A_384 : memref<1x80x64xf32, #tpu.memory_space<vmem>> -> memref<80x64xf32, #tpu.memory_space<vmem>>
        %dma_start3A_386 = tpu.memref_slice %arg5[%dma_start3A_380, %mul3A_379] : memref<8x3200xi32, #tpu.memory_space<vmem>> -> memref<1x80xi32, #tpu.memory_space<vmem>>
        %dma_start3A_387 = tpu.memref_squeeze %dma_start3A_386 : memref<1x80xi32, #tpu.memory_space<vmem>> -> memref<80xi32, #tpu.memory_space<vmem>>
        %dma_start3A_388 = arith.constant 0 : i32
        %dma_start3A_389 = arith.constant 0 : i32
        %dma_start3A_390 = tpu.memref_slice %arg3[%dma_start3A_388, %dma_start3A_389] : memref<100000x64xf32, #tpu.memory_space<hbm>> -> memref<100000x64xf32, #tpu.memory_space<hbm>>
        tpu.enqueue_indirect_dma source(%dma_start3A_390 : memref<100000x64xf32, #tpu.memory_space<hbm>>) target(%dma_start3A_385 : memref<80x64xf32, #tpu.memory_space<vmem>>) offsets(%dma_start3A_387 : memref<80xi32, #tpu.memory_space<vmem>>) semaphore(%arg11 : memref<!tpu.dma_semaphore, #tpu.memory_space<semaphore_mem>>)
        %mul3A_391 = arith.constant 80 : i32
        %mul3A_392 = arith.muli %add3A_143, %mul3A_391 : i32
        %dma_start3A_393 = arith.constant 6 : i32
        %dma_start3A_394 = arith.constant 6 : i32
        %dma_start3A_395 = arith.constant 0 : i32
        %dma_start3A_396 = arith.constant 0 : i32
        %dma_start3A_397 = tpu.memref_slice %arg7[%dma_start3A_394, %dma_start3A_395, %dma_start3A_396] : memref<8x80x64xf32, #tpu.memory_space<vmem>> -> memref<1x80x64xf32, #tpu.memory_space<vmem>>
        %dma_start3A_398 = tpu.memref_squeeze %dma_start3A_397 : memref<1x80x64xf32, #tpu.memory_space<vmem>> -> memref<80x64xf32, #tpu.memory_space<vmem>>
        %dma_start3A_399 = tpu.memref_slice %arg5[%dma_start3A_393, %mul3A_392] : memref<8x3200xi32, #tpu.memory_space<vmem>> -> memref<1x80xi32, #tpu.memory_space<vmem>>
        %dma_start3A_400 = tpu.memref_squeeze %dma_start3A_399 : memref<1x80xi32, #tpu.memory_space<vmem>> -> memref<80xi32, #tpu.memory_space<vmem>>
        %dma_start3A_401 = arith.constant 0 : i32
        %dma_start3A_402 = arith.constant 0 : i32
        %dma_start3A_403 = tpu.memref_slice %arg3[%dma_start3A_401, %dma_start3A_402] : memref<100000x64xf32, #tpu.memory_space<hbm>> -> memref<100000x64xf32, #tpu.memory_space<hbm>>
        tpu.enqueue_indirect_dma source(%dma_start3A_403 : memref<100000x64xf32, #tpu.memory_space<hbm>>) target(%dma_start3A_398 : memref<80x64xf32, #tpu.memory_space<vmem>>) offsets(%dma_start3A_400 : memref<80xi32, #tpu.memory_space<vmem>>) semaphore(%arg11 : memref<!tpu.dma_semaphore, #tpu.memory_space<semaphore_mem>>)
        %mul3A_404 = arith.constant 80 : i32
        %mul3A_405 = arith.muli %add3A_143, %mul3A_404 : i32
        %dma_start3A_406 = arith.constant 7 : i32
        %dma_start3A_407 = arith.constant 7 : i32
        %dma_start3A_408 = arith.constant 0 : i32
        %dma_start3A_409 = arith.constant 0 : i32
        %dma_start3A_410 = tpu.memref_slice %arg7[%dma_start3A_407, %dma_start3A_408, %dma_start3A_409] : memref<8x80x64xf32, #tpu.memory_space<vmem>> -> memref<1x80x64xf32, #tpu.memory_space<vmem>>
        %dma_start3A_411 = tpu.memref_squeeze %dma_start3A_410 : memref<1x80x64xf32, #tpu.memory_space<vmem>> -> memref<80x64xf32, #tpu.memory_space<vmem>>
        %dma_start3A_412 = tpu.memref_slice %arg5[%dma_start3A_406, %mul3A_405] : memref<8x3200xi32, #tpu.memory_space<vmem>> -> memref<1x80xi32, #tpu.memory_space<vmem>>
        %dma_start3A_413 = tpu.memref_squeeze %dma_start3A_412 : memref<1x80xi32, #tpu.memory_space<vmem>> -> memref<80xi32, #tpu.memory_space<vmem>>
        %dma_start3A_414 = arith.constant 0 : i32
        %dma_start3A_415 = arith.constant 0 : i32
        %dma_start3A_416 = tpu.memref_slice %arg3[%dma_start3A_414, %dma_start3A_415] : memref<100000x64xf32, #tpu.memory_space<hbm>> -> memref<100000x64xf32, #tpu.memory_space<hbm>>
        tpu.enqueue_indirect_dma source(%dma_start3A_416 : memref<100000x64xf32, #tpu.memory_space<hbm>>) target(%dma_start3A_411 : memref<80x64xf32, #tpu.memory_space<vmem>>) offsets(%dma_start3A_413 : memref<80xi32, #tpu.memory_space<vmem>>) semaphore(%arg11 : memref<!tpu.dma_semaphore, #tpu.memory_space<semaphore_mem>>)
      } else {
      }
      %dma_wait3A_150 = arith.constant 0 : i32
      %dma_wait3A_151 = arith.constant 0 : i32
      %dma_wait3A_152 = arith.constant 0 : i32
      %dma_wait3A_153 = tpu.memref_slice %arg6[%dma_wait3A_150, %dma_wait3A_151, %dma_wait3A_152] : memref<8x80x64xf32, #tpu.memory_space<vmem>> -> memref<1x80x64xf32, #tpu.memory_space<vmem>>
      %dma_wait3A_154 = tpu.memref_squeeze %dma_wait3A_153 : memref<1x80x64xf32, #tpu.memory_space<vmem>> -> memref<80x64xf32, #tpu.memory_space<vmem>>
      %dma_wait3A_155 = arith.constant 0 : i32
      %dma_wait3A_156 = arith.constant 0 : i32
      %dma_wait3A_157 = tpu.memref_slice %arg3[%dma_wait3A_155, %dma_wait3A_156] : memref<100000x64xf32, #tpu.memory_space<hbm>> -> memref<80x64xf32, #tpu.memory_space<hbm>>
      %dma_wait3A_158 = arith.constant 0 : i32
      %dma_wait3A_159 = arith.constant 0 : i32
      %dma_wait3A_160 = tpu.memref_slice %arg6[%dma_wait3A_150, %dma_wait3A_158, %dma_wait3A_159] : memref<8x80x64xf32, #tpu.memory_space<vmem>> -> memref<1x80x64xf32, #tpu.memory_space<vmem>>
      %dma_wait3A_161 = tpu.memref_squeeze %dma_wait3A_160 : memref<1x80x64xf32, #tpu.memory_space<vmem>> -> memref<80x64xf32, #tpu.memory_space<vmem>>
      %dma_wait3A_162 = arith.constant 0 : i32
      %dma_wait3A_163 = arith.constant 0 : i32
      %dma_wait3A_164 = tpu.memref_slice %arg3[%dma_wait3A_162, %dma_wait3A_163] : memref<100000x64xf32, #tpu.memory_space<hbm>> -> memref<80x64xf32, #tpu.memory_space<hbm>>
      tpu.wait_dma2 semaphore(%arg10 : memref<!tpu.dma_semaphore, #tpu.memory_space<semaphore_mem>>) src(%dma_wait3A_164 : memref<80x64xf32, #tpu.memory_space<hbm>>) dst(%dma_wait3A_161 : memref<80x64xf32, #tpu.memory_space<vmem>>)
      %dma_wait3A_165 = arith.constant 1 : i32
      %dma_wait3A_166 = arith.constant 0 : i32
      %dma_wait3A_167 = arith.constant 0 : i32
      %dma_wait3A_168 = tpu.memref_slice %arg6[%dma_wait3A_165, %dma_wait3A_166, %dma_wait3A_167] : memref<8x80x64xf32, #tpu.memory_space<vmem>> -> memref<1x80x64xf32, #tpu.memory_space<vmem>>
      %dma_wait3A_169 = tpu.memref_squeeze %dma_wait3A_168 : memref<1x80x64xf32, #tpu.memory_space<vmem>> -> memref<80x64xf32, #tpu.memory_space<vmem>>
      %dma_wait3A_170 = arith.constant 0 : i32
      %dma_wait3A_171 = arith.constant 0 : i32
      %dma_wait3A_172 = tpu.memref_slice %arg3[%dma_wait3A_170, %dma_wait3A_171] : memref<100000x64xf32, #tpu.memory_space<hbm>> -> memref<80x64xf32, #tpu.memory_space<hbm>>
      %dma_wait3A_173 = arith.constant 0 : i32
      %dma_wait3A_174 = arith.constant 0 : i32
      %dma_wait3A_175 = tpu.memref_slice %arg6[%dma_wait3A_165, %dma_wait3A_173, %dma_wait3A_174] : memref<8x80x64xf32, #tpu.memory_space<vmem>> -> memref<1x80x64xf32, #tpu.memory_space<vmem>>
      %dma_wait3A_176 = tpu.memref_squeeze %dma_wait3A_175 : memref<1x80x64xf32, #tpu.memory_space<vmem>> -> memref<80x64xf32, #tpu.memory_space<vmem>>
      %dma_wait3A_177 = arith.constant 0 : i32
      %dma_wait3A_178 = arith.constant 0 : i32
      %dma_wait3A_179 = tpu.memref_slice %arg3[%dma_wait3A_177, %dma_wait3A_178] : memref<100000x64xf32, #tpu.memory_space<hbm>> -> memref<80x64xf32, #tpu.memory_space<hbm>>
      tpu.wait_dma2 semaphore(%arg10 : memref<!tpu.dma_semaphore, #tpu.memory_space<semaphore_mem>>) src(%dma_wait3A_179 : memref<80x64xf32, #tpu.memory_space<hbm>>) dst(%dma_wait3A_176 : memref<80x64xf32, #tpu.memory_space<vmem>>)
      %dma_wait3A_180 = arith.constant 2 : i32
      %dma_wait3A_181 = arith.constant 0 : i32
      %dma_wait3A_182 = arith.constant 0 : i32
      %dma_wait3A_183 = tpu.memref_slice %arg6[%dma_wait3A_180, %dma_wait3A_181, %dma_wait3A_182] : memref<8x80x64xf32, #tpu.memory_space<vmem>> -> memref<1x80x64xf32, #tpu.memory_space<vmem>>
      %dma_wait3A_184 = tpu.memref_squeeze %dma_wait3A_183 : memref<1x80x64xf32, #tpu.memory_space<vmem>> -> memref<80x64xf32, #tpu.memory_space<vmem>>
      %dma_wait3A_185 = arith.constant 0 : i32
      %dma_wait3A_186 = arith.constant 0 : i32
      %dma_wait3A_187 = tpu.memref_slice %arg3[%dma_wait3A_185, %dma_wait3A_186] : memref<100000x64xf32, #tpu.memory_space<hbm>> -> memref<80x64xf32, #tpu.memory_space<hbm>>
      %dma_wait3A_188 = arith.constant 0 : i32
      %dma_wait3A_189 = arith.constant 0 : i32
      %dma_wait3A_190 = tpu.memref_slice %arg6[%dma_wait3A_180, %dma_wait3A_188, %dma_wait3A_189] : memref<8x80x64xf32, #tpu.memory_space<vmem>> -> memref<1x80x64xf32, #tpu.memory_space<vmem>>
      %dma_wait3A_191 = tpu.memref_squeeze %dma_wait3A_190 : memref<1x80x64xf32, #tpu.memory_space<vmem>> -> memref<80x64xf32, #tpu.memory_space<vmem>>
      %dma_wait3A_192 = arith.constant 0 : i32
      %dma_wait3A_193 = arith.constant 0 : i32
      %dma_wait3A_194 = tpu.memref_slice %arg3[%dma_wait3A_192, %dma_wait3A_193] : memref<100000x64xf32, #tpu.memory_space<hbm>> -> memref<80x64xf32, #tpu.memory_space<hbm>>
      tpu.wait_dma2 semaphore(%arg10 : memref<!tpu.dma_semaphore, #tpu.memory_space<semaphore_mem>>) src(%dma_wait3A_194 : memref<80x64xf32, #tpu.memory_space<hbm>>) dst(%dma_wait3A_191 : memref<80x64xf32, #tpu.memory_space<vmem>>)
      %dma_wait3A_195 = arith.constant 3 : i32
      %dma_wait3A_196 = arith.constant 0 : i32
      %dma_wait3A_197 = arith.constant 0 : i32
      %dma_wait3A_198 = tpu.memref_slice %arg6[%dma_wait3A_195, %dma_wait3A_196, %dma_wait3A_197] : memref<8x80x64xf32, #tpu.memory_space<vmem>> -> memref<1x80x64xf32, #tpu.memory_space<vmem>>
      %dma_wait3A_199 = tpu.memref_squeeze %dma_wait3A_198 : memref<1x80x64xf32, #tpu.memory_space<vmem>> -> memref<80x64xf32, #tpu.memory_space<vmem>>
      %dma_wait3A_200 = arith.constant 0 : i32
      %dma_wait3A_201 = arith.constant 0 : i32
      %dma_wait3A_202 = tpu.memref_slice %arg3[%dma_wait3A_200, %dma_wait3A_201] : memref<100000x64xf32, #tpu.memory_space<hbm>> -> memref<80x64xf32, #tpu.memory_space<hbm>>
      %dma_wait3A_203 = arith.constant 0 : i32
      %dma_wait3A_204 = arith.constant 0 : i32
      %dma_wait3A_205 = tpu.memref_slice %arg6[%dma_wait3A_195, %dma_wait3A_203, %dma_wait3A_204] : memref<8x80x64xf32, #tpu.memory_space<vmem>> -> memref<1x80x64xf32, #tpu.memory_space<vmem>>
      %dma_wait3A_206 = tpu.memref_squeeze %dma_wait3A_205 : memref<1x80x64xf32, #tpu.memory_space<vmem>> -> memref<80x64xf32, #tpu.memory_space<vmem>>
      %dma_wait3A_207 = arith.constant 0 : i32
      %dma_wait3A_208 = arith.constant 0 : i32
      %dma_wait3A_209 = tpu.memref_slice %arg3[%dma_wait3A_207, %dma_wait3A_208] : memref<100000x64xf32, #tpu.memory_space<hbm>> -> memref<80x64xf32, #tpu.memory_space<hbm>>
      tpu.wait_dma2 semaphore(%arg10 : memref<!tpu.dma_semaphore, #tpu.memory_space<semaphore_mem>>) src(%dma_wait3A_209 : memref<80x64xf32, #tpu.memory_space<hbm>>) dst(%dma_wait3A_206 : memref<80x64xf32, #tpu.memory_space<vmem>>)
      %dma_wait3A_210 = arith.constant 4 : i32
      %dma_wait3A_211 = arith.constant 0 : i32
      %dma_wait3A_212 = arith.constant 0 : i32
      %dma_wait3A_213 = tpu.memref_slice %arg6[%dma_wait3A_210, %dma_wait3A_211, %dma_wait3A_212] : memref<8x80x64xf32, #tpu.memory_space<vmem>> -> memref<1x80x64xf32, #tpu.memory_space<vmem>>
      %dma_wait3A_214 = tpu.memref_squeeze %dma_wait3A_213 : memref<1x80x64xf32, #tpu.memory_space<vmem>> -> memref<80x64xf32, #tpu.memory_space<vmem>>
      %dma_wait3A_215 = arith.constant 0 : i32
      %dma_wait3A_216 = arith.constant 0 : i32
      %dma_wait3A_217 = tpu.memref_slice %arg3[%dma_wait3A_215, %dma_wait3A_216] : memref<100000x64xf32, #tpu.memory_space<hbm>> -> memref<80x64xf32, #tpu.memory_space<hbm>>
      %dma_wait3A_218 = arith.constant 0 : i32
      %dma_wait3A_219 = arith.constant 0 : i32
      %dma_wait3A_220 = tpu.memref_slice %arg6[%dma_wait3A_210, %dma_wait3A_218, %dma_wait3A_219] : memref<8x80x64xf32, #tpu.memory_space<vmem>> -> memref<1x80x64xf32, #tpu.memory_space<vmem>>
      %dma_wait3A_221 = tpu.memref_squeeze %dma_wait3A_220 : memref<1x80x64xf32, #tpu.memory_space<vmem>> -> memref<80x64xf32, #tpu.memory_space<vmem>>
      %dma_wait3A_222 = arith.constant 0 : i32
      %dma_wait3A_223 = arith.constant 0 : i32
      %dma_wait3A_224 = tpu.memref_slice %arg3[%dma_wait3A_222, %dma_wait3A_223] : memref<100000x64xf32, #tpu.memory_space<hbm>> -> memref<80x64xf32, #tpu.memory_space<hbm>>
      tpu.wait_dma2 semaphore(%arg10 : memref<!tpu.dma_semaphore, #tpu.memory_space<semaphore_mem>>) src(%dma_wait3A_224 : memref<80x64xf32, #tpu.memory_space<hbm>>) dst(%dma_wait3A_221 : memref<80x64xf32, #tpu.memory_space<vmem>>)
      %dma_wait3A_225 = arith.constant 5 : i32
      %dma_wait3A_226 = arith.constant 0 : i32
      %dma_wait3A_227 = arith.constant 0 : i32
      %dma_wait3A_228 = tpu.memref_slice %arg6[%dma_wait3A_225, %dma_wait3A_226, %dma_wait3A_227] : memref<8x80x64xf32, #tpu.memory_space<vmem>> -> memref<1x80x64xf32, #tpu.memory_space<vmem>>
      %dma_wait3A_229 = tpu.memref_squeeze %dma_wait3A_228 : memref<1x80x64xf32, #tpu.memory_space<vmem>> -> memref<80x64xf32, #tpu.memory_space<vmem>>
      %dma_wait3A_230 = arith.constant 0 : i32
      %dma_wait3A_231 = arith.constant 0 : i32
      %dma_wait3A_232 = tpu.memref_slice %arg3[%dma_wait3A_230, %dma_wait3A_231] : memref<100000x64xf32, #tpu.memory_space<hbm>> -> memref<80x64xf32, #tpu.memory_space<hbm>>
      %dma_wait3A_233 = arith.constant 0 : i32
      %dma_wait3A_234 = arith.constant 0 : i32
      %dma_wait3A_235 = tpu.memref_slice %arg6[%dma_wait3A_225, %dma_wait3A_233, %dma_wait3A_234] : memref<8x80x64xf32, #tpu.memory_space<vmem>> -> memref<1x80x64xf32, #tpu.memory_space<vmem>>
      %dma_wait3A_236 = tpu.memref_squeeze %dma_wait3A_235 : memref<1x80x64xf32, #tpu.memory_space<vmem>> -> memref<80x64xf32, #tpu.memory_space<vmem>>
      %dma_wait3A_237 = arith.constant 0 : i32
      %dma_wait3A_238 = arith.constant 0 : i32
      %dma_wait3A_239 = tpu.memref_slice %arg3[%dma_wait3A_237, %dma_wait3A_238] : memref<100000x64xf32, #tpu.memory_space<hbm>> -> memref<80x64xf32, #tpu.memory_space<hbm>>
      tpu.wait_dma2 semaphore(%arg10 : memref<!tpu.dma_semaphore, #tpu.memory_space<semaphore_mem>>) src(%dma_wait3A_239 : memref<80x64xf32, #tpu.memory_space<hbm>>) dst(%dma_wait3A_236 : memref<80x64xf32, #tpu.memory_space<vmem>>)
      %dma_wait3A_240 = arith.constant 6 : i32
      %dma_wait3A_241 = arith.constant 0 : i32
      %dma_wait3A_242 = arith.constant 0 : i32
      %dma_wait3A_243 = tpu.memref_slice %arg6[%dma_wait3A_240, %dma_wait3A_241, %dma_wait3A_242] : memref<8x80x64xf32, #tpu.memory_space<vmem>> -> memref<1x80x64xf32, #tpu.memory_space<vmem>>
      %dma_wait3A_244 = tpu.memref_squeeze %dma_wait3A_243 : memref<1x80x64xf32, #tpu.memory_space<vmem>> -> memref<80x64xf32, #tpu.memory_space<vmem>>
      %dma_wait3A_245 = arith.constant 0 : i32
      %dma_wait3A_246 = arith.constant 0 : i32
      %dma_wait3A_247 = tpu.memref_slice %arg3[%dma_wait3A_245, %dma_wait3A_246] : memref<100000x64xf32, #tpu.memory_space<hbm>> -> memref<80x64xf32, #tpu.memory_space<hbm>>
      %dma_wait3A_248 = arith.constant 0 : i32
      %dma_wait3A_249 = arith.constant 0 : i32
      %dma_wait3A_250 = tpu.memref_slice %arg6[%dma_wait3A_240, %dma_wait3A_248, %dma_wait3A_249] : memref<8x80x64xf32, #tpu.memory_space<vmem>> -> memref<1x80x64xf32, #tpu.memory_space<vmem>>
      %dma_wait3A_251 = tpu.memref_squeeze %dma_wait3A_250 : memref<1x80x64xf32, #tpu.memory_space<vmem>> -> memref<80x64xf32, #tpu.memory_space<vmem>>
      %dma_wait3A_252 = arith.constant 0 : i32
      %dma_wait3A_253 = arith.constant 0 : i32
      %dma_wait3A_254 = tpu.memref_slice %arg3[%dma_wait3A_252, %dma_wait3A_253] : memref<100000x64xf32, #tpu.memory_space<hbm>> -> memref<80x64xf32, #tpu.memory_space<hbm>>
      tpu.wait_dma2 semaphore(%arg10 : memref<!tpu.dma_semaphore, #tpu.memory_space<semaphore_mem>>) src(%dma_wait3A_254 : memref<80x64xf32, #tpu.memory_space<hbm>>) dst(%dma_wait3A_251 : memref<80x64xf32, #tpu.memory_space<vmem>>)
      %dma_wait3A_255 = arith.constant 7 : i32
      %dma_wait3A_256 = arith.constant 0 : i32
      %dma_wait3A_257 = arith.constant 0 : i32
      %dma_wait3A_258 = tpu.memref_slice %arg6[%dma_wait3A_255, %dma_wait3A_256, %dma_wait3A_257] : memref<8x80x64xf32, #tpu.memory_space<vmem>> -> memref<1x80x64xf32, #tpu.memory_space<vmem>>
      %dma_wait3A_259 = tpu.memref_squeeze %dma_wait3A_258 : memref<1x80x64xf32, #tpu.memory_space<vmem>> -> memref<80x64xf32, #tpu.memory_space<vmem>>
      %dma_wait3A_260 = arith.constant 0 : i32
      %dma_wait3A_261 = arith.constant 0 : i32
      %dma_wait3A_262 = tpu.memref_slice %arg3[%dma_wait3A_260, %dma_wait3A_261] : memref<100000x64xf32, #tpu.memory_space<hbm>> -> memref<80x64xf32, #tpu.memory_space<hbm>>
      %dma_wait3A_263 = arith.constant 0 : i32
      %dma_wait3A_264 = arith.constant 0 : i32
      %dma_wait3A_265 = tpu.memref_slice %arg6[%dma_wait3A_255, %dma_wait3A_263, %dma_wait3A_264] : memref<8x80x64xf32, #tpu.memory_space<vmem>> -> memref<1x80x64xf32, #tpu.memory_space<vmem>>
      %dma_wait3A_266 = tpu.memref_squeeze %dma_wait3A_265 : memref<1x80x64xf32, #tpu.memory_space<vmem>> -> memref<80x64xf32, #tpu.memory_space<vmem>>
      %dma_wait3A_267 = arith.constant 0 : i32
      %dma_wait3A_268 = arith.constant 0 : i32
      %dma_wait3A_269 = tpu.memref_slice %arg3[%dma_wait3A_267, %dma_wait3A_268] : memref<100000x64xf32, #tpu.memory_space<hbm>> -> memref<80x64xf32, #tpu.memory_space<hbm>>
      tpu.wait_dma2 semaphore(%arg10 : memref<!tpu.dma_semaphore, #tpu.memory_space<semaphore_mem>>) src(%dma_wait3A_269 : memref<80x64xf32, #tpu.memory_space<hbm>>) dst(%dma_wait3A_266 : memref<80x64xf32, #tpu.memory_space<vmem>>)
      %gt3A = arith.constant 0 : i32
      %gt3A_270 = arith.cmpi sgt, %scan3A_139, %gt3A : i32
      %convert_element_type3A_271 = arith.extui %gt3A_270 : i1 to i32
      %cond3A_272 = arith.constant 0 : i32
      %cond3A_273 = arith.cmpi ne, %convert_element_type3A_271, %cond3A_272 : i32
      scf.if %cond3A_273 {
        %dma_wait3A_313 = arith.constant 0 : i32
        %dma_wait3A_314 = arith.constant 0 : i32
        %dma_wait3A_315 = tpu.memref_slice %arg8[%dma_wait3A_313, %dma_wait3A_314] : memref<64x81xf32, #tpu.memory_space<vmem>> -> memref<64x80xf32, #tpu.memory_space<vmem>>
        %dma_wait3A_316 = arith.constant 0 : i32
        %dma_wait3A_317 = arith.constant 0 : i32
        %dma_wait3A_318 = tpu.memref_slice %arg4[%dma_wait3A_316, %dma_wait3A_317] : memref<64x100000xf32, #tpu.memory_space<hbm>> -> memref<64x80xf32, #tpu.memory_space<hbm>>
        %dma_wait3A_319 = arith.constant 0 : i32
        %dma_wait3A_320 = arith.constant 0 : i32
        %dma_wait3A_321 = tpu.memref_slice %arg4[%dma_wait3A_319, %dma_wait3A_320] : memref<64x100000xf32, #tpu.memory_space<hbm>> -> memref<64x80xf32, #tpu.memory_space<hbm>>
        %dma_wait3A_322 = arith.constant 0 : i32
        %dma_wait3A_323 = arith.constant 0 : i32
        %dma_wait3A_324 = tpu.memref_slice %arg8[%dma_wait3A_322, %dma_wait3A_323] : memref<64x81xf32, #tpu.memory_space<vmem>> -> memref<64x80xf32, #tpu.memory_space<vmem>>
        tpu.wait_dma2 semaphore(%arg12 : memref<!tpu.dma_semaphore, #tpu.memory_space<semaphore_mem>>) src(%dma_wait3A_324 : memref<64x80xf32, #tpu.memory_space<vmem>>) dst(%dma_wait3A_321 : memref<64x80xf32, #tpu.memory_space<hbm>>)
      } else {
      }
      %iota3A = tpu.iota {dimensions = array<i32: 0>} : vector<16xi32>
      %add3A_274 = arith.constant 0 : i32
      %add3A_275 = vector.broadcast %add3A_274 : i32 to vector<16xi32>
      %add3A_276 = arith.addi %iota3A, %add3A_275 : vector<16xi32>
      %add3A_277 = arith.constant 16 : i32
      %add3A_278 = vector.broadcast %add3A_277 : i32 to vector<16xi32>
      %add3A_279 = arith.addi %iota3A, %add3A_278 : vector<16xi32>
      %add3A_280 = arith.constant 32 : i32
      %add3A_281 = vector.broadcast %add3A_280 : i32 to vector<16xi32>
      %add3A_282 = arith.addi %iota3A, %add3A_281 : vector<16xi32>
      %add3A_283 = arith.constant 48 : i32
      %add3A_284 = vector.broadcast %add3A_283 : i32 to vector<16xi32>
      %add3A_285 = arith.addi %iota3A, %add3A_284 : vector<16xi32>
      %scan3A_286 = arith.constant 0 : i32
      %scan3A_287 = arith.constant 0 : i32
      %scan3A_288 = arith.constant 20 : i32
      %scan3A_289 = arith.addi %scan3A_287, %scan3A_288 : i32
      %scan3A_290 = arith.constant 1 : i32
      scf.for %scan3A_313 = %scan3A_287 to %scan3A_289 step %scan3A_290  : i32 {
        %mul3A_314 = arith.constant 4 : i32
        %mul3A_315 = arith.muli %scan3A_313, %mul3A_314 : i32
        %add3A_316 = arith.constant 0 : i32
        %add3A_317 = arith.addi %mul3A_315, %add3A_316 : i32
        %get3A = arith.constant 0 : i32
        %get3A_318 = arith.index_cast %get3A : i32 to index
        %get3A_319 = arith.index_cast %add3A_317 : i32 to index
        %get3A_320 = arith.constant 0 : index
        %get3A_321 = tpu.vector_load %arg6[%get3A_318, %get3A_319, %get3A_320] {strides = array<i32>} : memref<8x80x64xf32, #tpu.memory_space<vmem>>, vector<16xf32>,
        %get3A_322 = arith.constant 0 : i32
        %get3A_323 = arith.index_cast %get3A_322 : i32 to index
        %get3A_324 = arith.index_cast %add3A_317 : i32 to index
        %get3A_325 = arith.constant 16 : index
        %get3A_326 = tpu.vector_load %arg6[%get3A_323, %get3A_324, %get3A_325] {strides = array<i32>} : memref<8x80x64xf32, #tpu.memory_space<vmem>>, vector<16xf32>,
        %get3A_327 = arith.constant 0 : i32
        %get3A_328 = arith.index_cast %get3A_327 : i32 to index
        %get3A_329 = arith.index_cast %add3A_317 : i32 to index
        %get3A_330 = arith.constant 32 : index
        %get3A_331 = tpu.vector_load %arg6[%get3A_328, %get3A_329, %get3A_330] {strides = array<i32>} : memref<8x80x64xf32, #tpu.memory_space<vmem>>, vector<16xf32>,
        %get3A_332 = arith.constant 0 : i32
        %get3A_333 = arith.index_cast %get3A_332 : i32 to index
        %get3A_334 = arith.index_cast %add3A_317 : i32 to index
        %get3A_335 = arith.constant 48 : index
        %get3A_336 = tpu.vector_load %arg6[%get3A_333, %get3A_334, %get3A_335] {strides = array<i32>} : memref<8x80x64xf32, #tpu.memory_space<vmem>>, vector<16xf32>,
        %get3A_337 = arith.constant 1 : i32
        %get3A_338 = arith.index_cast %get3A_337 : i32 to index
        %get3A_339 = arith.index_cast %add3A_317 : i32 to index
        %get3A_340 = arith.constant 0 : index
        %get3A_341 = tpu.vector_load %arg6[%get3A_338, %get3A_339, %get3A_340] {strides = array<i32>} : memref<8x80x64xf32, #tpu.memory_space<vmem>>, vector<16xf32>,
        %add3A_342 = arith.addf %get3A_321, %get3A_341 : vector<16xf32>
        %get3A_343 = arith.constant 1 : i32
        %get3A_344 = arith.index_cast %get3A_343 : i32 to index
        %get3A_345 = arith.index_cast %add3A_317 : i32 to index
        %get3A_346 = arith.constant 16 : index
        %get3A_347 = tpu.vector_load %arg6[%get3A_344, %get3A_345, %get3A_346] {strides = array<i32>} : memref<8x80x64xf32, #tpu.memory_space<vmem>>, vector<16xf32>,
        %add3A_348 = arith.addf %get3A_326, %get3A_347 : vector<16xf32>
        %get3A_349 = arith.constant 1 : i32
        %get3A_350 = arith.index_cast %get3A_349 : i32 to index
        %get3A_351 = arith.index_cast %add3A_317 : i32 to index
        %get3A_352 = arith.constant 32 : index
        %get3A_353 = tpu.vector_load %arg6[%get3A_350, %get3A_351, %get3A_352] {strides = array<i32>} : memref<8x80x64xf32, #tpu.memory_space<vmem>>, vector<16xf32>,
        %add3A_354 = arith.addf %get3A_331, %get3A_353 : vector<16xf32>
        %get3A_355 = arith.constant 1 : i32
        %get3A_356 = arith.index_cast %get3A_355 : i32 to index
        %get3A_357 = arith.index_cast %add3A_317 : i32 to index
        %get3A_358 = arith.constant 48 : index
        %get3A_359 = tpu.vector_load %arg6[%get3A_356, %get3A_357, %get3A_358] {strides = array<i32>} : memref<8x80x64xf32, #tpu.memory_space<vmem>>, vector<16xf32>,
        %add3A_360 = arith.addf %get3A_336, %get3A_359 : vector<16xf32>
        %get3A_361 = arith.constant 2 : i32
        %get3A_362 = arith.index_cast %get3A_361 : i32 to index
        %get3A_363 = arith.index_cast %add3A_317 : i32 to index
        %get3A_364 = arith.constant 0 : index
        %get3A_365 = tpu.vector_load %arg6[%get3A_362, %get3A_363, %get3A_364] {strides = array<i32>} : memref<8x80x64xf32, #tpu.memory_space<vmem>>, vector<16xf32>,
        %add3A_366 = arith.addf %add3A_342, %get3A_365 : vector<16xf32>
        %get3A_367 = arith.constant 2 : i32
        %get3A_368 = arith.index_cast %get3A_367 : i32 to index
        %get3A_369 = arith.index_cast %add3A_317 : i32 to index
        %get3A_370 = arith.constant 16 : index
        %get3A_371 = tpu.vector_load %arg6[%get3A_368, %get3A_369, %get3A_370] {strides = array<i32>} : memref<8x80x64xf32, #tpu.memory_space<vmem>>, vector<16xf32>,
        %add3A_372 = arith.addf %add3A_348, %get3A_371 : vector<16xf32>
        %get3A_373 = arith.constant 2 : i32
        %get3A_374 = arith.index_cast %get3A_373 : i32 to index
        %get3A_375 = arith.index_cast %add3A_317 : i32 to index
        %get3A_376 = arith.constant 32 : index
        %get3A_377 = tpu.vector_load %arg6[%get3A_374, %get3A_375, %get3A_376] {strides = array<i32>} : memref<8x80x64xf32, #tpu.memory_space<vmem>>, vector<16xf32>,
        %add3A_378 = arith.addf %add3A_354, %get3A_377 : vector<16xf32>
        %get3A_379 = arith.constant 2 : i32
        %get3A_380 = arith.index_cast %get3A_379 : i32 to index
        %get3A_381 = arith.index_cast %add3A_317 : i32 to index
        %get3A_382 = arith.constant 48 : index
        %get3A_383 = tpu.vector_load %arg6[%get3A_380, %get3A_381, %get3A_382] {strides = array<i32>} : memref<8x80x64xf32, #tpu.memory_space<vmem>>, vector<16xf32>,
        %add3A_384 = arith.addf %add3A_360, %get3A_383 : vector<16xf32>
        %get3A_385 = arith.constant 3 : i32
        %get3A_386 = arith.index_cast %get3A_385 : i32 to index
        %get3A_387 = arith.index_cast %add3A_317 : i32 to index
        %get3A_388 = arith.constant 0 : index
        %get3A_389 = tpu.vector_load %arg6[%get3A_386, %get3A_387, %get3A_388] {strides = array<i32>} : memref<8x80x64xf32, #tpu.memory_space<vmem>>, vector<16xf32>,
        %add3A_390 = arith.addf %add3A_366, %get3A_389 : vector<16xf32>
        %get3A_391 = arith.constant 3 : i32
        %get3A_392 = arith.index_cast %get3A_391 : i32 to index
        %get3A_393 = arith.index_cast %add3A_317 : i32 to index
        %get3A_394 = arith.constant 16 : index
        %get3A_395 = tpu.vector_load %arg6[%get3A_392, %get3A_393, %get3A_394] {strides = array<i32>} : memref<8x80x64xf32, #tpu.memory_space<vmem>>, vector<16xf32>,
        %add3A_396 = arith.addf %add3A_372, %get3A_395 : vector<16xf32>
        %get3A_397 = arith.constant 3 : i32
        %get3A_398 = arith.index_cast %get3A_397 : i32 to index
        %get3A_399 = arith.index_cast %add3A_317 : i32 to index
        %get3A_400 = arith.constant 32 : index
        %get3A_401 = tpu.vector_load %arg6[%get3A_398, %get3A_399, %get3A_400] {strides = array<i32>} : memref<8x80x64xf32, #tpu.memory_space<vmem>>, vector<16xf32>,
        %add3A_402 = arith.addf %add3A_378, %get3A_401 : vector<16xf32>
        %get3A_403 = arith.constant 3 : i32
        %get3A_404 = arith.index_cast %get3A_403 : i32 to index
        %get3A_405 = arith.index_cast %add3A_317 : i32 to index
        %get3A_406 = arith.constant 48 : index
        %get3A_407 = tpu.vector_load %arg6[%get3A_404, %get3A_405, %get3A_406] {strides = array<i32>} : memref<8x80x64xf32, #tpu.memory_space<vmem>>, vector<16xf32>,
        %add3A_408 = arith.addf %add3A_384, %get3A_407 : vector<16xf32>
        %get3A_409 = arith.constant 4 : i32
        %get3A_410 = arith.index_cast %get3A_409 : i32 to index
        %get3A_411 = arith.index_cast %add3A_317 : i32 to index
        %get3A_412 = arith.constant 0 : index
        %get3A_413 = tpu.vector_load %arg6[%get3A_410, %get3A_411, %get3A_412] {strides = array<i32>} : memref<8x80x64xf32, #tpu.memory_space<vmem>>, vector<16xf32>,
        %add3A_414 = arith.addf %add3A_390, %get3A_413 : vector<16xf32>
        %get3A_415 = arith.constant 4 : i32
        %get3A_416 = arith.index_cast %get3A_415 : i32 to index
        %get3A_417 = arith.index_cast %add3A_317 : i32 to index
        %get3A_418 = arith.constant 16 : index
        %get3A_419 = tpu.vector_load %arg6[%get3A_416, %get3A_417, %get3A_418] {strides = array<i32>} : memref<8x80x64xf32, #tpu.memory_space<vmem>>, vector<16xf32>,
        %add3A_420 = arith.addf %add3A_396, %get3A_419 : vector<16xf32>
        %get3A_421 = arith.constant 4 : i32
        %get3A_422 = arith.index_cast %get3A_421 : i32 to index
        %get3A_423 = arith.index_cast %add3A_317 : i32 to index
        %get3A_424 = arith.constant 32 : index
        %get3A_425 = tpu.vector_load %arg6[%get3A_422, %get3A_423, %get3A_424] {strides = array<i32>} : memref<8x80x64xf32, #tpu.memory_space<vmem>>, vector<16xf32>,
        %add3A_426 = arith.addf %add3A_402, %get3A_425 : vector<16xf32>
        %get3A_427 = arith.constant 4 : i32
        %get3A_428 = arith.index_cast %get3A_427 : i32 to index
        %get3A_429 = arith.index_cast %add3A_317 : i32 to index
        %get3A_430 = arith.constant 48 : index
        %get3A_431 = tpu.vector_load %arg6[%get3A_428, %get3A_429, %get3A_430] {strides = array<i32>} : memref<8x80x64xf32, #tpu.memory_space<vmem>>, vector<16xf32>,
        %add3A_432 = arith.addf %add3A_408, %get3A_431 : vector<16xf32>
        %get3A_433 = arith.constant 5 : i32
        %get3A_434 = arith.index_cast %get3A_433 : i32 to index
        %get3A_435 = arith.index_cast %add3A_317 : i32 to index
        %get3A_436 = arith.constant 0 : index
        %get3A_437 = tpu.vector_load %arg6[%get3A_434, %get3A_435, %get3A_436] {strides = array<i32>} : memref<8x80x64xf32, #tpu.memory_space<vmem>>, vector<16xf32>,
        %add3A_438 = arith.addf %add3A_414, %get3A_437 : vector<16xf32>
        %get3A_439 = arith.constant 5 : i32
        %get3A_440 = arith.index_cast %get3A_439 : i32 to index
        %get3A_441 = arith.index_cast %add3A_317 : i32 to index
        %get3A_442 = arith.constant 16 : index
        %get3A_443 = tpu.vector_load %arg6[%get3A_440, %get3A_441, %get3A_442] {strides = array<i32>} : memref<8x80x64xf32, #tpu.memory_space<vmem>>, vector<16xf32>,
        %add3A_444 = arith.addf %add3A_420, %get3A_443 : vector<16xf32>
        %get3A_445 = arith.constant 5 : i32
        %get3A_446 = arith.index_cast %get3A_445 : i32 to index
        %get3A_447 = arith.index_cast %add3A_317 : i32 to index
        %get3A_448 = arith.constant 32 : index
        %get3A_449 = tpu.vector_load %arg6[%get3A_446, %get3A_447, %get3A_448] {strides = array<i32>} : memref<8x80x64xf32, #tpu.memory_space<vmem>>, vector<16xf32>,
        %add3A_450 = arith.addf %add3A_426, %get3A_449 : vector<16xf32>
        %get3A_451 = arith.constant 5 : i32
        %get3A_452 = arith.index_cast %get3A_451 : i32 to index
        %get3A_453 = arith.index_cast %add3A_317 : i32 to index
        %get3A_454 = arith.constant 48 : index
        %get3A_455 = tpu.vector_load %arg6[%get3A_452, %get3A_453, %get3A_454] {strides = array<i32>} : memref<8x80x64xf32, #tpu.memory_space<vmem>>, vector<16xf32>,
        %add3A_456 = arith.addf %add3A_432, %get3A_455 : vector<16xf32>
        %get3A_457 = arith.constant 6 : i32
        %get3A_458 = arith.index_cast %get3A_457 : i32 to index
        %get3A_459 = arith.index_cast %add3A_317 : i32 to index
        %get3A_460 = arith.constant 0 : index
        %get3A_461 = tpu.vector_load %arg6[%get3A_458, %get3A_459, %get3A_460] {strides = array<i32>} : memref<8x80x64xf32, #tpu.memory_space<vmem>>, vector<16xf32>,
        %add3A_462 = arith.addf %add3A_438, %get3A_461 : vector<16xf32>
        %get3A_463 = arith.constant 6 : i32
        %get3A_464 = arith.index_cast %get3A_463 : i32 to index
        %get3A_465 = arith.index_cast %add3A_317 : i32 to index
        %get3A_466 = arith.constant 16 : index
        %get3A_467 = tpu.vector_load %arg6[%get3A_464, %get3A_465, %get3A_466] {strides = array<i32>} : memref<8x80x64xf32, #tpu.memory_space<vmem>>, vector<16xf32>,
        %add3A_468 = arith.addf %add3A_444, %get3A_467 : vector<16xf32>
        %get3A_469 = arith.constant 6 : i32
        %get3A_470 = arith.index_cast %get3A_469 : i32 to index
        %get3A_471 = arith.index_cast %add3A_317 : i32 to index
        %get3A_472 = arith.constant 32 : index
        %get3A_473 = tpu.vector_load %arg6[%get3A_470, %get3A_471, %get3A_472] {strides = array<i32>} : memref<8x80x64xf32, #tpu.memory_space<vmem>>, vector<16xf32>,
        %add3A_474 = arith.addf %add3A_450, %get3A_473 : vector<16xf32>
        %get3A_475 = arith.constant 6 : i32
        %get3A_476 = arith.index_cast %get3A_475 : i32 to index
        %get3A_477 = arith.index_cast %add3A_317 : i32 to index
        %get3A_478 = arith.constant 48 : index
        %get3A_479 = tpu.vector_load %arg6[%get3A_476, %get3A_477, %get3A_478] {strides = array<i32>} : memref<8x80x64xf32, #tpu.memory_space<vmem>>, vector<16xf32>,
        %add3A_480 = arith.addf %add3A_456, %get3A_479 : vector<16xf32>
        %get3A_481 = arith.constant 7 : i32
        %get3A_482 = arith.index_cast %get3A_481 : i32 to index
        %get3A_483 = arith.index_cast %add3A_317 : i32 to index
        %get3A_484 = arith.constant 0 : index
        %get3A_485 = tpu.vector_load %arg6[%get3A_482, %get3A_483, %get3A_484] {strides = array<i32>} : memref<8x80x64xf32, #tpu.memory_space<vmem>>, vector<16xf32>,
        %add3A_486 = arith.addf %add3A_462, %get3A_485 : vector<16xf32>
        %get3A_487 = arith.constant 7 : i32
        %get3A_488 = arith.index_cast %get3A_487 : i32 to index
        %get3A_489 = arith.index_cast %add3A_317 : i32 to index
        %get3A_490 = arith.constant 16 : index
        %get3A_491 = tpu.vector_load %arg6[%get3A_488, %get3A_489, %get3A_490] {strides = array<i32>} : memref<8x80x64xf32, #tpu.memory_space<vmem>>, vector<16xf32>,
        %add3A_492 = arith.addf %add3A_468, %get3A_491 : vector<16xf32>
        %get3A_493 = arith.constant 7 : i32
        %get3A_494 = arith.index_cast %get3A_493 : i32 to index
        %get3A_495 = arith.index_cast %add3A_317 : i32 to index
        %get3A_496 = arith.constant 32 : index
        %get3A_497 = tpu.vector_load %arg6[%get3A_494, %get3A_495, %get3A_496] {strides = array<i32>} : memref<8x80x64xf32, #tpu.memory_space<vmem>>, vector<16xf32>,
        %add3A_498 = arith.addf %add3A_474, %get3A_497 : vector<16xf32>
        %get3A_499 = arith.constant 7 : i32
        %get3A_500 = arith.index_cast %get3A_499 : i32 to index
        %get3A_501 = arith.index_cast %add3A_317 : i32 to index
        %get3A_502 = arith.constant 48 : index
        %get3A_503 = tpu.vector_load %arg6[%get3A_500, %get3A_501, %get3A_502] {strides = array<i32>} : memref<8x80x64xf32, #tpu.memory_space<vmem>>, vector<16xf32>,
        %add3A_504 = arith.addf %add3A_480, %get3A_503 : vector<16xf32>
        %broadcast_in_dim3A = vector.broadcast %add3A_317 : i32 to vector<16xi32>
        tpu.vector_store_idx %arg8[%add3A_276, %broadcast_in_dim3A], %add3A_486 : memref<64x81xf32, #tpu.memory_space<vmem>>[vector<16xi32>, vector<16xi32>], vector<16xf32>,
        tpu.vector_store_idx %arg8[%add3A_279, %broadcast_in_dim3A], %add3A_492 : memref<64x81xf32, #tpu.memory_space<vmem>>[vector<16xi32>, vector<16xi32>], vector<16xf32>,
        tpu.vector_store_idx %arg8[%add3A_282, %broadcast_in_dim3A], %add3A_498 : memref<64x81xf32, #tpu.memory_space<vmem>>[vector<16xi32>, vector<16xi32>], vector<16xf32>,
        tpu.vector_store_idx %arg8[%add3A_285, %broadcast_in_dim3A], %add3A_504 : memref<64x81xf32, #tpu.memory_space<vmem>>[vector<16xi32>, vector<16xi32>], vector<16xf32>,
        %mul3A_505 = arith.constant 4 : i32
        %mul3A_506 = arith.muli %scan3A_313, %mul3A_505 : i32
        %add3A_507 = arith.constant 1 : i32
        %add3A_508 = arith.addi %mul3A_506, %add3A_507 : i32
        %get3A_509 = arith.constant 0 : i32
        %get3A_510 = arith.index_cast %get3A_509 : i32 to index
        %get3A_511 = arith.index_cast %add3A_508 : i32 to index
        %get3A_512 = arith.constant 0 : index
        %get3A_513 = tpu.vector_load %arg6[%get3A_510, %get3A_511, %get3A_512] {strides = array<i32>} : memref<8x80x64xf32, #tpu.memory_space<vmem>>, vector<16xf32>,
        %get3A_514 = arith.constant 0 : i32
        %get3A_515 = arith.index_cast %get3A_514 : i32 to index
        %get3A_516 = arith.index_cast %add3A_508 : i32 to index
        %get3A_517 = arith.constant 16 : index
        %get3A_518 = tpu.vector_load %arg6[%get3A_515, %get3A_516, %get3A_517] {strides = array<i32>} : memref<8x80x64xf32, #tpu.memory_space<vmem>>, vector<16xf32>,
        %get3A_519 = arith.constant 0 : i32
        %get3A_520 = arith.index_cast %get3A_519 : i32 to index
        %get3A_521 = arith.index_cast %add3A_508 : i32 to index
        %get3A_522 = arith.constant 32 : index
        %get3A_523 = tpu.vector_load %arg6[%get3A_520, %get3A_521, %get3A_522] {strides = array<i32>} : memref<8x80x64xf32, #tpu.memory_space<vmem>>, vector<16xf32>,
        %get3A_524 = arith.constant 0 : i32
        %get3A_525 = arith.index_cast %get3A_524 : i32 to index
        %get3A_526 = arith.index_cast %add3A_508 : i32 to index
        %get3A_527 = arith.constant 48 : index
        %get3A_528 = tpu.vector_load %arg6[%get3A_525, %get3A_526, %get3A_527] {strides = array<i32>} : memref<8x80x64xf32, #tpu.memory_space<vmem>>, vector<16xf32>,
        %get3A_529 = arith.constant 1 : i32
        %get3A_530 = arith.index_cast %get3A_529 : i32 to index
        %get3A_531 = arith.index_cast %add3A_508 : i32 to index
        %get3A_532 = arith.constant 0 : index
        %get3A_533 = tpu.vector_load %arg6[%get3A_530, %get3A_531, %get3A_532] {strides = array<i32>} : memref<8x80x64xf32, #tpu.memory_space<vmem>>, vector<16xf32>,
        %add3A_534 = arith.addf %get3A_513, %get3A_533 : vector<16xf32>
        %get3A_535 = arith.constant 1 : i32
        %get3A_536 = arith.index_cast %get3A_535 : i32 to index
        %get3A_537 = arith.index_cast %add3A_508 : i32 to index
        %get3A_538 = arith.constant 16 : index
        %get3A_539 = tpu.vector_load %arg6[%get3A_536, %get3A_537, %get3A_538] {strides = array<i32>} : memref<8x80x64xf32, #tpu.memory_space<vmem>>, vector<16xf32>,
        %add3A_540 = arith.addf %get3A_518, %get3A_539 : vector<16xf32>
        %get3A_541 = arith.constant 1 : i32
        %get3A_542 = arith.index_cast %get3A_541 : i32 to index
        %get3A_543 = arith.index_cast %add3A_508 : i32 to index
        %get3A_544 = arith.constant 32 : index
        %get3A_545 = tpu.vector_load %arg6[%get3A_542, %get3A_543, %get3A_544] {strides = array<i32>} : memref<8x80x64xf32, #tpu.memory_space<vmem>>, vector<16xf32>,
        %add3A_546 = arith.addf %get3A_523, %get3A_545 : vector<16xf32>
        %get3A_547 = arith.constant 1 : i32
        %get3A_548 = arith.index_cast %get3A_547 : i32 to index
        %get3A_549 = arith.index_cast %add3A_508 : i32 to index
        %get3A_550 = arith.constant 48 : index
        %get3A_551 = tpu.vector_load %arg6[%get3A_548, %get3A_549, %get3A_550] {strides = array<i32>} : memref<8x80x64xf32, #tpu.memory_space<vmem>>, vector<16xf32>,
        %add3A_552 = arith.addf %get3A_528, %get3A_551 : vector<16xf32>
        %get3A_553 = arith.constant 2 : i32
        %get3A_554 = arith.index_cast %get3A_553 : i32 to index
        %get3A_555 = arith.index_cast %add3A_508 : i32 to index
        %get3A_556 = arith.constant 0 : index
        %get3A_557 = tpu.vector_load %arg6[%get3A_554, %get3A_555, %get3A_556] {strides = array<i32>} : memref<8x80x64xf32, #tpu.memory_space<vmem>>, vector<16xf32>,
        %add3A_558 = arith.addf %add3A_534, %get3A_557 : vector<16xf32>
        %get3A_559 = arith.constant 2 : i32
        %get3A_560 = arith.index_cast %get3A_559 : i32 to index
        %get3A_561 = arith.index_cast %add3A_508 : i32 to index
        %get3A_562 = arith.constant 16 : index
        %get3A_563 = tpu.vector_load %arg6[%get3A_560, %get3A_561, %get3A_562] {strides = array<i32>} : memref<8x80x64xf32, #tpu.memory_space<vmem>>, vector<16xf32>,
        %add3A_564 = arith.addf %add3A_540, %get3A_563 : vector<16xf32>
        %get3A_565 = arith.constant 2 : i32
        %get3A_566 = arith.index_cast %get3A_565 : i32 to index
        %get3A_567 = arith.index_cast %add3A_508 : i32 to index
        %get3A_568 = arith.constant 32 : index
        %get3A_569 = tpu.vector_load %arg6[%get3A_566, %get3A_567, %get3A_568] {strides = array<i32>} : memref<8x80x64xf32, #tpu.memory_space<vmem>>, vector<16xf32>,
        %add3A_570 = arith.addf %add3A_546, %get3A_569 : vector<16xf32>
        %get3A_571 = arith.constant 2 : i32
        %get3A_572 = arith.index_cast %get3A_571 : i32 to index
        %get3A_573 = arith.index_cast %add3A_508 : i32 to index
        %get3A_574 = arith.constant 48 : index
        %get3A_575 = tpu.vector_load %arg6[%get3A_572, %get3A_573, %get3A_574] {strides = array<i32>} : memref<8x80x64xf32, #tpu.memory_space<vmem>>, vector<16xf32>,
        %add3A_576 = arith.addf %add3A_552, %get3A_575 : vector<16xf32>
        %get3A_577 = arith.constant 3 : i32
        %get3A_578 = arith.index_cast %get3A_577 : i32 to index
        %get3A_579 = arith.index_cast %add3A_508 : i32 to index
        %get3A_580 = arith.constant 0 : index
        %get3A_581 = tpu.vector_load %arg6[%get3A_578, %get3A_579, %get3A_580] {strides = array<i32>} : memref<8x80x64xf32, #tpu.memory_space<vmem>>, vector<16xf32>,
        %add3A_582 = arith.addf %add3A_558, %get3A_581 : vector<16xf32>
        %get3A_583 = arith.constant 3 : i32
        %get3A_584 = arith.index_cast %get3A_583 : i32 to index
        %get3A_585 = arith.index_cast %add3A_508 : i32 to index
        %get3A_586 = arith.constant 16 : index
        %get3A_587 = tpu.vector_load %arg6[%get3A_584, %get3A_585, %get3A_586] {strides = array<i32>} : memref<8x80x64xf32, #tpu.memory_space<vmem>>, vector<16xf32>,
        %add3A_588 = arith.addf %add3A_564, %get3A_587 : vector<16xf32>
        %get3A_589 = arith.constant 3 : i32
        %get3A_590 = arith.index_cast %get3A_589 : i32 to index
        %get3A_591 = arith.index_cast %add3A_508 : i32 to index
        %get3A_592 = arith.constant 32 : index
        %get3A_593 = tpu.vector_load %arg6[%get3A_590, %get3A_591, %get3A_592] {strides = array<i32>} : memref<8x80x64xf32, #tpu.memory_space<vmem>>, vector<16xf32>,
        %add3A_594 = arith.addf %add3A_570, %get3A_593 : vector<16xf32>
        %get3A_595 = arith.constant 3 : i32
        %get3A_596 = arith.index_cast %get3A_595 : i32 to index
        %get3A_597 = arith.index_cast %add3A_508 : i32 to index
        %get3A_598 = arith.constant 48 : index
        %get3A_599 = tpu.vector_load %arg6[%get3A_596, %get3A_597, %get3A_598] {strides = array<i32>} : memref<8x80x64xf32, #tpu.memory_space<vmem>>, vector<16xf32>,
        %add3A_600 = arith.addf %add3A_576, %get3A_599 : vector<16xf32>
        %get3A_601 = arith.constant 4 : i32
        %get3A_602 = arith.index_cast %get3A_601 : i32 to index
        %get3A_603 = arith.index_cast %add3A_508 : i32 to index
        %get3A_604 = arith.constant 0 : index
        %get3A_605 = tpu.vector_load %arg6[%get3A_602, %get3A_603, %get3A_604] {strides = array<i32>} : memref<8x80x64xf32, #tpu.memory_space<vmem>>, vector<16xf32>,
        %add3A_606 = arith.addf %add3A_582, %get3A_605 : vector<16xf32>
        %get3A_607 = arith.constant 4 : i32
        %get3A_608 = arith.index_cast %get3A_607 : i32 to index
        %get3A_609 = arith.index_cast %add3A_508 : i32 to index
        %get3A_610 = arith.constant 16 : index
        %get3A_611 = tpu.vector_load %arg6[%get3A_608, %get3A_609, %get3A_610] {strides = array<i32>} : memref<8x80x64xf32, #tpu.memory_space<vmem>>, vector<16xf32>,
        %add3A_612 = arith.addf %add3A_588, %get3A_611 : vector<16xf32>
        %get3A_613 = arith.constant 4 : i32
        %get3A_614 = arith.index_cast %get3A_613 : i32 to index
        %get3A_615 = arith.index_cast %add3A_508 : i32 to index
        %get3A_616 = arith.constant 32 : index
        %get3A_617 = tpu.vector_load %arg6[%get3A_614, %get3A_615, %get3A_616] {strides = array<i32>} : memref<8x80x64xf32, #tpu.memory_space<vmem>>, vector<16xf32>,
        %add3A_618 = arith.addf %add3A_594, %get3A_617 : vector<16xf32>
        %get3A_619 = arith.constant 4 : i32
        %get3A_620 = arith.index_cast %get3A_619 : i32 to index
        %get3A_621 = arith.index_cast %add3A_508 : i32 to index
        %get3A_622 = arith.constant 48 : index
        %get3A_623 = tpu.vector_load %arg6[%get3A_620, %get3A_621, %get3A_622] {strides = array<i32>} : memref<8x80x64xf32, #tpu.memory_space<vmem>>, vector<16xf32>,
        %add3A_624 = arith.addf %add3A_600, %get3A_623 : vector<16xf32>
        %get3A_625 = arith.constant 5 : i32
        %get3A_626 = arith.index_cast %get3A_625 : i32 to index
        %get3A_627 = arith.index_cast %add3A_508 : i32 to index
        %get3A_628 = arith.constant 0 : index
        %get3A_629 = tpu.vector_load %arg6[%get3A_626, %get3A_627, %get3A_628] {strides = array<i32>} : memref<8x80x64xf32, #tpu.memory_space<vmem>>, vector<16xf32>,
        %add3A_630 = arith.addf %add3A_606, %get3A_629 : vector<16xf32>
        %get3A_631 = arith.constant 5 : i32
        %get3A_632 = arith.index_cast %get3A_631 : i32 to index
        %get3A_633 = arith.index_cast %add3A_508 : i32 to index
        %get3A_634 = arith.constant 16 : index
        %get3A_635 = tpu.vector_load %arg6[%get3A_632, %get3A_633, %get3A_634] {strides = array<i32>} : memref<8x80x64xf32, #tpu.memory_space<vmem>>, vector<16xf32>,
        %add3A_636 = arith.addf %add3A_612, %get3A_635 : vector<16xf32>
        %get3A_637 = arith.constant 5 : i32
        %get3A_638 = arith.index_cast %get3A_637 : i32 to index
        %get3A_639 = arith.index_cast %add3A_508 : i32 to index
        %get3A_640 = arith.constant 32 : index
        %get3A_641 = tpu.vector_load %arg6[%get3A_638, %get3A_639, %get3A_640] {strides = array<i32>} : memref<8x80x64xf32, #tpu.memory_space<vmem>>, vector<16xf32>,
        %add3A_642 = arith.addf %add3A_618, %get3A_641 : vector<16xf32>
        %get3A_643 = arith.constant 5 : i32
        %get3A_644 = arith.index_cast %get3A_643 : i32 to index
        %get3A_645 = arith.index_cast %add3A_508 : i32 to index
        %get3A_646 = arith.constant 48 : index
        %get3A_647 = tpu.vector_load %arg6[%get3A_644, %get3A_645, %get3A_646] {strides = array<i32>} : memref<8x80x64xf32, #tpu.memory_space<vmem>>, vector<16xf32>,
        %add3A_648 = arith.addf %add3A_624, %get3A_647 : vector<16xf32>
        %get3A_649 = arith.constant 6 : i32
        %get3A_650 = arith.index_cast %get3A_649 : i32 to index
        %get3A_651 = arith.index_cast %add3A_508 : i32 to index
        %get3A_652 = arith.constant 0 : index
        %get3A_653 = tpu.vector_load %arg6[%get3A_650, %get3A_651, %get3A_652] {strides = array<i32>} : memref<8x80x64xf32, #tpu.memory_space<vmem>>, vector<16xf32>,
        %add3A_654 = arith.addf %add3A_630, %get3A_653 : vector<16xf32>
        %get3A_655 = arith.constant 6 : i32
        %get3A_656 = arith.index_cast %get3A_655 : i32 to index
        %get3A_657 = arith.index_cast %add3A_508 : i32 to index
        %get3A_658 = arith.constant 16 : index
        %get3A_659 = tpu.vector_load %arg6[%get3A_656, %get3A_657, %get3A_658] {strides = array<i32>} : memref<8x80x64xf32, #tpu.memory_space<vmem>>, vector<16xf32>,
        %add3A_660 = arith.addf %add3A_636, %get3A_659 : vector<16xf32>
        %get3A_661 = arith.constant 6 : i32
        %get3A_662 = arith.index_cast %get3A_661 : i32 to index
        %get3A_663 = arith.index_cast %add3A_508 : i32 to index
        %get3A_664 = arith.constant 32 : index
        %get3A_665 = tpu.vector_load %arg6[%get3A_662, %get3A_663, %get3A_664] {strides = array<i32>} : memref<8x80x64xf32, #tpu.memory_space<vmem>>, vector<16xf32>,
        %add3A_666 = arith.addf %add3A_642, %get3A_665 : vector<16xf32>
        %get3A_667 = arith.constant 6 : i32
        %get3A_668 = arith.index_cast %get3A_667 : i32 to index
        %get3A_669 = arith.index_cast %add3A_508 : i32 to index
        %get3A_670 = arith.constant 48 : index
        %get3A_671 = tpu.vector_load %arg6[%get3A_668, %get3A_669, %get3A_670] {strides = array<i32>} : memref<8x80x64xf32, #tpu.memory_space<vmem>>, vector<16xf32>,
        %add3A_672 = arith.addf %add3A_648, %get3A_671 : vector<16xf32>
        %get3A_673 = arith.constant 7 : i32
        %get3A_674 = arith.index_cast %get3A_673 : i32 to index
        %get3A_675 = arith.index_cast %add3A_508 : i32 to index
        %get3A_676 = arith.constant 0 : index
        %get3A_677 = tpu.vector_load %arg6[%get3A_674, %get3A_675, %get3A_676] {strides = array<i32>} : memref<8x80x64xf32, #tpu.memory_space<vmem>>, vector<16xf32>,
        %add3A_678 = arith.addf %add3A_654, %get3A_677 : vector<16xf32>
        %get3A_679 = arith.constant 7 : i32
        %get3A_680 = arith.index_cast %get3A_679 : i32 to index
        %get3A_681 = arith.index_cast %add3A_508 : i32 to index
        %get3A_682 = arith.constant 16 : index
        %get3A_683 = tpu.vector_load %arg6[%get3A_680, %get3A_681, %get3A_682] {strides = array<i32>} : memref<8x80x64xf32, #tpu.memory_space<vmem>>, vector<16xf32>,
        %add3A_684 = arith.addf %add3A_660, %get3A_683 : vector<16xf32>
        %get3A_685 = arith.constant 7 : i32
        %get3A_686 = arith.index_cast %get3A_685 : i32 to index
        %get3A_687 = arith.index_cast %add3A_508 : i32 to index
        %get3A_688 = arith.constant 32 : index
        %get3A_689 = tpu.vector_load %arg6[%get3A_686, %get3A_687, %get3A_688] {strides = array<i32>} : memref<8x80x64xf32, #tpu.memory_space<vmem>>, vector<16xf32>,
        %add3A_690 = arith.addf %add3A_666, %get3A_689 : vector<16xf32>
        %get3A_691 = arith.constant 7 : i32
        %get3A_692 = arith.index_cast %get3A_691 : i32 to index
        %get3A_693 = arith.index_cast %add3A_508 : i32 to index
        %get3A_694 = arith.constant 48 : index
        %get3A_695 = tpu.vector_load %arg6[%get3A_692, %get3A_693, %get3A_694] {strides = array<i32>} : memref<8x80x64xf32, #tpu.memory_space<vmem>>, vector<16xf32>,
        %add3A_696 = arith.addf %add3A_672, %get3A_695 : vector<16xf32>
        %broadcast_in_dim3A_697 = vector.broadcast %add3A_508 : i32 to vector<16xi32>
        tpu.vector_store_idx %arg8[%add3A_276, %broadcast_in_dim3A_697], %add3A_678 : memref<64x81xf32, #tpu.memory_space<vmem>>[vector<16xi32>, vector<16xi32>], vector<16xf32>,
        tpu.vector_store_idx %arg8[%add3A_279, %broadcast_in_dim3A_697], %add3A_684 : memref<64x81xf32, #tpu.memory_space<vmem>>[vector<16xi32>, vector<16xi32>], vector<16xf32>,
        tpu.vector_store_idx %arg8[%add3A_282, %broadcast_in_dim3A_697], %add3A_690 : memref<64x81xf32, #tpu.memory_space<vmem>>[vector<16xi32>, vector<16xi32>], vector<16xf32>,
        tpu.vector_store_idx %arg8[%add3A_285, %broadcast_in_dim3A_697], %add3A_696 : memref<64x81xf32, #tpu.memory_space<vmem>>[vector<16xi32>, vector<16xi32>], vector<16xf32>,
        %mul3A_698 = arith.constant 4 : i32
        %mul3A_699 = arith.muli %scan3A_313, %mul3A_698 : i32
        %add3A_700 = arith.constant 2 : i32
        %add3A_701 = arith.addi %mul3A_699, %add3A_700 : i32
        %get3A_702 = arith.constant 0 : i32
        %get3A_703 = arith.index_cast %get3A_702 : i32 to index
        %get3A_704 = arith.index_cast %add3A_701 : i32 to index
        %get3A_705 = arith.constant 0 : index
        %get3A_706 = tpu.vector_load %arg6[%get3A_703, %get3A_704, %get3A_705] {strides = array<i32>} : memref<8x80x64xf32, #tpu.memory_space<vmem>>, vector<16xf32>,
        %get3A_707 = arith.constant 0 : i32
        %get3A_708 = arith.index_cast %get3A_707 : i32 to index
        %get3A_709 = arith.index_cast %add3A_701 : i32 to index
        %get3A_710 = arith.constant 16 : index
        %get3A_711 = tpu.vector_load %arg6[%get3A_708, %get3A_709, %get3A_710] {strides = array<i32>} : memref<8x80x64xf32, #tpu.memory_space<vmem>>, vector<16xf32>,
        %get3A_712 = arith.constant 0 : i32
        %get3A_713 = arith.index_cast %get3A_712 : i32 to index
        %get3A_714 = arith.index_cast %add3A_701 : i32 to index
        %get3A_715 = arith.constant 32 : index
        %get3A_716 = tpu.vector_load %arg6[%get3A_713, %get3A_714, %get3A_715] {strides = array<i32>} : memref<8x80x64xf32, #tpu.memory_space<vmem>>, vector<16xf32>,
        %get3A_717 = arith.constant 0 : i32
        %get3A_718 = arith.index_cast %get3A_717 : i32 to index
        %get3A_719 = arith.index_cast %add3A_701 : i32 to index
        %get3A_720 = arith.constant 48 : index
        %get3A_721 = tpu.vector_load %arg6[%get3A_718, %get3A_719, %get3A_720] {strides = array<i32>} : memref<8x80x64xf32, #tpu.memory_space<vmem>>, vector<16xf32>,
        %get3A_722 = arith.constant 1 : i32
        %get3A_723 = arith.index_cast %get3A_722 : i32 to index
        %get3A_724 = arith.index_cast %add3A_701 : i32 to index
        %get3A_725 = arith.constant 0 : index
        %get3A_726 = tpu.vector_load %arg6[%get3A_723, %get3A_724, %get3A_725] {strides = array<i32>} : memref<8x80x64xf32, #tpu.memory_space<vmem>>, vector<16xf32>,
        %add3A_727 = arith.addf %get3A_706, %get3A_726 : vector<16xf32>
        %get3A_728 = arith.constant 1 : i32
        %get3A_729 = arith.index_cast %get3A_728 : i32 to index
        %get3A_730 = arith.index_cast %add3A_701 : i32 to index
        %get3A_731 = arith.constant 16 : index
        %get3A_732 = tpu.vector_load %arg6[%get3A_729, %get3A_730, %get3A_731] {strides = array<i32>} : memref<8x80x64xf32, #tpu.memory_space<vmem>>, vector<16xf32>,
        %add3A_733 = arith.addf %get3A_711, %get3A_732 : vector<16xf32>
        %get3A_734 = arith.constant 1 : i32
        %get3A_735 = arith.index_cast %get3A_734 : i32 to index
        %get3A_736 = arith.index_cast %add3A_701 : i32 to index
        %get3A_737 = arith.constant 32 : index
        %get3A_738 = tpu.vector_load %arg6[%get3A_735, %get3A_736, %get3A_737] {strides = array<i32>} : memref<8x80x64xf32, #tpu.memory_space<vmem>>, vector<16xf32>,
        %add3A_739 = arith.addf %get3A_716, %get3A_738 : vector<16xf32>
        %get3A_740 = arith.constant 1 : i32
        %get3A_741 = arith.index_cast %get3A_740 : i32 to index
        %get3A_742 = arith.index_cast %add3A_701 : i32 to index
        %get3A_743 = arith.constant 48 : index
        %get3A_744 = tpu.vector_load %arg6[%get3A_741, %get3A_742, %get3A_743] {strides = array<i32>} : memref<8x80x64xf32, #tpu.memory_space<vmem>>, vector<16xf32>,
        %add3A_745 = arith.addf %get3A_721, %get3A_744 : vector<16xf32>
        %get3A_746 = arith.constant 2 : i32
        %get3A_747 = arith.index_cast %get3A_746 : i32 to index
        %get3A_748 = arith.index_cast %add3A_701 : i32 to index
        %get3A_749 = arith.constant 0 : index
        %get3A_750 = tpu.vector_load %arg6[%get3A_747, %get3A_748, %get3A_749] {strides = array<i32>} : memref<8x80x64xf32, #tpu.memory_space<vmem>>, vector<16xf32>,
        %add3A_751 = arith.addf %add3A_727, %get3A_750 : vector<16xf32>
        %get3A_752 = arith.constant 2 : i32
        %get3A_753 = arith.index_cast %get3A_752 : i32 to index
        %get3A_754 = arith.index_cast %add3A_701 : i32 to index
        %get3A_755 = arith.constant 16 : index
        %get3A_756 = tpu.vector_load %arg6[%get3A_753, %get3A_754, %get3A_755] {strides = array<i32>} : memref<8x80x64xf32, #tpu.memory_space<vmem>>, vector<16xf32>,
        %add3A_757 = arith.addf %add3A_733, %get3A_756 : vector<16xf32>
        %get3A_758 = arith.constant 2 : i32
        %get3A_759 = arith.index_cast %get3A_758 : i32 to index
        %get3A_760 = arith.index_cast %add3A_701 : i32 to index
        %get3A_761 = arith.constant 32 : index
        %get3A_762 = tpu.vector_load %arg6[%get3A_759, %get3A_760, %get3A_761] {strides = array<i32>} : memref<8x80x64xf32, #tpu.memory_space<vmem>>, vector<16xf32>,
        %add3A_763 = arith.addf %add3A_739, %get3A_762 : vector<16xf32>
        %get3A_764 = arith.constant 2 : i32
        %get3A_765 = arith.index_cast %get3A_764 : i32 to index
        %get3A_766 = arith.index_cast %add3A_701 : i32 to index
        %get3A_767 = arith.constant 48 : index
        %get3A_768 = tpu.vector_load %arg6[%get3A_765, %get3A_766, %get3A_767] {strides = array<i32>} : memref<8x80x64xf32, #tpu.memory_space<vmem>>, vector<16xf32>,
        %add3A_769 = arith.addf %add3A_745, %get3A_768 : vector<16xf32>
        %get3A_770 = arith.constant 3 : i32
        %get3A_771 = arith.index_cast %get3A_770 : i32 to index
        %get3A_772 = arith.index_cast %add3A_701 : i32 to index
        %get3A_773 = arith.constant 0 : index
        %get3A_774 = tpu.vector_load %arg6[%get3A_771, %get3A_772, %get3A_773] {strides = array<i32>} : memref<8x80x64xf32, #tpu.memory_space<vmem>>, vector<16xf32>,
        %add3A_775 = arith.addf %add3A_751, %get3A_774 : vector<16xf32>
        %get3A_776 = arith.constant 3 : i32
        %get3A_777 = arith.index_cast %get3A_776 : i32 to index
        %get3A_778 = arith.index_cast %add3A_701 : i32 to index
        %get3A_779 = arith.constant 16 : index
        %get3A_780 = tpu.vector_load %arg6[%get3A_777, %get3A_778, %get3A_779] {strides = array<i32>} : memref<8x80x64xf32, #tpu.memory_space<vmem>>, vector<16xf32>,
        %add3A_781 = arith.addf %add3A_757, %get3A_780 : vector<16xf32>
        %get3A_782 = arith.constant 3 : i32
        %get3A_783 = arith.index_cast %get3A_782 : i32 to index
        %get3A_784 = arith.index_cast %add3A_701 : i32 to index
        %get3A_785 = arith.constant 32 : index
        %get3A_786 = tpu.vector_load %arg6[%get3A_783, %get3A_784, %get3A_785] {strides = array<i32>} : memref<8x80x64xf32, #tpu.memory_space<vmem>>, vector<16xf32>,
        %add3A_787 = arith.addf %add3A_763, %get3A_786 : vector<16xf32>
        %get3A_788 = arith.constant 3 : i32
        %get3A_789 = arith.index_cast %get3A_788 : i32 to index
        %get3A_790 = arith.index_cast %add3A_701 : i32 to index
        %get3A_791 = arith.constant 48 : index
        %get3A_792 = tpu.vector_load %arg6[%get3A_789, %get3A_790, %get3A_791] {strides = array<i32>} : memref<8x80x64xf32, #tpu.memory_space<vmem>>, vector<16xf32>,
        %add3A_793 = arith.addf %add3A_769, %get3A_792 : vector<16xf32>
        %get3A_794 = arith.constant 4 : i32
        %get3A_795 = arith.index_cast %get3A_794 : i32 to index
        %get3A_796 = arith.index_cast %add3A_701 : i32 to index
        %get3A_797 = arith.constant 0 : index
        %get3A_798 = tpu.vector_load %arg6[%get3A_795, %get3A_796, %get3A_797] {strides = array<i32>} : memref<8x80x64xf32, #tpu.memory_space<vmem>>, vector<16xf32>,
        %add3A_799 = arith.addf %add3A_775, %get3A_798 : vector<16xf32>
        %get3A_800 = arith.constant 4 : i32
        %get3A_801 = arith.index_cast %get3A_800 : i32 to index
        %get3A_802 = arith.index_cast %add3A_701 : i32 to index
        %get3A_803 = arith.constant 16 : index
        %get3A_804 = tpu.vector_load %arg6[%get3A_801, %get3A_802, %get3A_803] {strides = array<i32>} : memref<8x80x64xf32, #tpu.memory_space<vmem>>, vector<16xf32>,
        %add3A_805 = arith.addf %add3A_781, %get3A_804 : vector<16xf32>
        %get3A_806 = arith.constant 4 : i32
        %get3A_807 = arith.index_cast %get3A_806 : i32 to index
        %get3A_808 = arith.index_cast %add3A_701 : i32 to index
        %get3A_809 = arith.constant 32 : index
        %get3A_810 = tpu.vector_load %arg6[%get3A_807, %get3A_808, %get3A_809] {strides = array<i32>} : memref<8x80x64xf32, #tpu.memory_space<vmem>>, vector<16xf32>,
        %add3A_811 = arith.addf %add3A_787, %get3A_810 : vector<16xf32>
        %get3A_812 = arith.constant 4 : i32
        %get3A_813 = arith.index_cast %get3A_812 : i32 to index
        %get3A_814 = arith.index_cast %add3A_701 : i32 to index
        %get3A_815 = arith.constant 48 : index
        %get3A_816 = tpu.vector_load %arg6[%get3A_813, %get3A_814, %get3A_815] {strides = array<i32>} : memref<8x80x64xf32, #tpu.memory_space<vmem>>, vector<16xf32>,
        %add3A_817 = arith.addf %add3A_793, %get3A_816 : vector<16xf32>
        %get3A_818 = arith.constant 5 : i32
        %get3A_819 = arith.index_cast %get3A_818 : i32 to index
        %get3A_820 = arith.index_cast %add3A_701 : i32 to index
        %get3A_821 = arith.constant 0 : index
        %get3A_822 = tpu.vector_load %arg6[%get3A_819, %get3A_820, %get3A_821] {strides = array<i32>} : memref<8x80x64xf32, #tpu.memory_space<vmem>>, vector<16xf32>,
        %add3A_823 = arith.addf %add3A_799, %get3A_822 : vector<16xf32>
        %get3A_824 = arith.constant 5 : i32
        %get3A_825 = arith.index_cast %get3A_824 : i32 to index
        %get3A_826 = arith.index_cast %add3A_701 : i32 to index
        %get3A_827 = arith.constant 16 : index
        %get3A_828 = tpu.vector_load %arg6[%get3A_825, %get3A_826, %get3A_827] {strides = array<i32>} : memref<8x80x64xf32, #tpu.memory_space<vmem>>, vector<16xf32>,
        %add3A_829 = arith.addf %add3A_805, %get3A_828 : vector<16xf32>
        %get3A_830 = arith.constant 5 : i32
        %get3A_831 = arith.index_cast %get3A_830 : i32 to index
        %get3A_832 = arith.index_cast %add3A_701 : i32 to index
        %get3A_833 = arith.constant 32 : index
        %get3A_834 = tpu.vector_load %arg6[%get3A_831, %get3A_832, %get3A_833] {strides = array<i32>} : memref<8x80x64xf32, #tpu.memory_space<vmem>>, vector<16xf32>,
        %add3A_835 = arith.addf %add3A_811, %get3A_834 : vector<16xf32>
        %get3A_836 = arith.constant 5 : i32
        %get3A_837 = arith.index_cast %get3A_836 : i32 to index
        %get3A_838 = arith.index_cast %add3A_701 : i32 to index
        %get3A_839 = arith.constant 48 : index
        %get3A_840 = tpu.vector_load %arg6[%get3A_837, %get3A_838, %get3A_839] {strides = array<i32>} : memref<8x80x64xf32, #tpu.memory_space<vmem>>, vector<16xf32>,
        %add3A_841 = arith.addf %add3A_817, %get3A_840 : vector<16xf32>
        %get3A_842 = arith.constant 6 : i32
        %get3A_843 = arith.index_cast %get3A_842 : i32 to index
        %get3A_844 = arith.index_cast %add3A_701 : i32 to index
        %get3A_845 = arith.constant 0 : index
        %get3A_846 = tpu.vector_load %arg6[%get3A_843, %get3A_844, %get3A_845] {strides = array<i32>} : memref<8x80x64xf32, #tpu.memory_space<vmem>>, vector<16xf32>,
        %add3A_847 = arith.addf %add3A_823, %get3A_846 : vector<16xf32>
        %get3A_848 = arith.constant 6 : i32
        %get3A_849 = arith.index_cast %get3A_848 : i32 to index
        %get3A_850 = arith.index_cast %add3A_701 : i32 to index
        %get3A_851 = arith.constant 16 : index
        %get3A_852 = tpu.vector_load %arg6[%get3A_849, %get3A_850, %get3A_851] {strides = array<i32>} : memref<8x80x64xf32, #tpu.memory_space<vmem>>, vector<16xf32>,
        %add3A_853 = arith.addf %add3A_829, %get3A_852 : vector<16xf32>
        %get3A_854 = arith.constant 6 : i32
        %get3A_855 = arith.index_cast %get3A_854 : i32 to index
        %get3A_856 = arith.index_cast %add3A_701 : i32 to index
        %get3A_857 = arith.constant 32 : index
        %get3A_858 = tpu.vector_load %arg6[%get3A_855, %get3A_856, %get3A_857] {strides = array<i32>} : memref<8x80x64xf32, #tpu.memory_space<vmem>>, vector<16xf32>,
        %add3A_859 = arith.addf %add3A_835, %get3A_858 : vector<16xf32>
        %get3A_860 = arith.constant 6 : i32
        %get3A_861 = arith.index_cast %get3A_860 : i32 to index
        %get3A_862 = arith.index_cast %add3A_701 : i32 to index
        %get3A_863 = arith.constant 48 : index
        %get3A_864 = tpu.vector_load %arg6[%get3A_861, %get3A_862, %get3A_863] {strides = array<i32>} : memref<8x80x64xf32, #tpu.memory_space<vmem>>, vector<16xf32>,
        %add3A_865 = arith.addf %add3A_841, %get3A_864 : vector<16xf32>
        %get3A_866 = arith.constant 7 : i32
        %get3A_867 = arith.index_cast %get3A_866 : i32 to index
        %get3A_868 = arith.index_cast %add3A_701 : i32 to index
        %get3A_869 = arith.constant 0 : index
        %get3A_870 = tpu.vector_load %arg6[%get3A_867, %get3A_868, %get3A_869] {strides = array<i32>} : memref<8x80x64xf32, #tpu.memory_space<vmem>>, vector<16xf32>,
        %add3A_871 = arith.addf %add3A_847, %get3A_870 : vector<16xf32>
        %get3A_872 = arith.constant 7 : i32
        %get3A_873 = arith.index_cast %get3A_872 : i32 to index
        %get3A_874 = arith.index_cast %add3A_701 : i32 to index
        %get3A_875 = arith.constant 16 : index
        %get3A_876 = tpu.vector_load %arg6[%get3A_873, %get3A_874, %get3A_875] {strides = array<i32>} : memref<8x80x64xf32, #tpu.memory_space<vmem>>, vector<16xf32>,
        %add3A_877 = arith.addf %add3A_853, %get3A_876 : vector<16xf32>
        %get3A_878 = arith.constant 7 : i32
        %get3A_879 = arith.index_cast %get3A_878 : i32 to index
        %get3A_880 = arith.index_cast %add3A_701 : i32 to index
        %get3A_881 = arith.constant 32 : index
        %get3A_882 = tpu.vector_load %arg6[%get3A_879, %get3A_880, %get3A_881] {strides = array<i32>} : memref<8x80x64xf32, #tpu.memory_space<vmem>>, vector<16xf32>,
        %add3A_883 = arith.addf %add3A_859, %get3A_882 : vector<16xf32>
        %get3A_884 = arith.constant 7 : i32
        %get3A_885 = arith.index_cast %get3A_884 : i32 to index
        %get3A_886 = arith.index_cast %add3A_701 : i32 to index
        %get3A_887 = arith.constant 48 : index
        %get3A_888 = tpu.vector_load %arg6[%get3A_885, %get3A_886, %get3A_887] {strides = array<i32>} : memref<8x80x64xf32, #tpu.memory_space<vmem>>, vector<16xf32>,
        %add3A_889 = arith.addf %add3A_865, %get3A_888 : vector<16xf32>
        %broadcast_in_dim3A_890 = vector.broadcast %add3A_701 : i32 to vector<16xi32>
        tpu.vector_store_idx %arg8[%add3A_276, %broadcast_in_dim3A_890], %add3A_871 : memref<64x81xf32, #tpu.memory_space<vmem>>[vector<16xi32>, vector<16xi32>], vector<16xf32>,
        tpu.vector_store_idx %arg8[%add3A_279, %broadcast_in_dim3A_890], %add3A_877 : memref<64x81xf32, #tpu.memory_space<vmem>>[vector<16xi32>, vector<16xi32>], vector<16xf32>,
        tpu.vector_store_idx %arg8[%add3A_282, %broadcast_in_dim3A_890], %add3A_883 : memref<64x81xf32, #tpu.memory_space<vmem>>[vector<16xi32>, vector<16xi32>], vector<16xf32>,
        tpu.vector_store_idx %arg8[%add3A_285, %broadcast_in_dim3A_890], %add3A_889 : memref<64x81xf32, #tpu.memory_space<vmem>>[vector<16xi32>, vector<16xi32>], vector<16xf32>,
        %mul3A_891 = arith.constant 4 : i32
        %mul3A_892 = arith.muli %scan3A_313, %mul3A_891 : i32
        %add3A_893 = arith.constant 3 : i32
        %add3A_894 = arith.addi %mul3A_892, %add3A_893 : i32
        %get3A_895 = arith.constant 0 : i32
        %get3A_896 = arith.index_cast %get3A_895 : i32 to index
        %get3A_897 = arith.index_cast %add3A_894 : i32 to index
        %get3A_898 = arith.constant 0 : index
        %get3A_899 = tpu.vector_load %arg6[%get3A_896, %get3A_897, %get3A_898] {strides = array<i32>} : memref<8x80x64xf32, #tpu.memory_space<vmem>>, vector<16xf32>,
        %get3A_900 = arith.constant 0 : i32
        %get3A_901 = arith.index_cast %get3A_900 : i32 to index
        %get3A_902 = arith.index_cast %add3A_894 : i32 to index
        %get3A_903 = arith.constant 16 : index
        %get3A_904 = tpu.vector_load %arg6[%get3A_901, %get3A_902, %get3A_903] {strides = array<i32>} : memref<8x80x64xf32, #tpu.memory_space<vmem>>, vector<16xf32>,
        %get3A_905 = arith.constant 0 : i32
        %get3A_906 = arith.index_cast %get3A_905 : i32 to index
        %get3A_907 = arith.index_cast %add3A_894 : i32 to index
        %get3A_908 = arith.constant 32 : index
        %get3A_909 = tpu.vector_load %arg6[%get3A_906, %get3A_907, %get3A_908] {strides = array<i32>} : memref<8x80x64xf32, #tpu.memory_space<vmem>>, vector<16xf32>,
        %get3A_910 = arith.constant 0 : i32
        %get3A_911 = arith.index_cast %get3A_910 : i32 to index
        %get3A_912 = arith.index_cast %add3A_894 : i32 to index
        %get3A_913 = arith.constant 48 : index
        %get3A_914 = tpu.vector_load %arg6[%get3A_911, %get3A_912, %get3A_913] {strides = array<i32>} : memref<8x80x64xf32, #tpu.memory_space<vmem>>, vector<16xf32>,
        %get3A_915 = arith.constant 1 : i32
        %get3A_916 = arith.index_cast %get3A_915 : i32 to index
        %get3A_917 = arith.index_cast %add3A_894 : i32 to index
        %get3A_918 = arith.constant 0 : index
        %get3A_919 = tpu.vector_load %arg6[%get3A_916, %get3A_917, %get3A_918] {strides = array<i32>} : memref<8x80x64xf32, #tpu.memory_space<vmem>>, vector<16xf32>,
        %add3A_920 = arith.addf %get3A_899, %get3A_919 : vector<16xf32>
        %get3A_921 = arith.constant 1 : i32
        %get3A_922 = arith.index_cast %get3A_921 : i32 to index
        %get3A_923 = arith.index_cast %add3A_894 : i32 to index
        %get3A_924 = arith.constant 16 : index
        %get3A_925 = tpu.vector_load %arg6[%get3A_922, %get3A_923, %get3A_924] {strides = array<i32>} : memref<8x80x64xf32, #tpu.memory_space<vmem>>, vector<16xf32>,
        %add3A_926 = arith.addf %get3A_904, %get3A_925 : vector<16xf32>
        %get3A_927 = arith.constant 1 : i32
        %get3A_928 = arith.index_cast %get3A_927 : i32 to index
        %get3A_929 = arith.index_cast %add3A_894 : i32 to index
        %get3A_930 = arith.constant 32 : index
        %get3A_931 = tpu.vector_load %arg6[%get3A_928, %get3A_929, %get3A_930] {strides = array<i32>} : memref<8x80x64xf32, #tpu.memory_space<vmem>>, vector<16xf32>,
        %add3A_932 = arith.addf %get3A_909, %get3A_931 : vector<16xf32>
        %get3A_933 = arith.constant 1 : i32
        %get3A_934 = arith.index_cast %get3A_933 : i32 to index
        %get3A_935 = arith.index_cast %add3A_894 : i32 to index
        %get3A_936 = arith.constant 48 : index
        %get3A_937 = tpu.vector_load %arg6[%get3A_934, %get3A_935, %get3A_936] {strides = array<i32>} : memref<8x80x64xf32, #tpu.memory_space<vmem>>, vector<16xf32>,
        %add3A_938 = arith.addf %get3A_914, %get3A_937 : vector<16xf32>
        %get3A_939 = arith.constant 2 : i32
        %get3A_940 = arith.index_cast %get3A_939 : i32 to index
        %get3A_941 = arith.index_cast %add3A_894 : i32 to index
        %get3A_942 = arith.constant 0 : index
        %get3A_943 = tpu.vector_load %arg6[%get3A_940, %get3A_941, %get3A_942] {strides = array<i32>} : memref<8x80x64xf32, #tpu.memory_space<vmem>>, vector<16xf32>,
        %add3A_944 = arith.addf %add3A_920, %get3A_943 : vector<16xf32>
        %get3A_945 = arith.constant 2 : i32
        %get3A_946 = arith.index_cast %get3A_945 : i32 to index
        %get3A_947 = arith.index_cast %add3A_894 : i32 to index
        %get3A_948 = arith.constant 16 : index
        %get3A_949 = tpu.vector_load %arg6[%get3A_946, %get3A_947, %get3A_948] {strides = array<i32>} : memref<8x80x64xf32, #tpu.memory_space<vmem>>, vector<16xf32>,
        %add3A_950 = arith.addf %add3A_926, %get3A_949 : vector<16xf32>
        %get3A_951 = arith.constant 2 : i32
        %get3A_952 = arith.index_cast %get3A_951 : i32 to index
        %get3A_953 = arith.index_cast %add3A_894 : i32 to index
        %get3A_954 = arith.constant 32 : index
        %get3A_955 = tpu.vector_load %arg6[%get3A_952, %get3A_953, %get3A_954] {strides = array<i32>} : memref<8x80x64xf32, #tpu.memory_space<vmem>>, vector<16xf32>,
        %add3A_956 = arith.addf %add3A_932, %get3A_955 : vector<16xf32>
        %get3A_957 = arith.constant 2 : i32
        %get3A_958 = arith.index_cast %get3A_957 : i32 to index
        %get3A_959 = arith.index_cast %add3A_894 : i32 to index
        %get3A_960 = arith.constant 48 : index
        %get3A_961 = tpu.vector_load %arg6[%get3A_958, %get3A_959, %get3A_960] {strides = array<i32>} : memref<8x80x64xf32, #tpu.memory_space<vmem>>, vector<16xf32>,
        %add3A_962 = arith.addf %add3A_938, %get3A_961 : vector<16xf32>
        %get3A_963 = arith.constant 3 : i32
        %get3A_964 = arith.index_cast %get3A_963 : i32 to index
        %get3A_965 = arith.index_cast %add3A_894 : i32 to index
        %get3A_966 = arith.constant 0 : index
        %get3A_967 = tpu.vector_load %arg6[%get3A_964, %get3A_965, %get3A_966] {strides = array<i32>} : memref<8x80x64xf32, #tpu.memory_space<vmem>>, vector<16xf32>,
        %add3A_968 = arith.addf %add3A_944, %get3A_967 : vector<16xf32>
        %get3A_969 = arith.constant 3 : i32
        %get3A_970 = arith.index_cast %get3A_969 : i32 to index
        %get3A_971 = arith.index_cast %add3A_894 : i32 to index
        %get3A_972 = arith.constant 16 : index
        %get3A_973 = tpu.vector_load %arg6[%get3A_970, %get3A_971, %get3A_972] {strides = array<i32>} : memref<8x80x64xf32, #tpu.memory_space<vmem>>, vector<16xf32>,
        %add3A_974 = arith.addf %add3A_950, %get3A_973 : vector<16xf32>
        %get3A_975 = arith.constant 3 : i32
        %get3A_976 = arith.index_cast %get3A_975 : i32 to index
        %get3A_977 = arith.index_cast %add3A_894 : i32 to index
        %get3A_978 = arith.constant 32 : index
        %get3A_979 = tpu.vector_load %arg6[%get3A_976, %get3A_977, %get3A_978] {strides = array<i32>} : memref<8x80x64xf32, #tpu.memory_space<vmem>>, vector<16xf32>,
        %add3A_980 = arith.addf %add3A_956, %get3A_979 : vector<16xf32>
        %get3A_981 = arith.constant 3 : i32
        %get3A_982 = arith.index_cast %get3A_981 : i32 to index
        %get3A_983 = arith.index_cast %add3A_894 : i32 to index
        %get3A_984 = arith.constant 48 : index
        %get3A_985 = tpu.vector_load %arg6[%get3A_982, %get3A_983, %get3A_984] {strides = array<i32>} : memref<8x80x64xf32, #tpu.memory_space<vmem>>, vector<16xf32>,
        %add3A_986 = arith.addf %add3A_962, %get3A_985 : vector<16xf32>
        %get3A_987 = arith.constant 4 : i32
        %get3A_988 = arith.index_cast %get3A_987 : i32 to index
        %get3A_989 = arith.index_cast %add3A_894 : i32 to index
        %get3A_990 = arith.constant 0 : index
        %get3A_991 = tpu.vector_load %arg6[%get3A_988, %get3A_989, %get3A_990] {strides = array<i32>} : memref<8x80x64xf32, #tpu.memory_space<vmem>>, vector<16xf32>,
        %add3A_992 = arith.addf %add3A_968, %get3A_991 : vector<16xf32>
        %get3A_993 = arith.constant 4 : i32
        %get3A_994 = arith.index_cast %get3A_993 : i32 to index
        %get3A_995 = arith.index_cast %add3A_894 : i32 to index
        %get3A_996 = arith.constant 16 : index
        %get3A_997 = tpu.vector_load %arg6[%get3A_994, %get3A_995, %get3A_996] {strides = array<i32>} : memref<8x80x64xf32, #tpu.memory_space<vmem>>, vector<16xf32>,
        %add3A_998 = arith.addf %add3A_974, %get3A_997 : vector<16xf32>
        %get3A_999 = arith.constant 4 : i32
        %get3A_1000 = arith.index_cast %get3A_999 : i32 to index
        %get3A_1001 = arith.index_cast %add3A_894 : i32 to index
        %get3A_1002 = arith.constant 32 : index
        %get3A_1003 = tpu.vector_load %arg6[%get3A_1000, %get3A_1001, %get3A_1002] {strides = array<i32>} : memref<8x80x64xf32, #tpu.memory_space<vmem>>, vector<16xf32>,
        %add3A_1004 = arith.addf %add3A_980, %get3A_1003 : vector<16xf32>
        %get3A_1005 = arith.constant 4 : i32
        %get3A_1006 = arith.index_cast %get3A_1005 : i32 to index
        %get3A_1007 = arith.index_cast %add3A_894 : i32 to index
        %get3A_1008 = arith.constant 48 : index
        %get3A_1009 = tpu.vector_load %arg6[%get3A_1006, %get3A_1007, %get3A_1008] {strides = array<i32>} : memref<8x80x64xf32, #tpu.memory_space<vmem>>, vector<16xf32>,
        %add3A_1010 = arith.addf %add3A_986, %get3A_1009 : vector<16xf32>
        %get3A_1011 = arith.constant 5 : i32
        %get3A_1012 = arith.index_cast %get3A_1011 : i32 to index
        %get3A_1013 = arith.index_cast %add3A_894 : i32 to index
        %get3A_1014 = arith.constant 0 : index
        %get3A_1015 = tpu.vector_load %arg6[%get3A_1012, %get3A_1013, %get3A_1014] {strides = array<i32>} : memref<8x80x64xf32, #tpu.memory_space<vmem>>, vector<16xf32>,
        %add3A_1016 = arith.addf %add3A_992, %get3A_1015 : vector<16xf32>
        %get3A_1017 = arith.constant 5 : i32
        %get3A_1018 = arith.index_cast %get3A_1017 : i32 to index
        %get3A_1019 = arith.index_cast %add3A_894 : i32 to index
        %get3A_1020 = arith.constant 16 : index
        %get3A_1021 = tpu.vector_load %arg6[%get3A_1018, %get3A_1019, %get3A_1020] {strides = array<i32>} : memref<8x80x64xf32, #tpu.memory_space<vmem>>, vector<16xf32>,
        %add3A_1022 = arith.addf %add3A_998, %get3A_1021 : vector<16xf32>
        %get3A_1023 = arith.constant 5 : i32
        %get3A_1024 = arith.index_cast %get3A_1023 : i32 to index
        %get3A_1025 = arith.index_cast %add3A_894 : i32 to index
        %get3A_1026 = arith.constant 32 : index
        %get3A_1027 = tpu.vector_load %arg6[%get3A_1024, %get3A_1025, %get3A_1026] {strides = array<i32>} : memref<8x80x64xf32, #tpu.memory_space<vmem>>, vector<16xf32>,
        %add3A_1028 = arith.addf %add3A_1004, %get3A_1027 : vector<16xf32>
        %get3A_1029 = arith.constant 5 : i32
        %get3A_1030 = arith.index_cast %get3A_1029 : i32 to index
        %get3A_1031 = arith.index_cast %add3A_894 : i32 to index
        %get3A_1032 = arith.constant 48 : index
        %get3A_1033 = tpu.vector_load %arg6[%get3A_1030, %get3A_1031, %get3A_1032] {strides = array<i32>} : memref<8x80x64xf32, #tpu.memory_space<vmem>>, vector<16xf32>,
        %add3A_1034 = arith.addf %add3A_1010, %get3A_1033 : vector<16xf32>
        %get3A_1035 = arith.constant 6 : i32
        %get3A_1036 = arith.index_cast %get3A_1035 : i32 to index
        %get3A_1037 = arith.index_cast %add3A_894 : i32 to index
        %get3A_1038 = arith.constant 0 : index
        %get3A_1039 = tpu.vector_load %arg6[%get3A_1036, %get3A_1037, %get3A_1038] {strides = array<i32>} : memref<8x80x64xf32, #tpu.memory_space<vmem>>, vector<16xf32>,
        %add3A_1040 = arith.addf %add3A_1016, %get3A_1039 : vector<16xf32>
        %get3A_1041 = arith.constant 6 : i32
        %get3A_1042 = arith.index_cast %get3A_1041 : i32 to index
        %get3A_1043 = arith.index_cast %add3A_894 : i32 to index
        %get3A_1044 = arith.constant 16 : index
        %get3A_1045 = tpu.vector_load %arg6[%get3A_1042, %get3A_1043, %get3A_1044] {strides = array<i32>} : memref<8x80x64xf32, #tpu.memory_space<vmem>>, vector<16xf32>,
        %add3A_1046 = arith.addf %add3A_1022, %get3A_1045 : vector<16xf32>
        %get3A_1047 = arith.constant 6 : i32
        %get3A_1048 = arith.index_cast %get3A_1047 : i32 to index
        %get3A_1049 = arith.index_cast %add3A_894 : i32 to index
        %get3A_1050 = arith.constant 32 : index
        %get3A_1051 = tpu.vector_load %arg6[%get3A_1048, %get3A_1049, %get3A_1050] {strides = array<i32>} : memref<8x80x64xf32, #tpu.memory_space<vmem>>, vector<16xf32>,
        %add3A_1052 = arith.addf %add3A_1028, %get3A_1051 : vector<16xf32>
        %get3A_1053 = arith.constant 6 : i32
        %get3A_1054 = arith.index_cast %get3A_1053 : i32 to index
        %get3A_1055 = arith.index_cast %add3A_894 : i32 to index
        %get3A_1056 = arith.constant 48 : index
        %get3A_1057 = tpu.vector_load %arg6[%get3A_1054, %get3A_1055, %get3A_1056] {strides = array<i32>} : memref<8x80x64xf32, #tpu.memory_space<vmem>>, vector<16xf32>,
        %add3A_1058 = arith.addf %add3A_1034, %get3A_1057 : vector<16xf32>
        %get3A_1059 = arith.constant 7 : i32
        %get3A_1060 = arith.index_cast %get3A_1059 : i32 to index
        %get3A_1061 = arith.index_cast %add3A_894 : i32 to index
        %get3A_1062 = arith.constant 0 : index
        %get3A_1063 = tpu.vector_load %arg6[%get3A_1060, %get3A_1061, %get3A_1062] {strides = array<i32>} : memref<8x80x64xf32, #tpu.memory_space<vmem>>, vector<16xf32>,
        %add3A_1064 = arith.addf %add3A_1040, %get3A_1063 : vector<16xf32>
        %get3A_1065 = arith.constant 7 : i32
        %get3A_1066 = arith.index_cast %get3A_1065 : i32 to index
        %get3A_1067 = arith.index_cast %add3A_894 : i32 to index
        %get3A_1068 = arith.constant 16 : index
        %get3A_1069 = tpu.vector_load %arg6[%get3A_1066, %get3A_1067, %get3A_1068] {strides = array<i32>} : memref<8x80x64xf32, #tpu.memory_space<vmem>>, vector<16xf32>,
        %add3A_1070 = arith.addf %add3A_1046, %get3A_1069 : vector<16xf32>
        %get3A_1071 = arith.constant 7 : i32
        %get3A_1072 = arith.index_cast %get3A_1071 : i32 to index
        %get3A_1073 = arith.index_cast %add3A_894 : i32 to index
        %get3A_1074 = arith.constant 32 : index
        %get3A_1075 = tpu.vector_load %arg6[%get3A_1072, %get3A_1073, %get3A_1074] {strides = array<i32>} : memref<8x80x64xf32, #tpu.memory_space<vmem>>, vector<16xf32>,
        %add3A_1076 = arith.addf %add3A_1052, %get3A_1075 : vector<16xf32>
        %get3A_1077 = arith.constant 7 : i32
        %get3A_1078 = arith.index_cast %get3A_1077 : i32 to index
        %get3A_1079 = arith.index_cast %add3A_894 : i32 to index
        %get3A_1080 = arith.constant 48 : index
        %get3A_1081 = tpu.vector_load %arg6[%get3A_1078, %get3A_1079, %get3A_1080] {strides = array<i32>} : memref<8x80x64xf32, #tpu.memory_space<vmem>>, vector<16xf32>,
        %add3A_1082 = arith.addf %add3A_1058, %get3A_1081 : vector<16xf32>
        %broadcast_in_dim3A_1083 = vector.broadcast %add3A_894 : i32 to vector<16xi32>
        tpu.vector_store_idx %arg8[%add3A_276, %broadcast_in_dim3A_1083], %add3A_1064 : memref<64x81xf32, #tpu.memory_space<vmem>>[vector<16xi32>, vector<16xi32>], vector<16xf32>,
        tpu.vector_store_idx %arg8[%add3A_279, %broadcast_in_dim3A_1083], %add3A_1070 : memref<64x81xf32, #tpu.memory_space<vmem>>[vector<16xi32>, vector<16xi32>], vector<16xf32>,
        tpu.vector_store_idx %arg8[%add3A_282, %broadcast_in_dim3A_1083], %add3A_1076 : memref<64x81xf32, #tpu.memory_space<vmem>>[vector<16xi32>, vector<16xi32>], vector<16xf32>,
        tpu.vector_store_idx %arg8[%add3A_285, %broadcast_in_dim3A_1083], %add3A_1082 : memref<64x81xf32, #tpu.memory_space<vmem>>[vector<16xi32>, vector<16xi32>], vector<16xf32>,
      }
      %scan3A_291 = arith.constant 20 : i32
      %add3A_292 = arith.addi %add3A_6, %mul3A_141 : i32
      %mul3A_293 = arith.constant 80 : i32
      %mul3A_294 = arith.muli %add3A_292, %mul3A_293 : i32
      %dma_start3A_295 = arith.constant 0 : i32
      %dma_start3A_296 = arith.constant 0 : i32
      %dma_start3A_297 = tpu.memref_slice %arg8[%dma_start3A_295, %dma_start3A_296] : memref<64x81xf32, #tpu.memory_space<vmem>> -> memref<64x80xf32, #tpu.memory_space<vmem>>
      %dma_start3A_298 = arith.constant 0 : i32
      %dma_start3A_299 = tpu.memref_slice %arg4[%dma_start3A_298, %mul3A_294] : memref<64x100000xf32, #tpu.memory_space<hbm>> -> memref<64x80xf32, #tpu.memory_space<hbm>>
      %dma_start3A_300 = arith.constant 0 : i32
      %dma_start3A_301 = tpu.memref_slice %arg4[%dma_start3A_300, %mul3A_294] : memref<64x100000xf32, #tpu.memory_space<hbm>> -> memref<64x80xf32, #tpu.memory_space<hbm>>
      %dma_start3A_302 = arith.constant 0 : i32
      %dma_start3A_303 = arith.constant 0 : i32
      %dma_start3A_304 = tpu.memref_slice %arg8[%dma_start3A_302, %dma_start3A_303] : memref<64x81xf32, #tpu.memory_space<vmem>> -> memref<64x80xf32, #tpu.memory_space<vmem>>
      tpu.enqueue_dma source(%dma_start3A_304 : memref<64x80xf32, #tpu.memory_space<vmem>>) target(%dma_start3A_301 : memref<64x80xf32, #tpu.memory_space<hbm>>) target_semaphore(%arg12 : memref<!tpu.dma_semaphore, #tpu.memory_space<semaphore_mem>>)
      %lt3A_305 = arith.cmpi slt, %add3A_145, %select_n3A : i32
      %convert_element_type3A_306 = arith.extui %lt3A_305 : i1 to i32
      %cond3A_307 = arith.constant 0 : i32
      %cond3A_308 = arith.cmpi ne, %convert_element_type3A_306, %cond3A_307 : i32
      scf.if %cond3A_308 {
        %mul3A_313 = arith.constant 80 : i32
        %mul3A_314 = arith.muli %add3A_145, %mul3A_313 : i32
        %dma_start3A_315 = arith.constant 0 : i32
        %dma_start3A_316 = arith.constant 0 : i32
        %dma_start3A_317 = arith.constant 0 : i32
        %dma_start3A_318 = arith.constant 0 : i32
        %dma_start3A_319 = tpu.memref_slice %arg6[%dma_start3A_316, %dma_start3A_317, %dma_start3A_318] : memref<8x80x64xf32, #tpu.memory_space<vmem>> -> memref<1x80x64xf32, #tpu.memory_space<vmem>>
        %dma_start3A_320 = tpu.memref_squeeze %dma_start3A_319 : memref<1x80x64xf32, #tpu.memory_space<vmem>> -> memref<80x64xf32, #tpu.memory_space<vmem>>
        %dma_start3A_321 = tpu.memref_slice %arg5[%dma_start3A_315, %mul3A_314] : memref<8x3200xi32, #tpu.memory_space<vmem>> -> memref<1x80xi32, #tpu.memory_space<vmem>>
        %dma_start3A_322 = tpu.memref_squeeze %dma_start3A_321 : memref<1x80xi32, #tpu.memory_space<vmem>> -> memref<80xi32, #tpu.memory_space<vmem>>
        %dma_start3A_323 = arith.constant 0 : i32
        %dma_start3A_324 = arith.constant 0 : i32
        %dma_start3A_325 = tpu.memref_slice %arg3[%dma_start3A_323, %dma_start3A_324] : memref<100000x64xf32, #tpu.memory_space<hbm>> -> memref<100000x64xf32, #tpu.memory_space<hbm>>
        tpu.enqueue_indirect_dma source(%dma_start3A_325 : memref<100000x64xf32, #tpu.memory_space<hbm>>) target(%dma_start3A_320 : memref<80x64xf32, #tpu.memory_space<vmem>>) offsets(%dma_start3A_322 : memref<80xi32, #tpu.memory_space<vmem>>) semaphore(%arg10 : memref<!tpu.dma_semaphore, #tpu.memory_space<semaphore_mem>>)
        %mul3A_326 = arith.constant 80 : i32
        %mul3A_327 = arith.muli %add3A_145, %mul3A_326 : i32
        %dma_start3A_328 = arith.constant 1 : i32
        %dma_start3A_329 = arith.constant 1 : i32
        %dma_start3A_330 = arith.constant 0 : i32
        %dma_start3A_331 = arith.constant 0 : i32
        %dma_start3A_332 = tpu.memref_slice %arg6[%dma_start3A_329, %dma_start3A_330, %dma_start3A_331] : memref<8x80x64xf32, #tpu.memory_space<vmem>> -> memref<1x80x64xf32, #tpu.memory_space<vmem>>
        %dma_start3A_333 = tpu.memref_squeeze %dma_start3A_332 : memref<1x80x64xf32, #tpu.memory_space<vmem>> -> memref<80x64xf32, #tpu.memory_space<vmem>>
        %dma_start3A_334 = tpu.memref_slice %arg5[%dma_start3A_328, %mul3A_327] : memref<8x3200xi32, #tpu.memory_space<vmem>> -> memref<1x80xi32, #tpu.memory_space<vmem>>
        %dma_start3A_335 = tpu.memref_squeeze %dma_start3A_334 : memref<1x80xi32, #tpu.memory_space<vmem>> -> memref<80xi32, #tpu.memory_space<vmem>>
        %dma_start3A_336 = arith.constant 0 : i32
        %dma_start3A_337 = arith.constant 0 : i32
        %dma_start3A_338 = tpu.memref_slice %arg3[%dma_start3A_336, %dma_start3A_337] : memref<100000x64xf32, #tpu.memory_space<hbm>> -> memref<100000x64xf32, #tpu.memory_space<hbm>>
        tpu.enqueue_indirect_dma source(%dma_start3A_338 : memref<100000x64xf32, #tpu.memory_space<hbm>>) target(%dma_start3A_333 : memref<80x64xf32, #tpu.memory_space<vmem>>) offsets(%dma_start3A_335 : memref<80xi32, #tpu.memory_space<vmem>>) semaphore(%arg10 : memref<!tpu.dma_semaphore, #tpu.memory_space<semaphore_mem>>)
        %mul3A_339 = arith.constant 80 : i32
        %mul3A_340 = arith.muli %add3A_145, %mul3A_339 : i32
        %dma_start3A_341 = arith.constant 2 : i32
        %dma_start3A_342 = arith.constant 2 : i32
        %dma_start3A_343 = arith.constant 0 : i32
        %dma_start3A_344 = arith.constant 0 : i32
        %dma_start3A_345 = tpu.memref_slice %arg6[%dma_start3A_342, %dma_start3A_343, %dma_start3A_344] : memref<8x80x64xf32, #tpu.memory_space<vmem>> -> memref<1x80x64xf32, #tpu.memory_space<vmem>>
        %dma_start3A_346 = tpu.memref_squeeze %dma_start3A_345 : memref<1x80x64xf32, #tpu.memory_space<vmem>> -> memref<80x64xf32, #tpu.memory_space<vmem>>
        %dma_start3A_347 = tpu.memref_slice %arg5[%dma_start3A_341, %mul3A_340] : memref<8x3200xi32, #tpu.memory_space<vmem>> -> memref<1x80xi32, #tpu.memory_space<vmem>>
        %dma_start3A_348 = tpu.memref_squeeze %dma_start3A_347 : memref<1x80xi32, #tpu.memory_space<vmem>> -> memref<80xi32, #tpu.memory_space<vmem>>
        %dma_start3A_349 = arith.constant 0 : i32
        %dma_start3A_350 = arith.constant 0 : i32
        %dma_start3A_351 = tpu.memref_slice %arg3[%dma_start3A_349, %dma_start3A_350] : memref<100000x64xf32, #tpu.memory_space<hbm>> -> memref<100000x64xf32, #tpu.memory_space<hbm>>
        tpu.enqueue_indirect_dma source(%dma_start3A_351 : memref<100000x64xf32, #tpu.memory_space<hbm>>) target(%dma_start3A_346 : memref<80x64xf32, #tpu.memory_space<vmem>>) offsets(%dma_start3A_348 : memref<80xi32, #tpu.memory_space<vmem>>) semaphore(%arg10 : memref<!tpu.dma_semaphore, #tpu.memory_space<semaphore_mem>>)
        %mul3A_352 = arith.constant 80 : i32
        %mul3A_353 = arith.muli %add3A_145, %mul3A_352 : i32
        %dma_start3A_354 = arith.constant 3 : i32
        %dma_start3A_355 = arith.constant 3 : i32
        %dma_start3A_356 = arith.constant 0 : i32
        %dma_start3A_357 = arith.constant 0 : i32
        %dma_start3A_358 = tpu.memref_slice %arg6[%dma_start3A_355, %dma_start3A_356, %dma_start3A_357] : memref<8x80x64xf32, #tpu.memory_space<vmem>> -> memref<1x80x64xf32, #tpu.memory_space<vmem>>
        %dma_start3A_359 = tpu.memref_squeeze %dma_start3A_358 : memref<1x80x64xf32, #tpu.memory_space<vmem>> -> memref<80x64xf32, #tpu.memory_space<vmem>>
        %dma_start3A_360 = tpu.memref_slice %arg5[%dma_start3A_354, %mul3A_353] : memref<8x3200xi32, #tpu.memory_space<vmem>> -> memref<1x80xi32, #tpu.memory_space<vmem>>
        %dma_start3A_361 = tpu.memref_squeeze %dma_start3A_360 : memref<1x80xi32, #tpu.memory_space<vmem>> -> memref<80xi32, #tpu.memory_space<vmem>>
        %dma_start3A_362 = arith.constant 0 : i32
        %dma_start3A_363 = arith.constant 0 : i32
        %dma_start3A_364 = tpu.memref_slice %arg3[%dma_start3A_362, %dma_start3A_363] : memref<100000x64xf32, #tpu.memory_space<hbm>> -> memref<100000x64xf32, #tpu.memory_space<hbm>>
        tpu.enqueue_indirect_dma source(%dma_start3A_364 : memref<100000x64xf32, #tpu.memory_space<hbm>>) target(%dma_start3A_359 : memref<80x64xf32, #tpu.memory_space<vmem>>) offsets(%dma_start3A_361 : memref<80xi32, #tpu.memory_space<vmem>>) semaphore(%arg10 : memref<!tpu.dma_semaphore, #tpu.memory_space<semaphore_mem>>)
        %mul3A_365 = arith.constant 80 : i32
        %mul3A_366 = arith.muli %add3A_145, %mul3A_365 : i32
        %dma_start3A_367 = arith.constant 4 : i32
        %dma_start3A_368 = arith.constant 4 : i32
        %dma_start3A_369 = arith.constant 0 : i32
        %dma_start3A_370 = arith.constant 0 : i32
        %dma_start3A_371 = tpu.memref_slice %arg6[%dma_start3A_368, %dma_start3A_369, %dma_start3A_370] : memref<8x80x64xf32, #tpu.memory_space<vmem>> -> memref<1x80x64xf32, #tpu.memory_space<vmem>>
        %dma_start3A_372 = tpu.memref_squeeze %dma_start3A_371 : memref<1x80x64xf32, #tpu.memory_space<vmem>> -> memref<80x64xf32, #tpu.memory_space<vmem>>
        %dma_start3A_373 = tpu.memref_slice %arg5[%dma_start3A_367, %mul3A_366] : memref<8x3200xi32, #tpu.memory_space<vmem>> -> memref<1x80xi32, #tpu.memory_space<vmem>>
        %dma_start3A_374 = tpu.memref_squeeze %dma_start3A_373 : memref<1x80xi32, #tpu.memory_space<vmem>> -> memref<80xi32, #tpu.memory_space<vmem>>
        %dma_start3A_375 = arith.constant 0 : i32
        %dma_start3A_376 = arith.constant 0 : i32
        %dma_start3A_377 = tpu.memref_slice %arg3[%dma_start3A_375, %dma_start3A_376] : memref<100000x64xf32, #tpu.memory_space<hbm>> -> memref<100000x64xf32, #tpu.memory_space<hbm>>
        tpu.enqueue_indirect_dma source(%dma_start3A_377 : memref<100000x64xf32, #tpu.memory_space<hbm>>) target(%dma_start3A_372 : memref<80x64xf32, #tpu.memory_space<vmem>>) offsets(%dma_start3A_374 : memref<80xi32, #tpu.memory_space<vmem>>) semaphore(%arg10 : memref<!tpu.dma_semaphore, #tpu.memory_space<semaphore_mem>>)
        %mul3A_378 = arith.constant 80 : i32
        %mul3A_379 = arith.muli %add3A_145, %mul3A_378 : i32
        %dma_start3A_380 = arith.constant 5 : i32
        %dma_start3A_381 = arith.constant 5 : i32
        %dma_start3A_382 = arith.constant 0 : i32
        %dma_start3A_383 = arith.constant 0 : i32
        %dma_start3A_384 = tpu.memref_slice %arg6[%dma_start3A_381, %dma_start3A_382, %dma_start3A_383] : memref<8x80x64xf32, #tpu.memory_space<vmem>> -> memref<1x80x64xf32, #tpu.memory_space<vmem>>
        %dma_start3A_385 = tpu.memref_squeeze %dma_start3A_384 : memref<1x80x64xf32, #tpu.memory_space<vmem>> -> memref<80x64xf32, #tpu.memory_space<vmem>>
        %dma_start3A_386 = tpu.memref_slice %arg5[%dma_start3A_380, %mul3A_379] : memref<8x3200xi32, #tpu.memory_space<vmem>> -> memref<1x80xi32, #tpu.memory_space<vmem>>
        %dma_start3A_387 = tpu.memref_squeeze %dma_start3A_386 : memref<1x80xi32, #tpu.memory_space<vmem>> -> memref<80xi32, #tpu.memory_space<vmem>>
        %dma_start3A_388 = arith.constant 0 : i32
        %dma_start3A_389 = arith.constant 0 : i32
        %dma_start3A_390 = tpu.memref_slice %arg3[%dma_start3A_388, %dma_start3A_389] : memref<100000x64xf32, #tpu.memory_space<hbm>> -> memref<100000x64xf32, #tpu.memory_space<hbm>>
        tpu.enqueue_indirect_dma source(%dma_start3A_390 : memref<100000x64xf32, #tpu.memory_space<hbm>>) target(%dma_start3A_385 : memref<80x64xf32, #tpu.memory_space<vmem>>) offsets(%dma_start3A_387 : memref<80xi32, #tpu.memory_space<vmem>>) semaphore(%arg10 : memref<!tpu.dma_semaphore, #tpu.memory_space<semaphore_mem>>)
        %mul3A_391 = arith.constant 80 : i32
        %mul3A_392 = arith.muli %add3A_145, %mul3A_391 : i32
        %dma_start3A_393 = arith.constant 6 : i32
        %dma_start3A_394 = arith.constant 6 : i32
        %dma_start3A_395 = arith.constant 0 : i32
        %dma_start3A_396 = arith.constant 0 : i32
        %dma_start3A_397 = tpu.memref_slice %arg6[%dma_start3A_394, %dma_start3A_395, %dma_start3A_396] : memref<8x80x64xf32, #tpu.memory_space<vmem>> -> memref<1x80x64xf32, #tpu.memory_space<vmem>>
        %dma_start3A_398 = tpu.memref_squeeze %dma_start3A_397 : memref<1x80x64xf32, #tpu.memory_space<vmem>> -> memref<80x64xf32, #tpu.memory_space<vmem>>
        %dma_start3A_399 = tpu.memref_slice %arg5[%dma_start3A_393, %mul3A_392] : memref<8x3200xi32, #tpu.memory_space<vmem>> -> memref<1x80xi32, #tpu.memory_space<vmem>>
        %dma_start3A_400 = tpu.memref_squeeze %dma_start3A_399 : memref<1x80xi32, #tpu.memory_space<vmem>> -> memref<80xi32, #tpu.memory_space<vmem>>
        %dma_start3A_401 = arith.constant 0 : i32
        %dma_start3A_402 = arith.constant 0 : i32
        %dma_start3A_403 = tpu.memref_slice %arg3[%dma_start3A_401, %dma_start3A_402] : memref<100000x64xf32, #tpu.memory_space<hbm>> -> memref<100000x64xf32, #tpu.memory_space<hbm>>
        tpu.enqueue_indirect_dma source(%dma_start3A_403 : memref<100000x64xf32, #tpu.memory_space<hbm>>) target(%dma_start3A_398 : memref<80x64xf32, #tpu.memory_space<vmem>>) offsets(%dma_start3A_400 : memref<80xi32, #tpu.memory_space<vmem>>) semaphore(%arg10 : memref<!tpu.dma_semaphore, #tpu.memory_space<semaphore_mem>>)
        %mul3A_404 = arith.constant 80 : i32
        %mul3A_405 = arith.muli %add3A_145, %mul3A_404 : i32
        %dma_start3A_406 = arith.constant 7 : i32
        %dma_start3A_407 = arith.constant 7 : i32
        %dma_start3A_408 = arith.constant 0 : i32
        %dma_start3A_409 = arith.constant 0 : i32
        %dma_start3A_410 = tpu.memref_slice %arg6[%dma_start3A_407, %dma_start3A_408, %dma_start3A_409] : memref<8x80x64xf32, #tpu.memory_space<vmem>> -> memref<1x80x64xf32, #tpu.memory_space<vmem>>
        %dma_start3A_411 = tpu.memref_squeeze %dma_start3A_410 : memref<1x80x64xf32, #tpu.memory_space<vmem>> -> memref<80x64xf32, #tpu.memory_space<vmem>>
        %dma_start3A_412 = tpu.memref_slice %arg5[%dma_start3A_406, %mul3A_405] : memref<8x3200xi32, #tpu.memory_space<vmem>> -> memref<1x80xi32, #tpu.memory_space<vmem>>
        %dma_start3A_413 = tpu.memref_squeeze %dma_start3A_412 : memref<1x80xi32, #tpu.memory_space<vmem>> -> memref<80xi32, #tpu.memory_space<vmem>>
        %dma_start3A_414 = arith.constant 0 : i32
        %dma_start3A_415 = arith.constant 0 : i32
        %dma_start3A_416 = tpu.memref_slice %arg3[%dma_start3A_414, %dma_start3A_415] : memref<100000x64xf32, #tpu.memory_space<hbm>> -> memref<100000x64xf32, #tpu.memory_space<hbm>>
        tpu.enqueue_indirect_dma source(%dma_start3A_416 : memref<100000x64xf32, #tpu.memory_space<hbm>>) target(%dma_start3A_411 : memref<80x64xf32, #tpu.memory_space<vmem>>) offsets(%dma_start3A_413 : memref<80xi32, #tpu.memory_space<vmem>>) semaphore(%arg10 : memref<!tpu.dma_semaphore, #tpu.memory_space<semaphore_mem>>)
      } else {
      }
      %lt3A_309 = arith.cmpi slt, %add3A_143, %select_n3A : i32
      %convert_element_type3A_310 = arith.extui %lt3A_309 : i1 to i32
      %cond3A_311 = arith.constant 0 : i32
      %cond3A_312 = arith.cmpi ne, %convert_element_type3A_310, %cond3A_311 : i32
      scf.if %cond3A_312 {
        %dma_wait3A_313 = arith.constant 0 : i32
        %dma_wait3A_314 = arith.constant 0 : i32
        %dma_wait3A_315 = arith.constant 0 : i32
        %dma_wait3A_316 = tpu.memref_slice %arg7[%dma_wait3A_313, %dma_wait3A_314, %dma_wait3A_315] : memref<8x80x64xf32, #tpu.memory_space<vmem>> -> memref<1x80x64xf32, #tpu.memory_space<vmem>>
        %dma_wait3A_317 = tpu.memref_squeeze %dma_wait3A_316 : memref<1x80x64xf32, #tpu.memory_space<vmem>> -> memref<80x64xf32, #tpu.memory_space<vmem>>
        %dma_wait3A_318 = arith.constant 0 : i32
        %dma_wait3A_319 = arith.constant 0 : i32
        %dma_wait3A_320 = tpu.memref_slice %arg3[%dma_wait3A_318, %dma_wait3A_319] : memref<100000x64xf32, #tpu.memory_space<hbm>> -> memref<80x64xf32, #tpu.memory_space<hbm>>
        %dma_wait3A_321 = arith.constant 0 : i32
        %dma_wait3A_322 = arith.constant 0 : i32
        %dma_wait3A_323 = tpu.memref_slice %arg7[%dma_wait3A_313, %dma_wait3A_321, %dma_wait3A_322] : memref<8x80x64xf32, #tpu.memory_space<vmem>> -> memref<1x80x64xf32, #tpu.memory_space<vmem>>
        %dma_wait3A_324 = tpu.memref_squeeze %dma_wait3A_323 : memref<1x80x64xf32, #tpu.memory_space<vmem>> -> memref<80x64xf32, #tpu.memory_space<vmem>>
        %dma_wait3A_325 = arith.constant 0 : i32
        %dma_wait3A_326 = arith.constant 0 : i32
        %dma_wait3A_327 = tpu.memref_slice %arg3[%dma_wait3A_325, %dma_wait3A_326] : memref<100000x64xf32, #tpu.memory_space<hbm>> -> memref<80x64xf32, #tpu.memory_space<hbm>>
        tpu.wait_dma2 semaphore(%arg11 : memref<!tpu.dma_semaphore, #tpu.memory_space<semaphore_mem>>) src(%dma_wait3A_327 : memref<80x64xf32, #tpu.memory_space<hbm>>) dst(%dma_wait3A_324 : memref<80x64xf32, #tpu.memory_space<vmem>>)
        %dma_wait3A_328 = arith.constant 1 : i32
        %dma_wait3A_329 = arith.constant 0 : i32
        %dma_wait3A_330 = arith.constant 0 : i32
        %dma_wait3A_331 = tpu.memref_slice %arg7[%dma_wait3A_328, %dma_wait3A_329, %dma_wait3A_330] : memref<8x80x64xf32, #tpu.memory_space<vmem>> -> memref<1x80x64xf32, #tpu.memory_space<vmem>>
        %dma_wait3A_332 = tpu.memref_squeeze %dma_wait3A_331 : memref<1x80x64xf32, #tpu.memory_space<vmem>> -> memref<80x64xf32, #tpu.memory_space<vmem>>
        %dma_wait3A_333 = arith.constant 0 : i32
        %dma_wait3A_334 = arith.constant 0 : i32
        %dma_wait3A_335 = tpu.memref_slice %arg3[%dma_wait3A_333, %dma_wait3A_334] : memref<100000x64xf32, #tpu.memory_space<hbm>> -> memref<80x64xf32, #tpu.memory_space<hbm>>
        %dma_wait3A_336 = arith.constant 0 : i32
        %dma_wait3A_337 = arith.constant 0 : i32
        %dma_wait3A_338 = tpu.memref_slice %arg7[%dma_wait3A_328, %dma_wait3A_336, %dma_wait3A_337] : memref<8x80x64xf32, #tpu.memory_space<vmem>> -> memref<1x80x64xf32, #tpu.memory_space<vmem>>
        %dma_wait3A_339 = tpu.memref_squeeze %dma_wait3A_338 : memref<1x80x64xf32, #tpu.memory_space<vmem>> -> memref<80x64xf32, #tpu.memory_space<vmem>>
        %dma_wait3A_340 = arith.constant 0 : i32
        %dma_wait3A_341 = arith.constant 0 : i32
        %dma_wait3A_342 = tpu.memref_slice %arg3[%dma_wait3A_340, %dma_wait3A_341] : memref<100000x64xf32, #tpu.memory_space<hbm>> -> memref<80x64xf32, #tpu.memory_space<hbm>>
        tpu.wait_dma2 semaphore(%arg11 : memref<!tpu.dma_semaphore, #tpu.memory_space<semaphore_mem>>) src(%dma_wait3A_342 : memref<80x64xf32, #tpu.memory_space<hbm>>) dst(%dma_wait3A_339 : memref<80x64xf32, #tpu.memory_space<vmem>>)
        %dma_wait3A_343 = arith.constant 2 : i32
        %dma_wait3A_344 = arith.constant 0 : i32
        %dma_wait3A_345 = arith.constant 0 : i32
        %dma_wait3A_346 = tpu.memref_slice %arg7[%dma_wait3A_343, %dma_wait3A_344, %dma_wait3A_345] : memref<8x80x64xf32, #tpu.memory_space<vmem>> -> memref<1x80x64xf32, #tpu.memory_space<vmem>>
        %dma_wait3A_347 = tpu.memref_squeeze %dma_wait3A_346 : memref<1x80x64xf32, #tpu.memory_space<vmem>> -> memref<80x64xf32, #tpu.memory_space<vmem>>
        %dma_wait3A_348 = arith.constant 0 : i32
        %dma_wait3A_349 = arith.constant 0 : i32
        %dma_wait3A_350 = tpu.memref_slice %arg3[%dma_wait3A_348, %dma_wait3A_349] : memref<100000x64xf32, #tpu.memory_space<hbm>> -> memref<80x64xf32, #tpu.memory_space<hbm>>
        %dma_wait3A_351 = arith.constant 0 : i32
        %dma_wait3A_352 = arith.constant 0 : i32
        %dma_wait3A_353 = tpu.memref_slice %arg7[%dma_wait3A_343, %dma_wait3A_351, %dma_wait3A_352] : memref<8x80x64xf32, #tpu.memory_space<vmem>> -> memref<1x80x64xf32, #tpu.memory_space<vmem>>
        %dma_wait3A_354 = tpu.memref_squeeze %dma_wait3A_353 : memref<1x80x64xf32, #tpu.memory_space<vmem>> -> memref<80x64xf32, #tpu.memory_space<vmem>>
        %dma_wait3A_355 = arith.constant 0 : i32
        %dma_wait3A_356 = arith.constant 0 : i32
        %dma_wait3A_357 = tpu.memref_slice %arg3[%dma_wait3A_355, %dma_wait3A_356] : memref<100000x64xf32, #tpu.memory_space<hbm>> -> memref<80x64xf32, #tpu.memory_space<hbm>>
        tpu.wait_dma2 semaphore(%arg11 : memref<!tpu.dma_semaphore, #tpu.memory_space<semaphore_mem>>) src(%dma_wait3A_357 : memref<80x64xf32, #tpu.memory_space<hbm>>) dst(%dma_wait3A_354 : memref<80x64xf32, #tpu.memory_space<vmem>>)
        %dma_wait3A_358 = arith.constant 3 : i32
        %dma_wait3A_359 = arith.constant 0 : i32
        %dma_wait3A_360 = arith.constant 0 : i32
        %dma_wait3A_361 = tpu.memref_slice %arg7[%dma_wait3A_358, %dma_wait3A_359, %dma_wait3A_360] : memref<8x80x64xf32, #tpu.memory_space<vmem>> -> memref<1x80x64xf32, #tpu.memory_space<vmem>>
        %dma_wait3A_362 = tpu.memref_squeeze %dma_wait3A_361 : memref<1x80x64xf32, #tpu.memory_space<vmem>> -> memref<80x64xf32, #tpu.memory_space<vmem>>
        %dma_wait3A_363 = arith.constant 0 : i32
        %dma_wait3A_364 = arith.constant 0 : i32
        %dma_wait3A_365 = tpu.memref_slice %arg3[%dma_wait3A_363, %dma_wait3A_364] : memref<100000x64xf32, #tpu.memory_space<hbm>> -> memref<80x64xf32, #tpu.memory_space<hbm>>
        %dma_wait3A_366 = arith.constant 0 : i32
        %dma_wait3A_367 = arith.constant 0 : i32
        %dma_wait3A_368 = tpu.memref_slice %arg7[%dma_wait3A_358, %dma_wait3A_366, %dma_wait3A_367] : memref<8x80x64xf32, #tpu.memory_space<vmem>> -> memref<1x80x64xf32, #tpu.memory_space<vmem>>
        %dma_wait3A_369 = tpu.memref_squeeze %dma_wait3A_368 : memref<1x80x64xf32, #tpu.memory_space<vmem>> -> memref<80x64xf32, #tpu.memory_space<vmem>>
        %dma_wait3A_370 = arith.constant 0 : i32
        %dma_wait3A_371 = arith.constant 0 : i32
        %dma_wait3A_372 = tpu.memref_slice %arg3[%dma_wait3A_370, %dma_wait3A_371] : memref<100000x64xf32, #tpu.memory_space<hbm>> -> memref<80x64xf32, #tpu.memory_space<hbm>>
        tpu.wait_dma2 semaphore(%arg11 : memref<!tpu.dma_semaphore, #tpu.memory_space<semaphore_mem>>) src(%dma_wait3A_372 : memref<80x64xf32, #tpu.memory_space<hbm>>) dst(%dma_wait3A_369 : memref<80x64xf32, #tpu.memory_space<vmem>>)
        %dma_wait3A_373 = arith.constant 4 : i32
        %dma_wait3A_374 = arith.constant 0 : i32
        %dma_wait3A_375 = arith.constant 0 : i32
        %dma_wait3A_376 = tpu.memref_slice %arg7[%dma_wait3A_373, %dma_wait3A_374, %dma_wait3A_375] : memref<8x80x64xf32, #tpu.memory_space<vmem>> -> memref<1x80x64xf32, #tpu.memory_space<vmem>>
        %dma_wait3A_377 = tpu.memref_squeeze %dma_wait3A_376 : memref<1x80x64xf32, #tpu.memory_space<vmem>> -> memref<80x64xf32, #tpu.memory_space<vmem>>
        %dma_wait3A_378 = arith.constant 0 : i32
        %dma_wait3A_379 = arith.constant 0 : i32
        %dma_wait3A_380 = tpu.memref_slice %arg3[%dma_wait3A_378, %dma_wait3A_379] : memref<100000x64xf32, #tpu.memory_space<hbm>> -> memref<80x64xf32, #tpu.memory_space<hbm>>
        %dma_wait3A_381 = arith.constant 0 : i32
        %dma_wait3A_382 = arith.constant 0 : i32
        %dma_wait3A_383 = tpu.memref_slice %arg7[%dma_wait3A_373, %dma_wait3A_381, %dma_wait3A_382] : memref<8x80x64xf32, #tpu.memory_space<vmem>> -> memref<1x80x64xf32, #tpu.memory_space<vmem>>
        %dma_wait3A_384 = tpu.memref_squeeze %dma_wait3A_383 : memref<1x80x64xf32, #tpu.memory_space<vmem>> -> memref<80x64xf32, #tpu.memory_space<vmem>>
        %dma_wait3A_385 = arith.constant 0 : i32
        %dma_wait3A_386 = arith.constant 0 : i32
        %dma_wait3A_387 = tpu.memref_slice %arg3[%dma_wait3A_385, %dma_wait3A_386] : memref<100000x64xf32, #tpu.memory_space<hbm>> -> memref<80x64xf32, #tpu.memory_space<hbm>>
        tpu.wait_dma2 semaphore(%arg11 : memref<!tpu.dma_semaphore, #tpu.memory_space<semaphore_mem>>) src(%dma_wait3A_387 : memref<80x64xf32, #tpu.memory_space<hbm>>) dst(%dma_wait3A_384 : memref<80x64xf32, #tpu.memory_space<vmem>>)
        %dma_wait3A_388 = arith.constant 5 : i32
        %dma_wait3A_389 = arith.constant 0 : i32
        %dma_wait3A_390 = arith.constant 0 : i32
        %dma_wait3A_391 = tpu.memref_slice %arg7[%dma_wait3A_388, %dma_wait3A_389, %dma_wait3A_390] : memref<8x80x64xf32, #tpu.memory_space<vmem>> -> memref<1x80x64xf32, #tpu.memory_space<vmem>>
        %dma_wait3A_392 = tpu.memref_squeeze %dma_wait3A_391 : memref<1x80x64xf32, #tpu.memory_space<vmem>> -> memref<80x64xf32, #tpu.memory_space<vmem>>
        %dma_wait3A_393 = arith.constant 0 : i32
        %dma_wait3A_394 = arith.constant 0 : i32
        %dma_wait3A_395 = tpu.memref_slice %arg3[%dma_wait3A_393, %dma_wait3A_394] : memref<100000x64xf32, #tpu.memory_space<hbm>> -> memref<80x64xf32, #tpu.memory_space<hbm>>
        %dma_wait3A_396 = arith.constant 0 : i32
        %dma_wait3A_397 = arith.constant 0 : i32
        %dma_wait3A_398 = tpu.memref_slice %arg7[%dma_wait3A_388, %dma_wait3A_396, %dma_wait3A_397] : memref<8x80x64xf32, #tpu.memory_space<vmem>> -> memref<1x80x64xf32, #tpu.memory_space<vmem>>
        %dma_wait3A_399 = tpu.memref_squeeze %dma_wait3A_398 : memref<1x80x64xf32, #tpu.memory_space<vmem>> -> memref<80x64xf32, #tpu.memory_space<vmem>>
        %dma_wait3A_400 = arith.constant 0 : i32
        %dma_wait3A_401 = arith.constant 0 : i32
        %dma_wait3A_402 = tpu.memref_slice %arg3[%dma_wait3A_400, %dma_wait3A_401] : memref<100000x64xf32, #tpu.memory_space<hbm>> -> memref<80x64xf32, #tpu.memory_space<hbm>>
        tpu.wait_dma2 semaphore(%arg11 : memref<!tpu.dma_semaphore, #tpu.memory_space<semaphore_mem>>) src(%dma_wait3A_402 : memref<80x64xf32, #tpu.memory_space<hbm>>) dst(%dma_wait3A_399 : memref<80x64xf32, #tpu.memory_space<vmem>>)
        %dma_wait3A_403 = arith.constant 6 : i32
        %dma_wait3A_404 = arith.constant 0 : i32
        %dma_wait3A_405 = arith.constant 0 : i32
        %dma_wait3A_406 = tpu.memref_slice %arg7[%dma_wait3A_403, %dma_wait3A_404, %dma_wait3A_405] : memref<8x80x64xf32, #tpu.memory_space<vmem>> -> memref<1x80x64xf32, #tpu.memory_space<vmem>>
        %dma_wait3A_407 = tpu.memref_squeeze %dma_wait3A_406 : memref<1x80x64xf32, #tpu.memory_space<vmem>> -> memref<80x64xf32, #tpu.memory_space<vmem>>
        %dma_wait3A_408 = arith.constant 0 : i32
        %dma_wait3A_409 = arith.constant 0 : i32
        %dma_wait3A_410 = tpu.memref_slice %arg3[%dma_wait3A_408, %dma_wait3A_409] : memref<100000x64xf32, #tpu.memory_space<hbm>> -> memref<80x64xf32, #tpu.memory_space<hbm>>
        %dma_wait3A_411 = arith.constant 0 : i32
        %dma_wait3A_412 = arith.constant 0 : i32
        %dma_wait3A_413 = tpu.memref_slice %arg7[%dma_wait3A_403, %dma_wait3A_411, %dma_wait3A_412] : memref<8x80x64xf32, #tpu.memory_space<vmem>> -> memref<1x80x64xf32, #tpu.memory_space<vmem>>
        %dma_wait3A_414 = tpu.memref_squeeze %dma_wait3A_413 : memref<1x80x64xf32, #tpu.memory_space<vmem>> -> memref<80x64xf32, #tpu.memory_space<vmem>>
        %dma_wait3A_415 = arith.constant 0 : i32
        %dma_wait3A_416 = arith.constant 0 : i32
        %dma_wait3A_417 = tpu.memref_slice %arg3[%dma_wait3A_415, %dma_wait3A_416] : memref<100000x64xf32, #tpu.memory_space<hbm>> -> memref<80x64xf32, #tpu.memory_space<hbm>>
        tpu.wait_dma2 semaphore(%arg11 : memref<!tpu.dma_semaphore, #tpu.memory_space<semaphore_mem>>) src(%dma_wait3A_417 : memref<80x64xf32, #tpu.memory_space<hbm>>) dst(%dma_wait3A_414 : memref<80x64xf32, #tpu.memory_space<vmem>>)
        %dma_wait3A_418 = arith.constant 7 : i32
        %dma_wait3A_419 = arith.constant 0 : i32
        %dma_wait3A_420 = arith.constant 0 : i32
        %dma_wait3A_421 = tpu.memref_slice %arg7[%dma_wait3A_418, %dma_wait3A_419, %dma_wait3A_420] : memref<8x80x64xf32, #tpu.memory_space<vmem>> -> memref<1x80x64xf32, #tpu.memory_space<vmem>>
        %dma_wait3A_422 = tpu.memref_squeeze %dma_wait3A_421 : memref<1x80x64xf32, #tpu.memory_space<vmem>> -> memref<80x64xf32, #tpu.memory_space<vmem>>
        %dma_wait3A_423 = arith.constant 0 : i32
        %dma_wait3A_424 = arith.constant 0 : i32
        %dma_wait3A_425 = tpu.memref_slice %arg3[%dma_wait3A_423, %dma_wait3A_424] : memref<100000x64xf32, #tpu.memory_space<hbm>> -> memref<80x64xf32, #tpu.memory_space<hbm>>
        %dma_wait3A_426 = arith.constant 0 : i32
        %dma_wait3A_427 = arith.constant 0 : i32
        %dma_wait3A_428 = tpu.memref_slice %arg7[%dma_wait3A_418, %dma_wait3A_426, %dma_wait3A_427] : memref<8x80x64xf32, #tpu.memory_space<vmem>> -> memref<1x80x64xf32, #tpu.memory_space<vmem>>
        %dma_wait3A_429 = tpu.memref_squeeze %dma_wait3A_428 : memref<1x80x64xf32, #tpu.memory_space<vmem>> -> memref<80x64xf32, #tpu.memory_space<vmem>>
        %dma_wait3A_430 = arith.constant 0 : i32
        %dma_wait3A_431 = arith.constant 0 : i32
        %dma_wait3A_432 = tpu.memref_slice %arg3[%dma_wait3A_430, %dma_wait3A_431] : memref<100000x64xf32, #tpu.memory_space<hbm>> -> memref<80x64xf32, #tpu.memory_space<hbm>>
        tpu.wait_dma2 semaphore(%arg11 : memref<!tpu.dma_semaphore, #tpu.memory_space<semaphore_mem>>) src(%dma_wait3A_432 : memref<80x64xf32, #tpu.memory_space<hbm>>) dst(%dma_wait3A_429 : memref<80x64xf32, #tpu.memory_space<vmem>>)
        %gt3A_433 = arith.constant 0 : i32
        %gt3A_434 = arith.cmpi sgt, %scan3A_139, %gt3A_433 : i32
        %convert_element_type3A_435 = arith.extui %gt3A_434 : i1 to i32
        %cond3A_436 = arith.constant 0 : i32
        %cond3A_437 = arith.cmpi ne, %convert_element_type3A_435, %cond3A_436 : i32
        scf.if %cond3A_437 {
          %dma_wait3A_470 = arith.constant 0 : i32
          %dma_wait3A_471 = arith.constant 0 : i32
          %dma_wait3A_472 = tpu.memref_slice %arg9[%dma_wait3A_470, %dma_wait3A_471] : memref<64x81xf32, #tpu.memory_space<vmem>> -> memref<64x80xf32, #tpu.memory_space<vmem>>
          %dma_wait3A_473 = arith.constant 0 : i32
          %dma_wait3A_474 = arith.constant 0 : i32
          %dma_wait3A_475 = tpu.memref_slice %arg4[%dma_wait3A_473, %dma_wait3A_474] : memref<64x100000xf32, #tpu.memory_space<hbm>> -> memref<64x80xf32, #tpu.memory_space<hbm>>
          %dma_wait3A_476 = arith.constant 0 : i32
          %dma_wait3A_477 = arith.constant 0 : i32
          %dma_wait3A_478 = tpu.memref_slice %arg4[%dma_wait3A_476, %dma_wait3A_477] : memref<64x100000xf32, #tpu.memory_space<hbm>> -> memref<64x80xf32, #tpu.memory_space<hbm>>
          %dma_wait3A_479 = arith.constant 0 : i32
          %dma_wait3A_480 = arith.constant 0 : i32
          %dma_wait3A_481 = tpu.memref_slice %arg9[%dma_wait3A_479, %dma_wait3A_480] : memref<64x81xf32, #tpu.memory_space<vmem>> -> memref<64x80xf32, #tpu.memory_space<vmem>>
          tpu.wait_dma2 semaphore(%arg13 : memref<!tpu.dma_semaphore, #tpu.memory_space<semaphore_mem>>) src(%dma_wait3A_481 : memref<64x80xf32, #tpu.memory_space<vmem>>) dst(%dma_wait3A_478 : memref<64x80xf32, #tpu.memory_space<hbm>>)
        } else {
        }
        %iota3A_438 = tpu.iota {dimensions = array<i32: 0>} : vector<16xi32>
        %add3A_439 = arith.constant 0 : i32
        %add3A_440 = vector.broadcast %add3A_439 : i32 to vector<16xi32>
        %add3A_441 = arith.addi %iota3A_438, %add3A_440 : vector<16xi32>
        %add3A_442 = arith.constant 16 : i32
        %add3A_443 = vector.broadcast %add3A_442 : i32 to vector<16xi32>
        %add3A_444 = arith.addi %iota3A_438, %add3A_443 : vector<16xi32>
        %add3A_445 = arith.constant 32 : i32
        %add3A_446 = vector.broadcast %add3A_445 : i32 to vector<16xi32>
        %add3A_447 = arith.addi %iota3A_438, %add3A_446 : vector<16xi32>
        %add3A_448 = arith.constant 48 : i32
        %add3A_449 = vector.broadcast %add3A_448 : i32 to vector<16xi32>
        %add3A_450 = arith.addi %iota3A_438, %add3A_449 : vector<16xi32>
        %scan3A_451 = arith.constant 0 : i32
        %scan3A_452 = arith.constant 0 : i32
        %scan3A_453 = arith.constant 20 : i32
        %scan3A_454 = arith.addi %scan3A_452, %scan3A_453 : i32
        %scan3A_455 = arith.constant 1 : i32
        scf.for %scan3A_470 = %scan3A_452 to %scan3A_454 step %scan3A_455  : i32 {
          %mul3A_471 = arith.constant 4 : i32
          %mul3A_472 = arith.muli %scan3A_470, %mul3A_471 : i32
          %add3A_473 = arith.constant 0 : i32
          %add3A_474 = arith.addi %mul3A_472, %add3A_473 : i32
          %get3A = arith.constant 0 : i32
          %get3A_475 = arith.index_cast %get3A : i32 to index
          %get3A_476 = arith.index_cast %add3A_474 : i32 to index
          %get3A_477 = arith.constant 0 : index
          %get3A_478 = tpu.vector_load %arg7[%get3A_475, %get3A_476, %get3A_477] {strides = array<i32>} : memref<8x80x64xf32, #tpu.memory_space<vmem>>, vector<16xf32>,
          %get3A_479 = arith.constant 0 : i32
          %get3A_480 = arith.index_cast %get3A_479 : i32 to index
          %get3A_481 = arith.index_cast %add3A_474 : i32 to index
          %get3A_482 = arith.constant 16 : index
          %get3A_483 = tpu.vector_load %arg7[%get3A_480, %get3A_481, %get3A_482] {strides = array<i32>} : memref<8x80x64xf32, #tpu.memory_space<vmem>>, vector<16xf32>,
          %get3A_484 = arith.constant 0 : i32
          %get3A_485 = arith.index_cast %get3A_484 : i32 to index
          %get3A_486 = arith.index_cast %add3A_474 : i32 to index
          %get3A_487 = arith.constant 32 : index
          %get3A_488 = tpu.vector_load %arg7[%get3A_485, %get3A_486, %get3A_487] {strides = array<i32>} : memref<8x80x64xf32, #tpu.memory_space<vmem>>, vector<16xf32>,
          %get3A_489 = arith.constant 0 : i32
          %get3A_490 = arith.index_cast %get3A_489 : i32 to index
          %get3A_491 = arith.index_cast %add3A_474 : i32 to index
          %get3A_492 = arith.constant 48 : index
          %get3A_493 = tpu.vector_load %arg7[%get3A_490, %get3A_491, %get3A_492] {strides = array<i32>} : memref<8x80x64xf32, #tpu.memory_space<vmem>>, vector<16xf32>,
          %get3A_494 = arith.constant 1 : i32
          %get3A_495 = arith.index_cast %get3A_494 : i32 to index
          %get3A_496 = arith.index_cast %add3A_474 : i32 to index
          %get3A_497 = arith.constant 0 : index
          %get3A_498 = tpu.vector_load %arg7[%get3A_495, %get3A_496, %get3A_497] {strides = array<i32>} : memref<8x80x64xf32, #tpu.memory_space<vmem>>, vector<16xf32>,
          %add3A_499 = arith.addf %get3A_478, %get3A_498 : vector<16xf32>
          %get3A_500 = arith.constant 1 : i32
          %get3A_501 = arith.index_cast %get3A_500 : i32 to index
          %get3A_502 = arith.index_cast %add3A_474 : i32 to index
          %get3A_503 = arith.constant 16 : index
          %get3A_504 = tpu.vector_load %arg7[%get3A_501, %get3A_502, %get3A_503] {strides = array<i32>} : memref<8x80x64xf32, #tpu.memory_space<vmem>>, vector<16xf32>,
          %add3A_505 = arith.addf %get3A_483, %get3A_504 : vector<16xf32>
          %get3A_506 = arith.constant 1 : i32
          %get3A_507 = arith.index_cast %get3A_506 : i32 to index
          %get3A_508 = arith.index_cast %add3A_474 : i32 to index
          %get3A_509 = arith.constant 32 : index
          %get3A_510 = tpu.vector_load %arg7[%get3A_507, %get3A_508, %get3A_509] {strides = array<i32>} : memref<8x80x64xf32, #tpu.memory_space<vmem>>, vector<16xf32>,
          %add3A_511 = arith.addf %get3A_488, %get3A_510 : vector<16xf32>
          %get3A_512 = arith.constant 1 : i32
          %get3A_513 = arith.index_cast %get3A_512 : i32 to index
          %get3A_514 = arith.index_cast %add3A_474 : i32 to index
          %get3A_515 = arith.constant 48 : index
          %get3A_516 = tpu.vector_load %arg7[%get3A_513, %get3A_514, %get3A_515] {strides = array<i32>} : memref<8x80x64xf32, #tpu.memory_space<vmem>>, vector<16xf32>,
          %add3A_517 = arith.addf %get3A_493, %get3A_516 : vector<16xf32>
          %get3A_518 = arith.constant 2 : i32
          %get3A_519 = arith.index_cast %get3A_518 : i32 to index
          %get3A_520 = arith.index_cast %add3A_474 : i32 to index
          %get3A_521 = arith.constant 0 : index
          %get3A_522 = tpu.vector_load %arg7[%get3A_519, %get3A_520, %get3A_521] {strides = array<i32>} : memref<8x80x64xf32, #tpu.memory_space<vmem>>, vector<16xf32>,
          %add3A_523 = arith.addf %add3A_499, %get3A_522 : vector<16xf32>
          %get3A_524 = arith.constant 2 : i32
          %get3A_525 = arith.index_cast %get3A_524 : i32 to index
          %get3A_526 = arith.index_cast %add3A_474 : i32 to index
          %get3A_527 = arith.constant 16 : index
          %get3A_528 = tpu.vector_load %arg7[%get3A_525, %get3A_526, %get3A_527] {strides = array<i32>} : memref<8x80x64xf32, #tpu.memory_space<vmem>>, vector<16xf32>,
          %add3A_529 = arith.addf %add3A_505, %get3A_528 : vector<16xf32>
          %get3A_530 = arith.constant 2 : i32
          %get3A_531 = arith.index_cast %get3A_530 : i32 to index
          %get3A_532 = arith.index_cast %add3A_474 : i32 to index
          %get3A_533 = arith.constant 32 : index
          %get3A_534 = tpu.vector_load %arg7[%get3A_531, %get3A_532, %get3A_533] {strides = array<i32>} : memref<8x80x64xf32, #tpu.memory_space<vmem>>, vector<16xf32>,
          %add3A_535 = arith.addf %add3A_511, %get3A_534 : vector<16xf32>
          %get3A_536 = arith.constant 2 : i32
          %get3A_537 = arith.index_cast %get3A_536 : i32 to index
          %get3A_538 = arith.index_cast %add3A_474 : i32 to index
          %get3A_539 = arith.constant 48 : index
          %get3A_540 = tpu.vector_load %arg7[%get3A_537, %get3A_538, %get3A_539] {strides = array<i32>} : memref<8x80x64xf32, #tpu.memory_space<vmem>>, vector<16xf32>,
          %add3A_541 = arith.addf %add3A_517, %get3A_540 : vector<16xf32>
          %get3A_542 = arith.constant 3 : i32
          %get3A_543 = arith.index_cast %get3A_542 : i32 to index
          %get3A_544 = arith.index_cast %add3A_474 : i32 to index
          %get3A_545 = arith.constant 0 : index
          %get3A_546 = tpu.vector_load %arg7[%get3A_543, %get3A_544, %get3A_545] {strides = array<i32>} : memref<8x80x64xf32, #tpu.memory_space<vmem>>, vector<16xf32>,
          %add3A_547 = arith.addf %add3A_523, %get3A_546 : vector<16xf32>
          %get3A_548 = arith.constant 3 : i32
          %get3A_549 = arith.index_cast %get3A_548 : i32 to index
          %get3A_550 = arith.index_cast %add3A_474 : i32 to index
          %get3A_551 = arith.constant 16 : index
          %get3A_552 = tpu.vector_load %arg7[%get3A_549, %get3A_550, %get3A_551] {strides = array<i32>} : memref<8x80x64xf32, #tpu.memory_space<vmem>>, vector<16xf32>,
          %add3A_553 = arith.addf %add3A_529, %get3A_552 : vector<16xf32>
          %get3A_554 = arith.constant 3 : i32
          %get3A_555 = arith.index_cast %get3A_554 : i32 to index
          %get3A_556 = arith.index_cast %add3A_474 : i32 to index
          %get3A_557 = arith.constant 32 : index
          %get3A_558 = tpu.vector_load %arg7[%get3A_555, %get3A_556, %get3A_557] {strides = array<i32>} : memref<8x80x64xf32, #tpu.memory_space<vmem>>, vector<16xf32>,
          %add3A_559 = arith.addf %add3A_535, %get3A_558 : vector<16xf32>
          %get3A_560 = arith.constant 3 : i32
          %get3A_561 = arith.index_cast %get3A_560 : i32 to index
          %get3A_562 = arith.index_cast %add3A_474 : i32 to index
          %get3A_563 = arith.constant 48 : index
          %get3A_564 = tpu.vector_load %arg7[%get3A_561, %get3A_562, %get3A_563] {strides = array<i32>} : memref<8x80x64xf32, #tpu.memory_space<vmem>>, vector<16xf32>,
          %add3A_565 = arith.addf %add3A_541, %get3A_564 : vector<16xf32>
          %get3A_566 = arith.constant 4 : i32
          %get3A_567 = arith.index_cast %get3A_566 : i32 to index
          %get3A_568 = arith.index_cast %add3A_474 : i32 to index
          %get3A_569 = arith.constant 0 : index
          %get3A_570 = tpu.vector_load %arg7[%get3A_567, %get3A_568, %get3A_569] {strides = array<i32>} : memref<8x80x64xf32, #tpu.memory_space<vmem>>, vector<16xf32>,
          %add3A_571 = arith.addf %add3A_547, %get3A_570 : vector<16xf32>
          %get3A_572 = arith.constant 4 : i32
          %get3A_573 = arith.index_cast %get3A_572 : i32 to index
          %get3A_574 = arith.index_cast %add3A_474 : i32 to index
          %get3A_575 = arith.constant 16 : index
          %get3A_576 = tpu.vector_load %arg7[%get3A_573, %get3A_574, %get3A_575] {strides = array<i32>} : memref<8x80x64xf32, #tpu.memory_space<vmem>>, vector<16xf32>,
          %add3A_577 = arith.addf %add3A_553, %get3A_576 : vector<16xf32>
          %get3A_578 = arith.constant 4 : i32
          %get3A_579 = arith.index_cast %get3A_578 : i32 to index
          %get3A_580 = arith.index_cast %add3A_474 : i32 to index
          %get3A_581 = arith.constant 32 : index
          %get3A_582 = tpu.vector_load %arg7[%get3A_579, %get3A_580, %get3A_581] {strides = array<i32>} : memref<8x80x64xf32, #tpu.memory_space<vmem>>, vector<16xf32>,
          %add3A_583 = arith.addf %add3A_559, %get3A_582 : vector<16xf32>
          %get3A_584 = arith.constant 4 : i32
          %get3A_585 = arith.index_cast %get3A_584 : i32 to index
          %get3A_586 = arith.index_cast %add3A_474 : i32 to index
          %get3A_587 = arith.constant 48 : index
          %get3A_588 = tpu.vector_load %arg7[%get3A_585, %get3A_586, %get3A_587] {strides = array<i32>} : memref<8x80x64xf32, #tpu.memory_space<vmem>>, vector<16xf32>,
          %add3A_589 = arith.addf %add3A_565, %get3A_588 : vector<16xf32>
          %get3A_590 = arith.constant 5 : i32
          %get3A_591 = arith.index_cast %get3A_590 : i32 to index
          %get3A_592 = arith.index_cast %add3A_474 : i32 to index
          %get3A_593 = arith.constant 0 : index
          %get3A_594 = tpu.vector_load %arg7[%get3A_591, %get3A_592, %get3A_593] {strides = array<i32>} : memref<8x80x64xf32, #tpu.memory_space<vmem>>, vector<16xf32>,
          %add3A_595 = arith.addf %add3A_571, %get3A_594 : vector<16xf32>
          %get3A_596 = arith.constant 5 : i32
          %get3A_597 = arith.index_cast %get3A_596 : i32 to index
          %get3A_598 = arith.index_cast %add3A_474 : i32 to index
          %get3A_599 = arith.constant 16 : index
          %get3A_600 = tpu.vector_load %arg7[%get3A_597, %get3A_598, %get3A_599] {strides = array<i32>} : memref<8x80x64xf32, #tpu.memory_space<vmem>>, vector<16xf32>,
          %add3A_601 = arith.addf %add3A_577, %get3A_600 : vector<16xf32>
          %get3A_602 = arith.constant 5 : i32
          %get3A_603 = arith.index_cast %get3A_602 : i32 to index
          %get3A_604 = arith.index_cast %add3A_474 : i32 to index
          %get3A_605 = arith.constant 32 : index
          %get3A_606 = tpu.vector_load %arg7[%get3A_603, %get3A_604, %get3A_605] {strides = array<i32>} : memref<8x80x64xf32, #tpu.memory_space<vmem>>, vector<16xf32>,
          %add3A_607 = arith.addf %add3A_583, %get3A_606 : vector<16xf32>
          %get3A_608 = arith.constant 5 : i32
          %get3A_609 = arith.index_cast %get3A_608 : i32 to index
          %get3A_610 = arith.index_cast %add3A_474 : i32 to index
          %get3A_611 = arith.constant 48 : index
          %get3A_612 = tpu.vector_load %arg7[%get3A_609, %get3A_610, %get3A_611] {strides = array<i32>} : memref<8x80x64xf32, #tpu.memory_space<vmem>>, vector<16xf32>,
          %add3A_613 = arith.addf %add3A_589, %get3A_612 : vector<16xf32>
          %get3A_614 = arith.constant 6 : i32
          %get3A_615 = arith.index_cast %get3A_614 : i32 to index
          %get3A_616 = arith.index_cast %add3A_474 : i32 to index
          %get3A_617 = arith.constant 0 : index
          %get3A_618 = tpu.vector_load %arg7[%get3A_615, %get3A_616, %get3A_617] {strides = array<i32>} : memref<8x80x64xf32, #tpu.memory_space<vmem>>, vector<16xf32>,
          %add3A_619 = arith.addf %add3A_595, %get3A_618 : vector<16xf32>
          %get3A_620 = arith.constant 6 : i32
          %get3A_621 = arith.index_cast %get3A_620 : i32 to index
          %get3A_622 = arith.index_cast %add3A_474 : i32 to index
          %get3A_623 = arith.constant 16 : index
          %get3A_624 = tpu.vector_load %arg7[%get3A_621, %get3A_622, %get3A_623] {strides = array<i32>} : memref<8x80x64xf32, #tpu.memory_space<vmem>>, vector<16xf32>,
          %add3A_625 = arith.addf %add3A_601, %get3A_624 : vector<16xf32>
          %get3A_626 = arith.constant 6 : i32
          %get3A_627 = arith.index_cast %get3A_626 : i32 to index
          %get3A_628 = arith.index_cast %add3A_474 : i32 to index
          %get3A_629 = arith.constant 32 : index
          %get3A_630 = tpu.vector_load %arg7[%get3A_627, %get3A_628, %get3A_629] {strides = array<i32>} : memref<8x80x64xf32, #tpu.memory_space<vmem>>, vector<16xf32>,
          %add3A_631 = arith.addf %add3A_607, %get3A_630 : vector<16xf32>
          %get3A_632 = arith.constant 6 : i32
          %get3A_633 = arith.index_cast %get3A_632 : i32 to index
          %get3A_634 = arith.index_cast %add3A_474 : i32 to index
          %get3A_635 = arith.constant 48 : index
          %get3A_636 = tpu.vector_load %arg7[%get3A_633, %get3A_634, %get3A_635] {strides = array<i32>} : memref<8x80x64xf32, #tpu.memory_space<vmem>>, vector<16xf32>,
          %add3A_637 = arith.addf %add3A_613, %get3A_636 : vector<16xf32>
          %get3A_638 = arith.constant 7 : i32
          %get3A_639 = arith.index_cast %get3A_638 : i32 to index
          %get3A_640 = arith.index_cast %add3A_474 : i32 to index
          %get3A_641 = arith.constant 0 : index
          %get3A_642 = tpu.vector_load %arg7[%get3A_639, %get3A_640, %get3A_641] {strides = array<i32>} : memref<8x80x64xf32, #tpu.memory_space<vmem>>, vector<16xf32>,
          %add3A_643 = arith.addf %add3A_619, %get3A_642 : vector<16xf32>
          %get3A_644 = arith.constant 7 : i32
          %get3A_645 = arith.index_cast %get3A_644 : i32 to index
          %get3A_646 = arith.index_cast %add3A_474 : i32 to index
          %get3A_647 = arith.constant 16 : index
          %get3A_648 = tpu.vector_load %arg7[%get3A_645, %get3A_646, %get3A_647] {strides = array<i32>} : memref<8x80x64xf32, #tpu.memory_space<vmem>>, vector<16xf32>,
          %add3A_649 = arith.addf %add3A_625, %get3A_648 : vector<16xf32>
          %get3A_650 = arith.constant 7 : i32
          %get3A_651 = arith.index_cast %get3A_650 : i32 to index
          %get3A_652 = arith.index_cast %add3A_474 : i32 to index
          %get3A_653 = arith.constant 32 : index
          %get3A_654 = tpu.vector_load %arg7[%get3A_651, %get3A_652, %get3A_653] {strides = array<i32>} : memref<8x80x64xf32, #tpu.memory_space<vmem>>, vector<16xf32>,
          %add3A_655 = arith.addf %add3A_631, %get3A_654 : vector<16xf32>
          %get3A_656 = arith.constant 7 : i32
          %get3A_657 = arith.index_cast %get3A_656 : i32 to index
          %get3A_658 = arith.index_cast %add3A_474 : i32 to index
          %get3A_659 = arith.constant 48 : index
          %get3A_660 = tpu.vector_load %arg7[%get3A_657, %get3A_658, %get3A_659] {strides = array<i32>} : memref<8x80x64xf32, #tpu.memory_space<vmem>>, vector<16xf32>,
          %add3A_661 = arith.addf %add3A_637, %get3A_660 : vector<16xf32>
          %broadcast_in_dim3A = vector.broadcast %add3A_474 : i32 to vector<16xi32>
          tpu.vector_store_idx %arg9[%add3A_441, %broadcast_in_dim3A], %add3A_643 : memref<64x81xf32, #tpu.memory_space<vmem>>[vector<16xi32>, vector<16xi32>], vector<16xf32>,
          tpu.vector_store_idx %arg9[%add3A_444, %broadcast_in_dim3A], %add3A_649 : memref<64x81xf32, #tpu.memory_space<vmem>>[vector<16xi32>, vector<16xi32>], vector<16xf32>,
          tpu.vector_store_idx %arg9[%add3A_447, %broadcast_in_dim3A], %add3A_655 : memref<64x81xf32, #tpu.memory_space<vmem>>[vector<16xi32>, vector<16xi32>], vector<16xf32>,
          tpu.vector_store_idx %arg9[%add3A_450, %broadcast_in_dim3A], %add3A_661 : memref<64x81xf32, #tpu.memory_space<vmem>>[vector<16xi32>, vector<16xi32>], vector<16xf32>,
          %mul3A_662 = arith.constant 4 : i32
          %mul3A_663 = arith.muli %scan3A_470, %mul3A_662 : i32
          %add3A_664 = arith.constant 1 : i32
          %add3A_665 = arith.addi %mul3A_663, %add3A_664 : i32
          %get3A_666 = arith.constant 0 : i32
          %get3A_667 = arith.index_cast %get3A_666 : i32 to index
          %get3A_668 = arith.index_cast %add3A_665 : i32 to index
          %get3A_669 = arith.constant 0 : index
          %get3A_670 = tpu.vector_load %arg7[%get3A_667, %get3A_668, %get3A_669] {strides = array<i32>} : memref<8x80x64xf32, #tpu.memory_space<vmem>>, vector<16xf32>,
          %get3A_671 = arith.constant 0 : i32
          %get3A_672 = arith.index_cast %get3A_671 : i32 to index
          %get3A_673 = arith.index_cast %add3A_665 : i32 to index
          %get3A_674 = arith.constant 16 : index
          %get3A_675 = tpu.vector_load %arg7[%get3A_672, %get3A_673, %get3A_674] {strides = array<i32>} : memref<8x80x64xf32, #tpu.memory_space<vmem>>, vector<16xf32>,
          %get3A_676 = arith.constant 0 : i32
          %get3A_677 = arith.index_cast %get3A_676 : i32 to index
          %get3A_678 = arith.index_cast %add3A_665 : i32 to index
          %get3A_679 = arith.constant 32 : index
          %get3A_680 = tpu.vector_load %arg7[%get3A_677, %get3A_678, %get3A_679] {strides = array<i32>} : memref<8x80x64xf32, #tpu.memory_space<vmem>>, vector<16xf32>,
          %get3A_681 = arith.constant 0 : i32
          %get3A_682 = arith.index_cast %get3A_681 : i32 to index
          %get3A_683 = arith.index_cast %add3A_665 : i32 to index
          %get3A_684 = arith.constant 48 : index
          %get3A_685 = tpu.vector_load %arg7[%get3A_682, %get3A_683, %get3A_684] {strides = array<i32>} : memref<8x80x64xf32, #tpu.memory_space<vmem>>, vector<16xf32>,
          %get3A_686 = arith.constant 1 : i32
          %get3A_687 = arith.index_cast %get3A_686 : i32 to index
          %get3A_688 = arith.index_cast %add3A_665 : i32 to index
          %get3A_689 = arith.constant 0 : index
          %get3A_690 = tpu.vector_load %arg7[%get3A_687, %get3A_688, %get3A_689] {strides = array<i32>} : memref<8x80x64xf32, #tpu.memory_space<vmem>>, vector<16xf32>,
          %add3A_691 = arith.addf %get3A_670, %get3A_690 : vector<16xf32>
          %get3A_692 = arith.constant 1 : i32
          %get3A_693 = arith.index_cast %get3A_692 : i32 to index
          %get3A_694 = arith.index_cast %add3A_665 : i32 to index
          %get3A_695 = arith.constant 16 : index
          %get3A_696 = tpu.vector_load %arg7[%get3A_693, %get3A_694, %get3A_695] {strides = array<i32>} : memref<8x80x64xf32, #tpu.memory_space<vmem>>, vector<16xf32>,
          %add3A_697 = arith.addf %get3A_675, %get3A_696 : vector<16xf32>
          %get3A_698 = arith.constant 1 : i32
          %get3A_699 = arith.index_cast %get3A_698 : i32 to index
          %get3A_700 = arith.index_cast %add3A_665 : i32 to index
          %get3A_701 = arith.constant 32 : index
          %get3A_702 = tpu.vector_load %arg7[%get3A_699, %get3A_700, %get3A_701] {strides = array<i32>} : memref<8x80x64xf32, #tpu.memory_space<vmem>>, vector<16xf32>,
          %add3A_703 = arith.addf %get3A_680, %get3A_702 : vector<16xf32>
          %get3A_704 = arith.constant 1 : i32
          %get3A_705 = arith.index_cast %get3A_704 : i32 to index
          %get3A_706 = arith.index_cast %add3A_665 : i32 to index
          %get3A_707 = arith.constant 48 : index
          %get3A_708 = tpu.vector_load %arg7[%get3A_705, %get3A_706, %get3A_707] {strides = array<i32>} : memref<8x80x64xf32, #tpu.memory_space<vmem>>, vector<16xf32>,
          %add3A_709 = arith.addf %get3A_685, %get3A_708 : vector<16xf32>
          %get3A_710 = arith.constant 2 : i32
          %get3A_711 = arith.index_cast %get3A_710 : i32 to index
          %get3A_712 = arith.index_cast %add3A_665 : i32 to index
          %get3A_713 = arith.constant 0 : index
          %get3A_714 = tpu.vector_load %arg7[%get3A_711, %get3A_712, %get3A_713] {strides = array<i32>} : memref<8x80x64xf32, #tpu.memory_space<vmem>>, vector<16xf32>,
          %add3A_715 = arith.addf %add3A_691, %get3A_714 : vector<16xf32>
          %get3A_716 = arith.constant 2 : i32
          %get3A_717 = arith.index_cast %get3A_716 : i32 to index
          %get3A_718 = arith.index_cast %add3A_665 : i32 to index
          %get3A_719 = arith.constant 16 : index
          %get3A_720 = tpu.vector_load %arg7[%get3A_717, %get3A_718, %get3A_719] {strides = array<i32>} : memref<8x80x64xf32, #tpu.memory_space<vmem>>, vector<16xf32>,
          %add3A_721 = arith.addf %add3A_697, %get3A_720 : vector<16xf32>
          %get3A_722 = arith.constant 2 : i32
          %get3A_723 = arith.index_cast %get3A_722 : i32 to index
          %get3A_724 = arith.index_cast %add3A_665 : i32 to index
          %get3A_725 = arith.constant 32 : index
          %get3A_726 = tpu.vector_load %arg7[%get3A_723, %get3A_724, %get3A_725] {strides = array<i32>} : memref<8x80x64xf32, #tpu.memory_space<vmem>>, vector<16xf32>,
          %add3A_727 = arith.addf %add3A_703, %get3A_726 : vector<16xf32>
          %get3A_728 = arith.constant 2 : i32
          %get3A_729 = arith.index_cast %get3A_728 : i32 to index
          %get3A_730 = arith.index_cast %add3A_665 : i32 to index
          %get3A_731 = arith.constant 48 : index
          %get3A_732 = tpu.vector_load %arg7[%get3A_729, %get3A_730, %get3A_731] {strides = array<i32>} : memref<8x80x64xf32, #tpu.memory_space<vmem>>, vector<16xf32>,
          %add3A_733 = arith.addf %add3A_709, %get3A_732 : vector<16xf32>
          %get3A_734 = arith.constant 3 : i32
          %get3A_735 = arith.index_cast %get3A_734 : i32 to index
          %get3A_736 = arith.index_cast %add3A_665 : i32 to index
          %get3A_737 = arith.constant 0 : index
          %get3A_738 = tpu.vector_load %arg7[%get3A_735, %get3A_736, %get3A_737] {strides = array<i32>} : memref<8x80x64xf32, #tpu.memory_space<vmem>>, vector<16xf32>,
          %add3A_739 = arith.addf %add3A_715, %get3A_738 : vector<16xf32>
          %get3A_740 = arith.constant 3 : i32
          %get3A_741 = arith.index_cast %get3A_740 : i32 to index
          %get3A_742 = arith.index_cast %add3A_665 : i32 to index
          %get3A_743 = arith.constant 16 : index
          %get3A_744 = tpu.vector_load %arg7[%get3A_741, %get3A_742, %get3A_743] {strides = array<i32>} : memref<8x80x64xf32, #tpu.memory_space<vmem>>, vector<16xf32>,
          %add3A_745 = arith.addf %add3A_721, %get3A_744 : vector<16xf32>
          %get3A_746 = arith.constant 3 : i32
          %get3A_747 = arith.index_cast %get3A_746 : i32 to index
          %get3A_748 = arith.index_cast %add3A_665 : i32 to index
          %get3A_749 = arith.constant 32 : index
          %get3A_750 = tpu.vector_load %arg7[%get3A_747, %get3A_748, %get3A_749] {strides = array<i32>} : memref<8x80x64xf32, #tpu.memory_space<vmem>>, vector<16xf32>,
          %add3A_751 = arith.addf %add3A_727, %get3A_750 : vector<16xf32>
          %get3A_752 = arith.constant 3 : i32
          %get3A_753 = arith.index_cast %get3A_752 : i32 to index
          %get3A_754 = arith.index_cast %add3A_665 : i32 to index
          %get3A_755 = arith.constant 48 : index
          %get3A_756 = tpu.vector_load %arg7[%get3A_753, %get3A_754, %get3A_755] {strides = array<i32>} : memref<8x80x64xf32, #tpu.memory_space<vmem>>, vector<16xf32>,
          %add3A_757 = arith.addf %add3A_733, %get3A_756 : vector<16xf32>
          %get3A_758 = arith.constant 4 : i32
          %get3A_759 = arith.index_cast %get3A_758 : i32 to index
          %get3A_760 = arith.index_cast %add3A_665 : i32 to index
          %get3A_761 = arith.constant 0 : index
          %get3A_762 = tpu.vector_load %arg7[%get3A_759, %get3A_760, %get3A_761] {strides = array<i32>} : memref<8x80x64xf32, #tpu.memory_space<vmem>>, vector<16xf32>,
          %add3A_763 = arith.addf %add3A_739, %get3A_762 : vector<16xf32>
          %get3A_764 = arith.constant 4 : i32
          %get3A_765 = arith.index_cast %get3A_764 : i32 to index
          %get3A_766 = arith.index_cast %add3A_665 : i32 to index
          %get3A_767 = arith.constant 16 : index
          %get3A_768 = tpu.vector_load %arg7[%get3A_765, %get3A_766, %get3A_767] {strides = array<i32>} : memref<8x80x64xf32, #tpu.memory_space<vmem>>, vector<16xf32>,
          %add3A_769 = arith.addf %add3A_745, %get3A_768 : vector<16xf32>
          %get3A_770 = arith.constant 4 : i32
          %get3A_771 = arith.index_cast %get3A_770 : i32 to index
          %get3A_772 = arith.index_cast %add3A_665 : i32 to index
          %get3A_773 = arith.constant 32 : index
          %get3A_774 = tpu.vector_load %arg7[%get3A_771, %get3A_772, %get3A_773] {strides = array<i32>} : memref<8x80x64xf32, #tpu.memory_space<vmem>>, vector<16xf32>,
          %add3A_775 = arith.addf %add3A_751, %get3A_774 : vector<16xf32>
          %get3A_776 = arith.constant 4 : i32
          %get3A_777 = arith.index_cast %get3A_776 : i32 to index
          %get3A_778 = arith.index_cast %add3A_665 : i32 to index
          %get3A_779 = arith.constant 48 : index
          %get3A_780 = tpu.vector_load %arg7[%get3A_777, %get3A_778, %get3A_779] {strides = array<i32>} : memref<8x80x64xf32, #tpu.memory_space<vmem>>, vector<16xf32>,
          %add3A_781 = arith.addf %add3A_757, %get3A_780 : vector<16xf32>
          %get3A_782 = arith.constant 5 : i32
          %get3A_783 = arith.index_cast %get3A_782 : i32 to index
          %get3A_784 = arith.index_cast %add3A_665 : i32 to index
          %get3A_785 = arith.constant 0 : index
          %get3A_786 = tpu.vector_load %arg7[%get3A_783, %get3A_784, %get3A_785] {strides = array<i32>} : memref<8x80x64xf32, #tpu.memory_space<vmem>>, vector<16xf32>,
          %add3A_787 = arith.addf %add3A_763, %get3A_786 : vector<16xf32>
          %get3A_788 = arith.constant 5 : i32
          %get3A_789 = arith.index_cast %get3A_788 : i32 to index
          %get3A_790 = arith.index_cast %add3A_665 : i32 to index
          %get3A_791 = arith.constant 16 : index
          %get3A_792 = tpu.vector_load %arg7[%get3A_789, %get3A_790, %get3A_791] {strides = array<i32>} : memref<8x80x64xf32, #tpu.memory_space<vmem>>, vector<16xf32>,
          %add3A_793 = arith.addf %add3A_769, %get3A_792 : vector<16xf32>
          %get3A_794 = arith.constant 5 : i32
          %get3A_795 = arith.index_cast %get3A_794 : i32 to index
          %get3A_796 = arith.index_cast %add3A_665 : i32 to index
          %get3A_797 = arith.constant 32 : index
          %get3A_798 = tpu.vector_load %arg7[%get3A_795, %get3A_796, %get3A_797] {strides = array<i32>} : memref<8x80x64xf32, #tpu.memory_space<vmem>>, vector<16xf32>,
          %add3A_799 = arith.addf %add3A_775, %get3A_798 : vector<16xf32>
          %get3A_800 = arith.constant 5 : i32
          %get3A_801 = arith.index_cast %get3A_800 : i32 to index
          %get3A_802 = arith.index_cast %add3A_665 : i32 to index
          %get3A_803 = arith.constant 48 : index
          %get3A_804 = tpu.vector_load %arg7[%get3A_801, %get3A_802, %get3A_803] {strides = array<i32>} : memref<8x80x64xf32, #tpu.memory_space<vmem>>, vector<16xf32>,
          %add3A_805 = arith.addf %add3A_781, %get3A_804 : vector<16xf32>
          %get3A_806 = arith.constant 6 : i32
          %get3A_807 = arith.index_cast %get3A_806 : i32 to index
          %get3A_808 = arith.index_cast %add3A_665 : i32 to index
          %get3A_809 = arith.constant 0 : index
          %get3A_810 = tpu.vector_load %arg7[%get3A_807, %get3A_808, %get3A_809] {strides = array<i32>} : memref<8x80x64xf32, #tpu.memory_space<vmem>>, vector<16xf32>,
          %add3A_811 = arith.addf %add3A_787, %get3A_810 : vector<16xf32>
          %get3A_812 = arith.constant 6 : i32
          %get3A_813 = arith.index_cast %get3A_812 : i32 to index
          %get3A_814 = arith.index_cast %add3A_665 : i32 to index
          %get3A_815 = arith.constant 16 : index
          %get3A_816 = tpu.vector_load %arg7[%get3A_813, %get3A_814, %get3A_815] {strides = array<i32>} : memref<8x80x64xf32, #tpu.memory_space<vmem>>, vector<16xf32>,
          %add3A_817 = arith.addf %add3A_793, %get3A_816 : vector<16xf32>
          %get3A_818 = arith.constant 6 : i32
          %get3A_819 = arith.index_cast %get3A_818 : i32 to index
          %get3A_820 = arith.index_cast %add3A_665 : i32 to index
          %get3A_821 = arith.constant 32 : index
          %get3A_822 = tpu.vector_load %arg7[%get3A_819, %get3A_820, %get3A_821] {strides = array<i32>} : memref<8x80x64xf32, #tpu.memory_space<vmem>>, vector<16xf32>,
          %add3A_823 = arith.addf %add3A_799, %get3A_822 : vector<16xf32>
          %get3A_824 = arith.constant 6 : i32
          %get3A_825 = arith.index_cast %get3A_824 : i32 to index
          %get3A_826 = arith.index_cast %add3A_665 : i32 to index
          %get3A_827 = arith.constant 48 : index
          %get3A_828 = tpu.vector_load %arg7[%get3A_825, %get3A_826, %get3A_827] {strides = array<i32>} : memref<8x80x64xf32, #tpu.memory_space<vmem>>, vector<16xf32>,
          %add3A_829 = arith.addf %add3A_805, %get3A_828 : vector<16xf32>
          %get3A_830 = arith.constant 7 : i32
          %get3A_831 = arith.index_cast %get3A_830 : i32 to index
          %get3A_832 = arith.index_cast %add3A_665 : i32 to index
          %get3A_833 = arith.constant 0 : index
          %get3A_834 = tpu.vector_load %arg7[%get3A_831, %get3A_832, %get3A_833] {strides = array<i32>} : memref<8x80x64xf32, #tpu.memory_space<vmem>>, vector<16xf32>,
          %add3A_835 = arith.addf %add3A_811, %get3A_834 : vector<16xf32>
          %get3A_836 = arith.constant 7 : i32
          %get3A_837 = arith.index_cast %get3A_836 : i32 to index
          %get3A_838 = arith.index_cast %add3A_665 : i32 to index
          %get3A_839 = arith.constant 16 : index
          %get3A_840 = tpu.vector_load %arg7[%get3A_837, %get3A_838, %get3A_839] {strides = array<i32>} : memref<8x80x64xf32, #tpu.memory_space<vmem>>, vector<16xf32>,
          %add3A_841 = arith.addf %add3A_817, %get3A_840 : vector<16xf32>
          %get3A_842 = arith.constant 7 : i32
          %get3A_843 = arith.index_cast %get3A_842 : i32 to index
          %get3A_844 = arith.index_cast %add3A_665 : i32 to index
          %get3A_845 = arith.constant 32 : index
          %get3A_846 = tpu.vector_load %arg7[%get3A_843, %get3A_844, %get3A_845] {strides = array<i32>} : memref<8x80x64xf32, #tpu.memory_space<vmem>>, vector<16xf32>,
          %add3A_847 = arith.addf %add3A_823, %get3A_846 : vector<16xf32>
          %get3A_848 = arith.constant 7 : i32
          %get3A_849 = arith.index_cast %get3A_848 : i32 to index
          %get3A_850 = arith.index_cast %add3A_665 : i32 to index
          %get3A_851 = arith.constant 48 : index
          %get3A_852 = tpu.vector_load %arg7[%get3A_849, %get3A_850, %get3A_851] {strides = array<i32>} : memref<8x80x64xf32, #tpu.memory_space<vmem>>, vector<16xf32>,
          %add3A_853 = arith.addf %add3A_829, %get3A_852 : vector<16xf32>
          %broadcast_in_dim3A_854 = vector.broadcast %add3A_665 : i32 to vector<16xi32>
          tpu.vector_store_idx %arg9[%add3A_441, %broadcast_in_dim3A_854], %add3A_835 : memref<64x81xf32, #tpu.memory_space<vmem>>[vector<16xi32>, vector<16xi32>], vector<16xf32>,
          tpu.vector_store_idx %arg9[%add3A_444, %broadcast_in_dim3A_854], %add3A_841 : memref<64x81xf32, #tpu.memory_space<vmem>>[vector<16xi32>, vector<16xi32>], vector<16xf32>,
          tpu.vector_store_idx %arg9[%add3A_447, %broadcast_in_dim3A_854], %add3A_847 : memref<64x81xf32, #tpu.memory_space<vmem>>[vector<16xi32>, vector<16xi32>], vector<16xf32>,
          tpu.vector_store_idx %arg9[%add3A_450, %broadcast_in_dim3A_854], %add3A_853 : memref<64x81xf32, #tpu.memory_space<vmem>>[vector<16xi32>, vector<16xi32>], vector<16xf32>,
          %mul3A_855 = arith.constant 4 : i32
          %mul3A_856 = arith.muli %scan3A_470, %mul3A_855 : i32
          %add3A_857 = arith.constant 2 : i32
          %add3A_858 = arith.addi %mul3A_856, %add3A_857 : i32
          %get3A_859 = arith.constant 0 : i32
          %get3A_860 = arith.index_cast %get3A_859 : i32 to index
          %get3A_861 = arith.index_cast %add3A_858 : i32 to index
          %get3A_862 = arith.constant 0 : index
          %get3A_863 = tpu.vector_load %arg7[%get3A_860, %get3A_861, %get3A_862] {strides = array<i32>} : memref<8x80x64xf32, #tpu.memory_space<vmem>>, vector<16xf32>,
          %get3A_864 = arith.constant 0 : i32
          %get3A_865 = arith.index_cast %get3A_864 : i32 to index
          %get3A_866 = arith.index_cast %add3A_858 : i32 to index
          %get3A_867 = arith.constant 16 : index
          %get3A_868 = tpu.vector_load %arg7[%get3A_865, %get3A_866, %get3A_867] {strides = array<i32>} : memref<8x80x64xf32, #tpu.memory_space<vmem>>, vector<16xf32>,
          %get3A_869 = arith.constant 0 : i32
          %get3A_870 = arith.index_cast %get3A_869 : i32 to index
          %get3A_871 = arith.index_cast %add3A_858 : i32 to index
          %get3A_872 = arith.constant 32 : index
          %get3A_873 = tpu.vector_load %arg7[%get3A_870, %get3A_871, %get3A_872] {strides = array<i32>} : memref<8x80x64xf32, #tpu.memory_space<vmem>>, vector<16xf32>,
          %get3A_874 = arith.constant 0 : i32
          %get3A_875 = arith.index_cast %get3A_874 : i32 to index
          %get3A_876 = arith.index_cast %add3A_858 : i32 to index
          %get3A_877 = arith.constant 48 : index
          %get3A_878 = tpu.vector_load %arg7[%get3A_875, %get3A_876, %get3A_877] {strides = array<i32>} : memref<8x80x64xf32, #tpu.memory_space<vmem>>, vector<16xf32>,
          %get3A_879 = arith.constant 1 : i32
          %get3A_880 = arith.index_cast %get3A_879 : i32 to index
          %get3A_881 = arith.index_cast %add3A_858 : i32 to index
          %get3A_882 = arith.constant 0 : index
          %get3A_883 = tpu.vector_load %arg7[%get3A_880, %get3A_881, %get3A_882] {strides = array<i32>} : memref<8x80x64xf32, #tpu.memory_space<vmem>>, vector<16xf32>,
          %add3A_884 = arith.addf %get3A_863, %get3A_883 : vector<16xf32>
          %get3A_885 = arith.constant 1 : i32
          %get3A_886 = arith.index_cast %get3A_885 : i32 to index
          %get3A_887 = arith.index_cast %add3A_858 : i32 to index
          %get3A_888 = arith.constant 16 : index
          %get3A_889 = tpu.vector_load %arg7[%get3A_886, %get3A_887, %get3A_888] {strides = array<i32>} : memref<8x80x64xf32, #tpu.memory_space<vmem>>, vector<16xf32>,
          %add3A_890 = arith.addf %get3A_868, %get3A_889 : vector<16xf32>
          %get3A_891 = arith.constant 1 : i32
          %get3A_892 = arith.index_cast %get3A_891 : i32 to index
          %get3A_893 = arith.index_cast %add3A_858 : i32 to index
          %get3A_894 = arith.constant 32 : index
          %get3A_895 = tpu.vector_load %arg7[%get3A_892, %get3A_893, %get3A_894] {strides = array<i32>} : memref<8x80x64xf32, #tpu.memory_space<vmem>>, vector<16xf32>,
          %add3A_896 = arith.addf %get3A_873, %get3A_895 : vector<16xf32>
          %get3A_897 = arith.constant 1 : i32
          %get3A_898 = arith.index_cast %get3A_897 : i32 to index
          %get3A_899 = arith.index_cast %add3A_858 : i32 to index
          %get3A_900 = arith.constant 48 : index
          %get3A_901 = tpu.vector_load %arg7[%get3A_898, %get3A_899, %get3A_900] {strides = array<i32>} : memref<8x80x64xf32, #tpu.memory_space<vmem>>, vector<16xf32>,
          %add3A_902 = arith.addf %get3A_878, %get3A_901 : vector<16xf32>
          %get3A_903 = arith.constant 2 : i32
          %get3A_904 = arith.index_cast %get3A_903 : i32 to index
          %get3A_905 = arith.index_cast %add3A_858 : i32 to index
          %get3A_906 = arith.constant 0 : index
          %get3A_907 = tpu.vector_load %arg7[%get3A_904, %get3A_905, %get3A_906] {strides = array<i32>} : memref<8x80x64xf32, #tpu.memory_space<vmem>>, vector<16xf32>,
          %add3A_908 = arith.addf %add3A_884, %get3A_907 : vector<16xf32>
          %get3A_909 = arith.constant 2 : i32
          %get3A_910 = arith.index_cast %get3A_909 : i32 to index
          %get3A_911 = arith.index_cast %add3A_858 : i32 to index
          %get3A_912 = arith.constant 16 : index
          %get3A_913 = tpu.vector_load %arg7[%get3A_910, %get3A_911, %get3A_912] {strides = array<i32>} : memref<8x80x64xf32, #tpu.memory_space<vmem>>, vector<16xf32>,
          %add3A_914 = arith.addf %add3A_890, %get3A_913 : vector<16xf32>
          %get3A_915 = arith.constant 2 : i32
          %get3A_916 = arith.index_cast %get3A_915 : i32 to index
          %get3A_917 = arith.index_cast %add3A_858 : i32 to index
          %get3A_918 = arith.constant 32 : index
          %get3A_919 = tpu.vector_load %arg7[%get3A_916, %get3A_917, %get3A_918] {strides = array<i32>} : memref<8x80x64xf32, #tpu.memory_space<vmem>>, vector<16xf32>,
          %add3A_920 = arith.addf %add3A_896, %get3A_919 : vector<16xf32>
          %get3A_921 = arith.constant 2 : i32
          %get3A_922 = arith.index_cast %get3A_921 : i32 to index
          %get3A_923 = arith.index_cast %add3A_858 : i32 to index
          %get3A_924 = arith.constant 48 : index
          %get3A_925 = tpu.vector_load %arg7[%get3A_922, %get3A_923, %get3A_924] {strides = array<i32>} : memref<8x80x64xf32, #tpu.memory_space<vmem>>, vector<16xf32>,
          %add3A_926 = arith.addf %add3A_902, %get3A_925 : vector<16xf32>
          %get3A_927 = arith.constant 3 : i32
          %get3A_928 = arith.index_cast %get3A_927 : i32 to index
          %get3A_929 = arith.index_cast %add3A_858 : i32 to index
          %get3A_930 = arith.constant 0 : index
          %get3A_931 = tpu.vector_load %arg7[%get3A_928, %get3A_929, %get3A_930] {strides = array<i32>} : memref<8x80x64xf32, #tpu.memory_space<vmem>>, vector<16xf32>,
          %add3A_932 = arith.addf %add3A_908, %get3A_931 : vector<16xf32>
          %get3A_933 = arith.constant 3 : i32
          %get3A_934 = arith.index_cast %get3A_933 : i32 to index
          %get3A_935 = arith.index_cast %add3A_858 : i32 to index
          %get3A_936 = arith.constant 16 : index
          %get3A_937 = tpu.vector_load %arg7[%get3A_934, %get3A_935, %get3A_936] {strides = array<i32>} : memref<8x80x64xf32, #tpu.memory_space<vmem>>, vector<16xf32>,
          %add3A_938 = arith.addf %add3A_914, %get3A_937 : vector<16xf32>
          %get3A_939 = arith.constant 3 : i32
          %get3A_940 = arith.index_cast %get3A_939 : i32 to index
          %get3A_941 = arith.index_cast %add3A_858 : i32 to index
          %get3A_942 = arith.constant 32 : index
          %get3A_943 = tpu.vector_load %arg7[%get3A_940, %get3A_941, %get3A_942] {strides = array<i32>} : memref<8x80x64xf32, #tpu.memory_space<vmem>>, vector<16xf32>,
          %add3A_944 = arith.addf %add3A_920, %get3A_943 : vector<16xf32>
          %get3A_945 = arith.constant 3 : i32
          %get3A_946 = arith.index_cast %get3A_945 : i32 to index
          %get3A_947 = arith.index_cast %add3A_858 : i32 to index
          %get3A_948 = arith.constant 48 : index
          %get3A_949 = tpu.vector_load %arg7[%get3A_946, %get3A_947, %get3A_948] {strides = array<i32>} : memref<8x80x64xf32, #tpu.memory_space<vmem>>, vector<16xf32>,
          %add3A_950 = arith.addf %add3A_926, %get3A_949 : vector<16xf32>
          %get3A_951 = arith.constant 4 : i32
          %get3A_952 = arith.index_cast %get3A_951 : i32 to index
          %get3A_953 = arith.index_cast %add3A_858 : i32 to index
          %get3A_954 = arith.constant 0 : index
          %get3A_955 = tpu.vector_load %arg7[%get3A_952, %get3A_953, %get3A_954] {strides = array<i32>} : memref<8x80x64xf32, #tpu.memory_space<vmem>>, vector<16xf32>,
          %add3A_956 = arith.addf %add3A_932, %get3A_955 : vector<16xf32>
          %get3A_957 = arith.constant 4 : i32
          %get3A_958 = arith.index_cast %get3A_957 : i32 to index
          %get3A_959 = arith.index_cast %add3A_858 : i32 to index
          %get3A_960 = arith.constant 16 : index
          %get3A_961 = tpu.vector_load %arg7[%get3A_958, %get3A_959, %get3A_960] {strides = array<i32>} : memref<8x80x64xf32, #tpu.memory_space<vmem>>, vector<16xf32>,
          %add3A_962 = arith.addf %add3A_938, %get3A_961 : vector<16xf32>
          %get3A_963 = arith.constant 4 : i32
          %get3A_964 = arith.index_cast %get3A_963 : i32 to index
          %get3A_965 = arith.index_cast %add3A_858 : i32 to index
          %get3A_966 = arith.constant 32 : index
          %get3A_967 = tpu.vector_load %arg7[%get3A_964, %get3A_965, %get3A_966] {strides = array<i32>} : memref<8x80x64xf32, #tpu.memory_space<vmem>>, vector<16xf32>,
          %add3A_968 = arith.addf %add3A_944, %get3A_967 : vector<16xf32>
          %get3A_969 = arith.constant 4 : i32
          %get3A_970 = arith.index_cast %get3A_969 : i32 to index
          %get3A_971 = arith.index_cast %add3A_858 : i32 to index
          %get3A_972 = arith.constant 48 : index
          %get3A_973 = tpu.vector_load %arg7[%get3A_970, %get3A_971, %get3A_972] {strides = array<i32>} : memref<8x80x64xf32, #tpu.memory_space<vmem>>, vector<16xf32>,
          %add3A_974 = arith.addf %add3A_950, %get3A_973 : vector<16xf32>
          %get3A_975 = arith.constant 5 : i32
          %get3A_976 = arith.index_cast %get3A_975 : i32 to index
          %get3A_977 = arith.index_cast %add3A_858 : i32 to index
          %get3A_978 = arith.constant 0 : index
          %get3A_979 = tpu.vector_load %arg7[%get3A_976, %get3A_977, %get3A_978] {strides = array<i32>} : memref<8x80x64xf32, #tpu.memory_space<vmem>>, vector<16xf32>,
          %add3A_980 = arith.addf %add3A_956, %get3A_979 : vector<16xf32>
          %get3A_981 = arith.constant 5 : i32
          %get3A_982 = arith.index_cast %get3A_981 : i32 to index
          %get3A_983 = arith.index_cast %add3A_858 : i32 to index
          %get3A_984 = arith.constant 16 : index
          %get3A_985 = tpu.vector_load %arg7[%get3A_982, %get3A_983, %get3A_984] {strides = array<i32>} : memref<8x80x64xf32, #tpu.memory_space<vmem>>, vector<16xf32>,
          %add3A_986 = arith.addf %add3A_962, %get3A_985 : vector<16xf32>
          %get3A_987 = arith.constant 5 : i32
          %get3A_988 = arith.index_cast %get3A_987 : i32 to index
          %get3A_989 = arith.index_cast %add3A_858 : i32 to index
          %get3A_990 = arith.constant 32 : index
          %get3A_991 = tpu.vector_load %arg7[%get3A_988, %get3A_989, %get3A_990] {strides = array<i32>} : memref<8x80x64xf32, #tpu.memory_space<vmem>>, vector<16xf32>,
          %add3A_992 = arith.addf %add3A_968, %get3A_991 : vector<16xf32>
          %get3A_993 = arith.constant 5 : i32
          %get3A_994 = arith.index_cast %get3A_993 : i32 to index
          %get3A_995 = arith.index_cast %add3A_858 : i32 to index
          %get3A_996 = arith.constant 48 : index
          %get3A_997 = tpu.vector_load %arg7[%get3A_994, %get3A_995, %get3A_996] {strides = array<i32>} : memref<8x80x64xf32, #tpu.memory_space<vmem>>, vector<16xf32>,
          %add3A_998 = arith.addf %add3A_974, %get3A_997 : vector<16xf32>
          %get3A_999 = arith.constant 6 : i32
          %get3A_1000 = arith.index_cast %get3A_999 : i32 to index
          %get3A_1001 = arith.index_cast %add3A_858 : i32 to index
          %get3A_1002 = arith.constant 0 : index
          %get3A_1003 = tpu.vector_load %arg7[%get3A_1000, %get3A_1001, %get3A_1002] {strides = array<i32>} : memref<8x80x64xf32, #tpu.memory_space<vmem>>, vector<16xf32>,
          %add3A_1004 = arith.addf %add3A_980, %get3A_1003 : vector<16xf32>
          %get3A_1005 = arith.constant 6 : i32
          %get3A_1006 = arith.index_cast %get3A_1005 : i32 to index
          %get3A_1007 = arith.index_cast %add3A_858 : i32 to index
          %get3A_1008 = arith.constant 16 : index
          %get3A_1009 = tpu.vector_load %arg7[%get3A_1006, %get3A_1007, %get3A_1008] {strides = array<i32>} : memref<8x80x64xf32, #tpu.memory_space<vmem>>, vector<16xf32>,
          %add3A_1010 = arith.addf %add3A_986, %get3A_1009 : vector<16xf32>
          %get3A_1011 = arith.constant 6 : i32
          %get3A_1012 = arith.index_cast %get3A_1011 : i32 to index
          %get3A_1013 = arith.index_cast %add3A_858 : i32 to index
          %get3A_1014 = arith.constant 32 : index
          %get3A_1015 = tpu.vector_load %arg7[%get3A_1012, %get3A_1013, %get3A_1014] {strides = array<i32>} : memref<8x80x64xf32, #tpu.memory_space<vmem>>, vector<16xf32>,
          %add3A_1016 = arith.addf %add3A_992, %get3A_1015 : vector<16xf32>
          %get3A_1017 = arith.constant 6 : i32
          %get3A_1018 = arith.index_cast %get3A_1017 : i32 to index
          %get3A_1019 = arith.index_cast %add3A_858 : i32 to index
          %get3A_1020 = arith.constant 48 : index
          %get3A_1021 = tpu.vector_load %arg7[%get3A_1018, %get3A_1019, %get3A_1020] {strides = array<i32>} : memref<8x80x64xf32, #tpu.memory_space<vmem>>, vector<16xf32>,
          %add3A_1022 = arith.addf %add3A_998, %get3A_1021 : vector<16xf32>
          %get3A_1023 = arith.constant 7 : i32
          %get3A_1024 = arith.index_cast %get3A_1023 : i32 to index
          %get3A_1025 = arith.index_cast %add3A_858 : i32 to index
          %get3A_1026 = arith.constant 0 : index
          %get3A_1027 = tpu.vector_load %arg7[%get3A_1024, %get3A_1025, %get3A_1026] {strides = array<i32>} : memref<8x80x64xf32, #tpu.memory_space<vmem>>, vector<16xf32>,
          %add3A_1028 = arith.addf %add3A_1004, %get3A_1027 : vector<16xf32>
          %get3A_1029 = arith.constant 7 : i32
          %get3A_1030 = arith.index_cast %get3A_1029 : i32 to index
          %get3A_1031 = arith.index_cast %add3A_858 : i32 to index
          %get3A_1032 = arith.constant 16 : index
          %get3A_1033 = tpu.vector_load %arg7[%get3A_1030, %get3A_1031, %get3A_1032] {strides = array<i32>} : memref<8x80x64xf32, #tpu.memory_space<vmem>>, vector<16xf32>,
          %add3A_1034 = arith.addf %add3A_1010, %get3A_1033 : vector<16xf32>
          %get3A_1035 = arith.constant 7 : i32
          %get3A_1036 = arith.index_cast %get3A_1035 : i32 to index
          %get3A_1037 = arith.index_cast %add3A_858 : i32 to index
          %get3A_1038 = arith.constant 32 : index
          %get3A_1039 = tpu.vector_load %arg7[%get3A_1036, %get3A_1037, %get3A_1038] {strides = array<i32>} : memref<8x80x64xf32, #tpu.memory_space<vmem>>, vector<16xf32>,
          %add3A_1040 = arith.addf %add3A_1016, %get3A_1039 : vector<16xf32>
          %get3A_1041 = arith.constant 7 : i32
          %get3A_1042 = arith.index_cast %get3A_1041 : i32 to index
          %get3A_1043 = arith.index_cast %add3A_858 : i32 to index
          %get3A_1044 = arith.constant 48 : index
          %get3A_1045 = tpu.vector_load %arg7[%get3A_1042, %get3A_1043, %get3A_1044] {strides = array<i32>} : memref<8x80x64xf32, #tpu.memory_space<vmem>>, vector<16xf32>,
          %add3A_1046 = arith.addf %add3A_1022, %get3A_1045 : vector<16xf32>
          %broadcast_in_dim3A_1047 = vector.broadcast %add3A_858 : i32 to vector<16xi32>
          tpu.vector_store_idx %arg9[%add3A_441, %broadcast_in_dim3A_1047], %add3A_1028 : memref<64x81xf32, #tpu.memory_space<vmem>>[vector<16xi32>, vector<16xi32>], vector<16xf32>,
          tpu.vector_store_idx %arg9[%add3A_444, %broadcast_in_dim3A_1047], %add3A_1034 : memref<64x81xf32, #tpu.memory_space<vmem>>[vector<16xi32>, vector<16xi32>], vector<16xf32>,
          tpu.vector_store_idx %arg9[%add3A_447, %broadcast_in_dim3A_1047], %add3A_1040 : memref<64x81xf32, #tpu.memory_space<vmem>>[vector<16xi32>, vector<16xi32>], vector<16xf32>,
          tpu.vector_store_idx %arg9[%add3A_450, %broadcast_in_dim3A_1047], %add3A_1046 : memref<64x81xf32, #tpu.memory_space<vmem>>[vector<16xi32>, vector<16xi32>], vector<16xf32>,
          %mul3A_1048 = arith.constant 4 : i32
          %mul3A_1049 = arith.muli %scan3A_470, %mul3A_1048 : i32
          %add3A_1050 = arith.constant 3 : i32
          %add3A_1051 = arith.addi %mul3A_1049, %add3A_1050 : i32
          %get3A_1052 = arith.constant 0 : i32
          %get3A_1053 = arith.index_cast %get3A_1052 : i32 to index
          %get3A_1054 = arith.index_cast %add3A_1051 : i32 to index
          %get3A_1055 = arith.constant 0 : index
          %get3A_1056 = tpu.vector_load %arg7[%get3A_1053, %get3A_1054, %get3A_1055] {strides = array<i32>} : memref<8x80x64xf32, #tpu.memory_space<vmem>>, vector<16xf32>,
          %get3A_1057 = arith.constant 0 : i32
          %get3A_1058 = arith.index_cast %get3A_1057 : i32 to index
          %get3A_1059 = arith.index_cast %add3A_1051 : i32 to index
          %get3A_1060 = arith.constant 16 : index
          %get3A_1061 = tpu.vector_load %arg7[%get3A_1058, %get3A_1059, %get3A_1060] {strides = array<i32>} : memref<8x80x64xf32, #tpu.memory_space<vmem>>, vector<16xf32>,
          %get3A_1062 = arith.constant 0 : i32
          %get3A_1063 = arith.index_cast %get3A_1062 : i32 to index
          %get3A_1064 = arith.index_cast %add3A_1051 : i32 to index
          %get3A_1065 = arith.constant 32 : index
          %get3A_1066 = tpu.vector_load %arg7[%get3A_1063, %get3A_1064, %get3A_1065] {strides = array<i32>} : memref<8x80x64xf32, #tpu.memory_space<vmem>>, vector<16xf32>,
          %get3A_1067 = arith.constant 0 : i32
          %get3A_1068 = arith.index_cast %get3A_1067 : i32 to index
          %get3A_1069 = arith.index_cast %add3A_1051 : i32 to index
          %get3A_1070 = arith.constant 48 : index
          %get3A_1071 = tpu.vector_load %arg7[%get3A_1068, %get3A_1069, %get3A_1070] {strides = array<i32>} : memref<8x80x64xf32, #tpu.memory_space<vmem>>, vector<16xf32>,
          %get3A_1072 = arith.constant 1 : i32
          %get3A_1073 = arith.index_cast %get3A_1072 : i32 to index
          %get3A_1074 = arith.index_cast %add3A_1051 : i32 to index
          %get3A_1075 = arith.constant 0 : index
          %get3A_1076 = tpu.vector_load %arg7[%get3A_1073, %get3A_1074, %get3A_1075] {strides = array<i32>} : memref<8x80x64xf32, #tpu.memory_space<vmem>>, vector<16xf32>,
          %add3A_1077 = arith.addf %get3A_1056, %get3A_1076 : vector<16xf32>
          %get3A_1078 = arith.constant 1 : i32
          %get3A_1079 = arith.index_cast %get3A_1078 : i32 to index
          %get3A_1080 = arith.index_cast %add3A_1051 : i32 to index
          %get3A_1081 = arith.constant 16 : index
          %get3A_1082 = tpu.vector_load %arg7[%get3A_1079, %get3A_1080, %get3A_1081] {strides = array<i32>} : memref<8x80x64xf32, #tpu.memory_space<vmem>>, vector<16xf32>,
          %add3A_1083 = arith.addf %get3A_1061, %get3A_1082 : vector<16xf32>
          %get3A_1084 = arith.constant 1 : i32
          %get3A_1085 = arith.index_cast %get3A_1084 : i32 to index
          %get3A_1086 = arith.index_cast %add3A_1051 : i32 to index
          %get3A_1087 = arith.constant 32 : index
          %get3A_1088 = tpu.vector_load %arg7[%get3A_1085, %get3A_1086, %get3A_1087] {strides = array<i32>} : memref<8x80x64xf32, #tpu.memory_space<vmem>>, vector<16xf32>,
          %add3A_1089 = arith.addf %get3A_1066, %get3A_1088 : vector<16xf32>
          %get3A_1090 = arith.constant 1 : i32
          %get3A_1091 = arith.index_cast %get3A_1090 : i32 to index
          %get3A_1092 = arith.index_cast %add3A_1051 : i32 to index
          %get3A_1093 = arith.constant 48 : index
          %get3A_1094 = tpu.vector_load %arg7[%get3A_1091, %get3A_1092, %get3A_1093] {strides = array<i32>} : memref<8x80x64xf32, #tpu.memory_space<vmem>>, vector<16xf32>,
          %add3A_1095 = arith.addf %get3A_1071, %get3A_1094 : vector<16xf32>
          %get3A_1096 = arith.constant 2 : i32
          %get3A_1097 = arith.index_cast %get3A_1096 : i32 to index
          %get3A_1098 = arith.index_cast %add3A_1051 : i32 to index
          %get3A_1099 = arith.constant 0 : index
          %get3A_1100 = tpu.vector_load %arg7[%get3A_1097, %get3A_1098, %get3A_1099] {strides = array<i32>} : memref<8x80x64xf32, #tpu.memory_space<vmem>>, vector<16xf32>,
          %add3A_1101 = arith.addf %add3A_1077, %get3A_1100 : vector<16xf32>
          %get3A_1102 = arith.constant 2 : i32
          %get3A_1103 = arith.index_cast %get3A_1102 : i32 to index
          %get3A_1104 = arith.index_cast %add3A_1051 : i32 to index
          %get3A_1105 = arith.constant 16 : index
          %get3A_1106 = tpu.vector_load %arg7[%get3A_1103, %get3A_1104, %get3A_1105] {strides = array<i32>} : memref<8x80x64xf32, #tpu.memory_space<vmem>>, vector<16xf32>,
          %add3A_1107 = arith.addf %add3A_1083, %get3A_1106 : vector<16xf32>
          %get3A_1108 = arith.constant 2 : i32
          %get3A_1109 = arith.index_cast %get3A_1108 : i32 to index
          %get3A_1110 = arith.index_cast %add3A_1051 : i32 to index
          %get3A_1111 = arith.constant 32 : index
          %get3A_1112 = tpu.vector_load %arg7[%get3A_1109, %get3A_1110, %get3A_1111] {strides = array<i32>} : memref<8x80x64xf32, #tpu.memory_space<vmem>>, vector<16xf32>,
          %add3A_1113 = arith.addf %add3A_1089, %get3A_1112 : vector<16xf32>
          %get3A_1114 = arith.constant 2 : i32
          %get3A_1115 = arith.index_cast %get3A_1114 : i32 to index
          %get3A_1116 = arith.index_cast %add3A_1051 : i32 to index
          %get3A_1117 = arith.constant 48 : index
          %get3A_1118 = tpu.vector_load %arg7[%get3A_1115, %get3A_1116, %get3A_1117] {strides = array<i32>} : memref<8x80x64xf32, #tpu.memory_space<vmem>>, vector<16xf32>,
          %add3A_1119 = arith.addf %add3A_1095, %get3A_1118 : vector<16xf32>
          %get3A_1120 = arith.constant 3 : i32
          %get3A_1121 = arith.index_cast %get3A_1120 : i32 to index
          %get3A_1122 = arith.index_cast %add3A_1051 : i32 to index
          %get3A_1123 = arith.constant 0 : index
          %get3A_1124 = tpu.vector_load %arg7[%get3A_1121, %get3A_1122, %get3A_1123] {strides = array<i32>} : memref<8x80x64xf32, #tpu.memory_space<vmem>>, vector<16xf32>,
          %add3A_1125 = arith.addf %add3A_1101, %get3A_1124 : vector<16xf32>
          %get3A_1126 = arith.constant 3 : i32
          %get3A_1127 = arith.index_cast %get3A_1126 : i32 to index
          %get3A_1128 = arith.index_cast %add3A_1051 : i32 to index
          %get3A_1129 = arith.constant 16 : index
          %get3A_1130 = tpu.vector_load %arg7[%get3A_1127, %get3A_1128, %get3A_1129] {strides = array<i32>} : memref<8x80x64xf32, #tpu.memory_space<vmem>>, vector<16xf32>,
          %add3A_1131 = arith.addf %add3A_1107, %get3A_1130 : vector<16xf32>
          %get3A_1132 = arith.constant 3 : i32
          %get3A_1133 = arith.index_cast %get3A_1132 : i32 to index
          %get3A_1134 = arith.index_cast %add3A_1051 : i32 to index
          %get3A_1135 = arith.constant 32 : index
          %get3A_1136 = tpu.vector_load %arg7[%get3A_1133, %get3A_1134, %get3A_1135] {strides = array<i32>} : memref<8x80x64xf32, #tpu.memory_space<vmem>>, vector<16xf32>,
          %add3A_1137 = arith.addf %add3A_1113, %get3A_1136 : vector<16xf32>
          %get3A_1138 = arith.constant 3 : i32
          %get3A_1139 = arith.index_cast %get3A_1138 : i32 to index
          %get3A_1140 = arith.index_cast %add3A_1051 : i32 to index
          %get3A_1141 = arith.constant 48 : index
          %get3A_1142 = tpu.vector_load %arg7[%get3A_1139, %get3A_1140, %get3A_1141] {strides = array<i32>} : memref<8x80x64xf32, #tpu.memory_space<vmem>>, vector<16xf32>,
          %add3A_1143 = arith.addf %add3A_1119, %get3A_1142 : vector<16xf32>
          %get3A_1144 = arith.constant 4 : i32
          %get3A_1145 = arith.index_cast %get3A_1144 : i32 to index
          %get3A_1146 = arith.index_cast %add3A_1051 : i32 to index
          %get3A_1147 = arith.constant 0 : index
          %get3A_1148 = tpu.vector_load %arg7[%get3A_1145, %get3A_1146, %get3A_1147] {strides = array<i32>} : memref<8x80x64xf32, #tpu.memory_space<vmem>>, vector<16xf32>,
          %add3A_1149 = arith.addf %add3A_1125, %get3A_1148 : vector<16xf32>
          %get3A_1150 = arith.constant 4 : i32
          %get3A_1151 = arith.index_cast %get3A_1150 : i32 to index
          %get3A_1152 = arith.index_cast %add3A_1051 : i32 to index
          %get3A_1153 = arith.constant 16 : index
          %get3A_1154 = tpu.vector_load %arg7[%get3A_1151, %get3A_1152, %get3A_1153] {strides = array<i32>} : memref<8x80x64xf32, #tpu.memory_space<vmem>>, vector<16xf32>,
          %add3A_1155 = arith.addf %add3A_1131, %get3A_1154 : vector<16xf32>
          %get3A_1156 = arith.constant 4 : i32
          %get3A_1157 = arith.index_cast %get3A_1156 : i32 to index
          %get3A_1158 = arith.index_cast %add3A_1051 : i32 to index
          %get3A_1159 = arith.constant 32 : index
          %get3A_1160 = tpu.vector_load %arg7[%get3A_1157, %get3A_1158, %get3A_1159] {strides = array<i32>} : memref<8x80x64xf32, #tpu.memory_space<vmem>>, vector<16xf32>,
          %add3A_1161 = arith.addf %add3A_1137, %get3A_1160 : vector<16xf32>
          %get3A_1162 = arith.constant 4 : i32
          %get3A_1163 = arith.index_cast %get3A_1162 : i32 to index
          %get3A_1164 = arith.index_cast %add3A_1051 : i32 to index
          %get3A_1165 = arith.constant 48 : index
          %get3A_1166 = tpu.vector_load %arg7[%get3A_1163, %get3A_1164, %get3A_1165] {strides = array<i32>} : memref<8x80x64xf32, #tpu.memory_space<vmem>>, vector<16xf32>,
          %add3A_1167 = arith.addf %add3A_1143, %get3A_1166 : vector<16xf32>
          %get3A_1168 = arith.constant 5 : i32
          %get3A_1169 = arith.index_cast %get3A_1168 : i32 to index
          %get3A_1170 = arith.index_cast %add3A_1051 : i32 to index
          %get3A_1171 = arith.constant 0 : index
          %get3A_1172 = tpu.vector_load %arg7[%get3A_1169, %get3A_1170, %get3A_1171] {strides = array<i32>} : memref<8x80x64xf32, #tpu.memory_space<vmem>>, vector<16xf32>,
          %add3A_1173 = arith.addf %add3A_1149, %get3A_1172 : vector<16xf32>
          %get3A_1174 = arith.constant 5 : i32
          %get3A_1175 = arith.index_cast %get3A_1174 : i32 to index
          %get3A_1176 = arith.index_cast %add3A_1051 : i32 to index
          %get3A_1177 = arith.constant 16 : index
          %get3A_1178 = tpu.vector_load %arg7[%get3A_1175, %get3A_1176, %get3A_1177] {strides = array<i32>} : memref<8x80x64xf32, #tpu.memory_space<vmem>>, vector<16xf32>,
          %add3A_1179 = arith.addf %add3A_1155, %get3A_1178 : vector<16xf32>
          %get3A_1180 = arith.constant 5 : i32
          %get3A_1181 = arith.index_cast %get3A_1180 : i32 to index
          %get3A_1182 = arith.index_cast %add3A_1051 : i32 to index
          %get3A_1183 = arith.constant 32 : index
          %get3A_1184 = tpu.vector_load %arg7[%get3A_1181, %get3A_1182, %get3A_1183] {strides = array<i32>} : memref<8x80x64xf32, #tpu.memory_space<vmem>>, vector<16xf32>,
          %add3A_1185 = arith.addf %add3A_1161, %get3A_1184 : vector<16xf32>
          %get3A_1186 = arith.constant 5 : i32
          %get3A_1187 = arith.index_cast %get3A_1186 : i32 to index
          %get3A_1188 = arith.index_cast %add3A_1051 : i32 to index
          %get3A_1189 = arith.constant 48 : index
          %get3A_1190 = tpu.vector_load %arg7[%get3A_1187, %get3A_1188, %get3A_1189] {strides = array<i32>} : memref<8x80x64xf32, #tpu.memory_space<vmem>>, vector<16xf32>,
          %add3A_1191 = arith.addf %add3A_1167, %get3A_1190 : vector<16xf32>
          %get3A_1192 = arith.constant 6 : i32
          %get3A_1193 = arith.index_cast %get3A_1192 : i32 to index
          %get3A_1194 = arith.index_cast %add3A_1051 : i32 to index
          %get3A_1195 = arith.constant 0 : index
          %get3A_1196 = tpu.vector_load %arg7[%get3A_1193, %get3A_1194, %get3A_1195] {strides = array<i32>} : memref<8x80x64xf32, #tpu.memory_space<vmem>>, vector<16xf32>,
          %add3A_1197 = arith.addf %add3A_1173, %get3A_1196 : vector<16xf32>
          %get3A_1198 = arith.constant 6 : i32
          %get3A_1199 = arith.index_cast %get3A_1198 : i32 to index
          %get3A_1200 = arith.index_cast %add3A_1051 : i32 to index
          %get3A_1201 = arith.constant 16 : index
          %get3A_1202 = tpu.vector_load %arg7[%get3A_1199, %get3A_1200, %get3A_1201] {strides = array<i32>} : memref<8x80x64xf32, #tpu.memory_space<vmem>>, vector<16xf32>,
          %add3A_1203 = arith.addf %add3A_1179, %get3A_1202 : vector<16xf32>
          %get3A_1204 = arith.constant 6 : i32
          %get3A_1205 = arith.index_cast %get3A_1204 : i32 to index
          %get3A_1206 = arith.index_cast %add3A_1051 : i32 to index
          %get3A_1207 = arith.constant 32 : index
          %get3A_1208 = tpu.vector_load %arg7[%get3A_1205, %get3A_1206, %get3A_1207] {strides = array<i32>} : memref<8x80x64xf32, #tpu.memory_space<vmem>>, vector<16xf32>,
          %add3A_1209 = arith.addf %add3A_1185, %get3A_1208 : vector<16xf32>
          %get3A_1210 = arith.constant 6 : i32
          %get3A_1211 = arith.index_cast %get3A_1210 : i32 to index
          %get3A_1212 = arith.index_cast %add3A_1051 : i32 to index
          %get3A_1213 = arith.constant 48 : index
          %get3A_1214 = tpu.vector_load %arg7[%get3A_1211, %get3A_1212, %get3A_1213] {strides = array<i32>} : memref<8x80x64xf32, #tpu.memory_space<vmem>>, vector<16xf32>,
          %add3A_1215 = arith.addf %add3A_1191, %get3A_1214 : vector<16xf32>
          %get3A_1216 = arith.constant 7 : i32
          %get3A_1217 = arith.index_cast %get3A_1216 : i32 to index
          %get3A_1218 = arith.index_cast %add3A_1051 : i32 to index
          %get3A_1219 = arith.constant 0 : index
          %get3A_1220 = tpu.vector_load %arg7[%get3A_1217, %get3A_1218, %get3A_1219] {strides = array<i32>} : memref<8x80x64xf32, #tpu.memory_space<vmem>>, vector<16xf32>,
          %add3A_1221 = arith.addf %add3A_1197, %get3A_1220 : vector<16xf32>
          %get3A_1222 = arith.constant 7 : i32
          %get3A_1223 = arith.index_cast %get3A_1222 : i32 to index
          %get3A_1224 = arith.index_cast %add3A_1051 : i32 to index
          %get3A_1225 = arith.constant 16 : index
          %get3A_1226 = tpu.vector_load %arg7[%get3A_1223, %get3A_1224, %get3A_1225] {strides = array<i32>} : memref<8x80x64xf32, #tpu.memory_space<vmem>>, vector<16xf32>,
          %add3A_1227 = arith.addf %add3A_1203, %get3A_1226 : vector<16xf32>
          %get3A_1228 = arith.constant 7 : i32
          %get3A_1229 = arith.index_cast %get3A_1228 : i32 to index
          %get3A_1230 = arith.index_cast %add3A_1051 : i32 to index
          %get3A_1231 = arith.constant 32 : index
          %get3A_1232 = tpu.vector_load %arg7[%get3A_1229, %get3A_1230, %get3A_1231] {strides = array<i32>} : memref<8x80x64xf32, #tpu.memory_space<vmem>>, vector<16xf32>,
          %add3A_1233 = arith.addf %add3A_1209, %get3A_1232 : vector<16xf32>
          %get3A_1234 = arith.constant 7 : i32
          %get3A_1235 = arith.index_cast %get3A_1234 : i32 to index
          %get3A_1236 = arith.index_cast %add3A_1051 : i32 to index
          %get3A_1237 = arith.constant 48 : index
          %get3A_1238 = tpu.vector_load %arg7[%get3A_1235, %get3A_1236, %get3A_1237] {strides = array<i32>} : memref<8x80x64xf32, #tpu.memory_space<vmem>>, vector<16xf32>,
          %add3A_1239 = arith.addf %add3A_1215, %get3A_1238 : vector<16xf32>
          %broadcast_in_dim3A_1240 = vector.broadcast %add3A_1051 : i32 to vector<16xi32>
          tpu.vector_store_idx %arg9[%add3A_441, %broadcast_in_dim3A_1240], %add3A_1221 : memref<64x81xf32, #tpu.memory_space<vmem>>[vector<16xi32>, vector<16xi32>], vector<16xf32>,
          tpu.vector_store_idx %arg9[%add3A_444, %broadcast_in_dim3A_1240], %add3A_1227 : memref<64x81xf32, #tpu.memory_space<vmem>>[vector<16xi32>, vector<16xi32>], vector<16xf32>,
          tpu.vector_store_idx %arg9[%add3A_447, %broadcast_in_dim3A_1240], %add3A_1233 : memref<64x81xf32, #tpu.memory_space<vmem>>[vector<16xi32>, vector<16xi32>], vector<16xf32>,
          tpu.vector_store_idx %arg9[%add3A_450, %broadcast_in_dim3A_1240], %add3A_1239 : memref<64x81xf32, #tpu.memory_space<vmem>>[vector<16xi32>, vector<16xi32>], vector<16xf32>,
        }
        %scan3A_456 = arith.constant 20 : i32
        %add3A_457 = arith.addi %add3A_6, %add3A_143 : i32
        %mul3A_458 = arith.constant 80 : i32
        %mul3A_459 = arith.muli %add3A_457, %mul3A_458 : i32
        %dma_start3A_460 = arith.constant 0 : i32
        %dma_start3A_461 = arith.constant 0 : i32
        %dma_start3A_462 = tpu.memref_slice %arg9[%dma_start3A_460, %dma_start3A_461] : memref<64x81xf32, #tpu.memory_space<vmem>> -> memref<64x80xf32, #tpu.memory_space<vmem>>
        %dma_start3A_463 = arith.constant 0 : i32
        %dma_start3A_464 = tpu.memref_slice %arg4[%dma_start3A_463, %mul3A_459] : memref<64x100000xf32, #tpu.memory_space<hbm>> -> memref<64x80xf32, #tpu.memory_space<hbm>>
        %dma_start3A_465 = arith.constant 0 : i32
        %dma_start3A_466 = tpu.memref_slice %arg4[%dma_start3A_465, %mul3A_459] : memref<64x100000xf32, #tpu.memory_space<hbm>> -> memref<64x80xf32, #tpu.memory_space<hbm>>
        %dma_start3A_467 = arith.constant 0 : i32
        %dma_start3A_468 = arith.constant 0 : i32
        %dma_start3A_469 = tpu.memref_slice %arg9[%dma_start3A_467, %dma_start3A_468] : memref<64x81xf32, #tpu.memory_space<vmem>> -> memref<64x80xf32, #tpu.memory_space<vmem>>
        tpu.enqueue_dma source(%dma_start3A_469 : memref<64x80xf32, #tpu.memory_space<vmem>>) target(%dma_start3A_466 : memref<64x80xf32, #tpu.memory_space<hbm>>) target_semaphore(%arg13 : memref<!tpu.dma_semaphore, #tpu.memory_space<semaphore_mem>>)
      } else {
      }
    }
    %scan3A_115 = arith.constant 20 : i32
    %dma_wait3A = arith.constant 0 : i32
    %dma_wait3A_116 = arith.constant 0 : i32
    %dma_wait3A_117 = tpu.memref_slice %arg8[%dma_wait3A, %dma_wait3A_116] : memref<64x81xf32, #tpu.memory_space<vmem>> -> memref<64x80xf32, #tpu.memory_space<vmem>>
    %dma_wait3A_118 = arith.constant 0 : i32
    %dma_wait3A_119 = arith.constant 0 : i32
    %dma_wait3A_120 = tpu.memref_slice %arg4[%dma_wait3A_118, %dma_wait3A_119] : memref<64x100000xf32, #tpu.memory_space<hbm>> -> memref<64x80xf32, #tpu.memory_space<hbm>>
    %dma_wait3A_121 = arith.constant 0 : i32
    %dma_wait3A_122 = arith.constant 0 : i32
    %dma_wait3A_123 = tpu.memref_slice %arg4[%dma_wait3A_121, %dma_wait3A_122] : memref<64x100000xf32, #tpu.memory_space<hbm>> -> memref<64x80xf32, #tpu.memory_space<hbm>>
    %dma_wait3A_124 = arith.constant 0 : i32
    %dma_wait3A_125 = arith.constant 0 : i32
    %dma_wait3A_126 = tpu.memref_slice %arg8[%dma_wait3A_124, %dma_wait3A_125] : memref<64x81xf32, #tpu.memory_space<vmem>> -> memref<64x80xf32, #tpu.memory_space<vmem>>
    tpu.wait_dma2 semaphore(%arg12 : memref<!tpu.dma_semaphore, #tpu.memory_space<semaphore_mem>>) src(%dma_wait3A_126 : memref<64x80xf32, #tpu.memory_space<vmem>>) dst(%dma_wait3A_123 : memref<64x80xf32, #tpu.memory_space<hbm>>)
    %dma_wait3A_127 = arith.constant 0 : i32
    %dma_wait3A_128 = arith.constant 0 : i32
    %dma_wait3A_129 = tpu.memref_slice %arg9[%dma_wait3A_127, %dma_wait3A_128] : memref<64x81xf32, #tpu.memory_space<vmem>> -> memref<64x80xf32, #tpu.memory_space<vmem>>
    %dma_wait3A_130 = arith.constant 0 : i32
    %dma_wait3A_131 = arith.constant 0 : i32
    %dma_wait3A_132 = tpu.memref_slice %arg4[%dma_wait3A_130, %dma_wait3A_131] : memref<64x100000xf32, #tpu.memory_space<hbm>> -> memref<64x80xf32, #tpu.memory_space<hbm>>
    %dma_wait3A_133 = arith.constant 0 : i32
    %dma_wait3A_134 = arith.constant 0 : i32
    %dma_wait3A_135 = tpu.memref_slice %arg4[%dma_wait3A_133, %dma_wait3A_134] : memref<64x100000xf32, #tpu.memory_space<hbm>> -> memref<64x80xf32, #tpu.memory_space<hbm>>
    %dma_wait3A_136 = arith.constant 0 : i32
    %dma_wait3A_137 = arith.constant 0 : i32
    %dma_wait3A_138 = tpu.memref_slice %arg9[%dma_wait3A_136, %dma_wait3A_137] : memref<64x81xf32, #tpu.memory_space<vmem>> -> memref<64x80xf32, #tpu.memory_space<vmem>>
    tpu.wait_dma2 semaphore(%arg13 : memref<!tpu.dma_semaphore, #tpu.memory_space<semaphore_mem>>) src(%dma_wait3A_138 : memref<64x80xf32, #tpu.memory_space<vmem>>) dst(%dma_wait3A_135 : memref<64x80xf32, #tpu.memory_space<hbm>>)
    return
  }
}

</mosaic_0001>

<sc_bundles>
// kernel: kernel.3.cloned.1.call-start
scs
__scs_entry_jumppad:
0x0: {  	(pc) =	sbr.rel $0x88, $3  }
0x1: {  	(tag) =	ssettag $0x0;
	lr =	simm.s32 $0x1  }
0x2: {  	[smem:$0x3F9F] =	sst lr;
	_ =	strace $0xD0000000  }
0x3: {  	_ = 	snop  }
0x4: {  	_ = 	snop  }
0x5: {  	_ = 	snop  }
0x6: {  	_ = 	snop  }
0x7: {  	_ = 	snop  }
__scs_overlays_trampoline_lowered:
0x8: {  	[smem:$0x3FAE] =	sst s0  }
0x9: {  	[smem:$0x3FAF] =	sst s1  }
0xa: {  	[smem:$0x3FB0] =	sst s2  }
0xb: {  	[smem:$0x3FB1] =	sst s3  }
0xc: {  	[smem:$0x3FB2] =	sst s4  }
0xd: {  	[smem:$0x3FB3] =	sst s5  }
0xe: {  	[smem:$0x3FB4] =	sst s6  }
0xf: {  	[smem:$0x3FB5] =	sst s7  }
0x10: {  	[smem:$0x3FB6] =	sst s8  }
0x11: {  	[smem:$0x3FB7] =	sst s9;
	s0 =	simm.s32 @!p0 $0x0  }
0x12: {  	s1 =	sld [smem:$0x3F9D];
	s0 =	simm.s32 @p0 $0x1  }
0x13: {  	[smem:$0x3FB8] =	sst s0;
	s0 =	simm.s32 @!p1 $0x0  }
0x14: {  	s2 =	sld [smem:$0x3F9C];
	s0 =	simm.s32 @p1 $0x1  }
0x15: {  	[smem:$0x3FB9] =	sst s0;
	s0 =	simm.s32 @!p2 $0x0  }
0x16: {  	s3 =	sld [smem:$0x3FDB];
	s0 =	simm.s32 @p2 $0x1  }
0x17: {  	s4 =	simm.s32 $0x1BF5;
	[smem:$0x3FBB] =	sst s0  }
0x18: {  	s0 =	sld [smem:$0x3F9E];
	_ =	swait.ge [sflag:s4], $0x0  }
0x19: {  	s7 =	sld [smem:$0x3F9F]  }
0x1a: {  	s8 =	sadd.s32 $0xFFFFE003, lr  }
0x1b: {  	s9 =	sadd.s32 $0xFFFFFEF7, lr;
	s5 =	simm.s32 $0xFFFFFFFF;
	p2 =	slt.u32 s8, $0xFFFFF086  }
0x1c: {  	p1 =	slt.u32 s9, $0xF7A;
	s5 =	simm.s32 @!p2 $0x0  }
0x1d: {  	s5 =	simm.s32 @p1 $0x1;
	p0 =	seq.s32 s7, s2  }
0x1e: {  	s7 =	smul.u32 @!p0 $0xF7A, s2;
	p2 =	seq.s32 @!p0 s5, $0x0  }
0x1f: {  	s9 =	smul.u32 $0xF7A, s1;
	s8 =	simm.s32 @!p0 $0x1BF5;
	p2 =	por !p2, p0  }
0x20: {  	[sflag:s8] =	ssyncset.s32 @!p0 $0xFFFFF086;
	s6 =	sadd.s32 @!p0 s3, s7;
	s7 =	simm.s32 @!p0 $0x108  }
0x21: {  	s3 =	sadd.s32 s3, s9;
	s6 =	sadd.s32 @!p0 $0x88, s6;
	s7 =	simm.s32 @p2 $0x1082  }
0x22: {  	[simem:s7], [sflag:s8] =	dma.local @!p0 [hbm:s6], $0xF7A  }
0x23: {  	s9 =	sor.u32 $0xD0000000, s2;
	s6 =	simm.s32 $0x108;
	_ =	swait.ge @!p0 [sflag:s8], $0x0  }
0x24: {  	s3 =	sadd.s32 $0x88, s3;
	s6 =	simm.s32 @!p1 $0x1082;
	[sflag:s4] =	ssyncset.s32 $0xFFFFF086  }
0x25: {  	[simem:s6], [sflag:s4] =	dma.local [hbm:s3], $0xF7A  }
0x26: {  	[smem:$0x3F9F] =	sst s1;
	(tag) =	ssettag s2;
	_ =	strace s9  }
0x27: {  	s1 =	sld [smem:$0x3FAF]  }
0x28: {  	s2 =	sld [smem:$0x3FB0]  }
0x29: {  	s4 =	sld [smem:$0x3FB2]  }
0x2a: {  	p0 =	seq.s32 s5, $0x0;
	s5 =	sld [smem:$0x3FB3]  }
0x2b: {  	s6 =	sld [smem:$0x3FB4]  }
0x2c: {  	s7 =	sld [smem:$0x3FB5]  }
0x2d: {  	s3 =	simm.s32 $0x108;
	s8 =	sld [smem:$0x3FB6]  }
0x2e: {  	s3 =	simm.s32 @!p0 $0x1082;
	s9 =	sld [smem:$0x3FB7]  }
0x2f: {  	lr =	sadd.s32 s0, s3;
	s0 =	sld [smem:$0x3FAE]  }
0x30: {  	s3 =	sld [smem:$0x3FB1]  }
0x31: {  	[smem:$0x3FBA] =	sst s10  }
0x32: {  	s10 =	sld [smem:$0x3FB8];
	_ =	sdelay $0x3  }
0x33: {  	p0 =	seq.s32 s10, $0x1;
	s10 =	sld [smem:$0x3FBA];
	_ =	sdelay $0x3  }
0x34: {  	[smem:$0x3FBA] =	sst s10  }
0x35: {  	s10 =	sld [smem:$0x3FB9];
	_ =	sdelay $0x3  }
0x36: {  	p1 =	seq.s32 s10, $0x1;
	s10 =	sld [smem:$0x3FBA];
	_ =	sdelay $0x3  }
0x37: {  	[smem:$0x3FBA] =	sst s10  }
0x38: {  	s10 =	sld [smem:$0x3FBB]  }
0x39: {  	_ = 	snop;
	(pc) =	sbr.ind lr, $3  }
0x3a: {  	_ = 	snop  }
0x3b: {  	_ = 	snop  }
0x3c: {  	p2 =	seq.s32 s10, $0x1;
	s10 =	sld [smem:$0x3FBA]  }
0x3d: {  	_ =	shalt  }
0x3e: {  	_ =	shalt  }
0x3f: {  	_ =	shalt  }
0x40: {  	_ =	shalt  }
0x41: {  	_ =	shalt  }
0x42: {  	_ =	shalt  }
0x43: {  	_ =	shalt  }
0x44: {  	_ =	shalt  }
0x45: {  	_ =	shalt  }
0x46: {  	_ =	shalt  }
0x47: {  	_ =	shalt  }
0x48: {  	_ =	shalt  }
0x49: {  	_ =	shalt  }
0x4a: {  	_ =	shalt  }
0x4b: {  	_ =	shalt  }
0x4c: {  	_ =	shalt  }
0x4d: {  	_ =	shalt  }
0x4e: {  	_ =	shalt  }
0x4f: {  	_ =	shalt  }
0x50: {  	_ =	shalt  }
0x51: {  	_ =	shalt  }
0x52: {  	_ =	shalt  }
0x53: {  	_ =	shalt  }
0x54: {  	_ =	shalt  }
0x55: {  	_ =	shalt  }
0x56: {  	_ =	shalt  }
0x57: {  	_ =	shalt  }
0x58: {  	_ =	shalt  }
0x59: {  	_ =	shalt  }
0x5a: {  	_ =	shalt  }
0x5b: {  	_ =	shalt  }
0x5c: {  	_ =	shalt  }
0x5d: {  	_ =	shalt  }
0x5e: {  	_ =	shalt  }
0x5f: {  	_ =	shalt  }
0x60: {  	_ =	shalt  }
0x61: {  	_ =	shalt  }
0x62: {  	_ =	shalt  }
0x63: {  	_ =	shalt  }
0x64: {  	_ =	shalt  }
0x65: {  	_ =	shalt  }
0x66: {  	_ =	shalt  }
0x67: {  	_ =	shalt  }
0x68: {  	_ =	shalt  }
0x69: {  	_ =	shalt  }
0x6a: {  	_ =	shalt  }
0x6b: {  	_ =	shalt  }
0x6c: {  	_ =	shalt  }
0x6d: {  	_ =	shalt  }
0x6e: {  	_ =	shalt  }
0x6f: {  	_ =	shalt  }
0x70: {  	_ =	shalt  }
0x71: {  	_ =	shalt  }
0x72: {  	_ =	shalt  }
0x73: {  	_ =	shalt  }
0x74: {  	_ =	shalt  }
0x75: {  	_ =	shalt  }
0x76: {  	_ =	shalt  }
0x77: {  	_ =	shalt  }
0x78: {  	_ =	shalt  }
0x79: {  	_ =	shalt  }
0x7a: {  	_ =	shalt  }
0x7b: {  	_ =	shalt  }
0x7c: {  	_ =	shalt  }
0x7d: {  	_ =	shalt  }
0x7e: {  	_ =	shalt  }
0x7f: {  	_ =	shalt  }
0x80: {  	_ =	shalt  }
0x81: {  	_ =	shalt  }
0x82: {  	_ =	shalt  }
0x83: {  	_ =	shalt  }
0x84: {  	_ =	shalt  }
0x85: {  	_ =	shalt  }
0x86: {  	_ =	shalt  }
0x87: {  	_ =	shalt  }
.Lfunc_end0:
.L_simem_size_0:
called_computation_lowered:
.L_overlay_start_0:
0x88: {  	s2 =	sld [smem:$0x3FD9]  }
0x89: {  	s3 =	sld [smem:$0x3FFE];
	_ =	sdelay $0x1  }
0x8a: {  	s1 =	srdreg.scid  }
0x8b: {  	s0 =	sand.u32 $0x1, s1  }
0x8c: {  	s17 =	sshll.u32 s0, $0xA;
	s2 =	sadd.s32 s3, s2  }
0x8d: {  	s2 =	sadd.s32 s2, s17  }
0x8e: {  	[smem:$0x3FC6] =	sst s2  }
0x8f: {  	_ = 	snop  }
0x90: {  	s2 =	sld [smem:$0x3FD0];
	(tm) =	ssettm $0x1  }
0x91: {  	s18 =	sld [smem:$0x3FFB];
	_ =	sdelay $0x3  }
0x92: {  	_ =	strace s18  }
0x93: {  	s3 =	sld [smem:$0x3FFC];
	_ =	sdelay $0x3  }
0x94: {  	_ =	strace s3  }
0x95: {  	s3 =	sld [smem:$0x3FFD];
	_ =	sdelay $0x3  }
0x96: {  	_ =	strace s3  }
0x97: {  	_ =	strace $0x8FFFFFFF  }
0x98: {  	s19 =	sld [smem:$0x3FDB];
	_ =	sdelay $0x1  }
0x99: {  	s4 =	simm.s32 $_scs_section_size  }
0x9a: {  	s5 =	simm.s32 $_size__tile_overlayer_lowered;
	s6 =	simm.s32 $_tile_overlayer_lowered  }
0x9b: {  	s22 =	simm.s32 $0x1BFF;
	s21 =	sshll.u32 s6, $0x1;
	s3 =	sadd.s32 s4, s19  }
0x9c: {  	s7 =	simm.s32 $0x0;
	s20 =	sshll.u32 s5, $0x1;
	s5 =	sadd.s32 s21, s3  }
0x9d: {  	[timem:s7], [sflag:s22] =	dma.local [hbm:s5], s20  }
0x9e: {  	_ =	swait.ge [sflag:s22], s20  }
0x9f: {  	s4 =	ssub.s32 $0x0, s20;
	[sflag:s22] =	ssyncset.done $0x0  }
0xa0: {  	[sflag:s22] =	ssyncadd.s32 s4;
	_ =	sdelay $0x1  }
0xa1: {  	s23 =	simm.s32 $0x1B8B  }
0xa2: {  	_ =	swait.ge [sflag:s23], $0x1  }
0xa3: {  	[sflag:s23] =	ssyncset.done $0x0  }
0xa4: {  	s25 =	simm.s32 $0x1B8E;
	s24 =	sld [smem:$0x3FFE];
	[sflag:s23] =	ssyncadd.s32 $0xFFFFFFFF  }
0xa5: {  	s26 =	simm.s32 $execute0_lowered;
	[smem:$0x3FD2] =	sst s25  }
0xa6: {  	s5 =	sshll.u32 s26, $0x1;
	_ =	strace $0x80000046;
	[dreg:$0x1] =	wrdreg $0xFFFFFFFF  }
0xa7: {  	s28 =	simm.s32 $_size_execute0_lowered;
	s3 =	sadd.s32 s3, s5;
	[dreg:$0x0] =	wrdreg $0x0  }
0xa8: {  	s5 =	sshll.u32 s28, $0x1;
	[dreg:$0x2] =	wrdreg s3  }
0xa9: {  	[dreg:$0x3] =	wrdreg s5  }
0xaa: {  	[dreg:$0x4] =	wrdreg $0xC0  }
0xab: {  	_ =	task [dreg:s7], $0x5FFFF  }
0xac: {  	[dreg:$0x1] =	wrdreg $0xFFFFFFFF  }
0xad: {  	[dreg:$0x0] =	wrdreg $0x60  }
0xae: {  	[dreg:$0x2] =	wrdreg s24  }
0xaf: {  	[dreg:$0x3] =	wrdreg s2  }
0xb0: {  	[dreg:$0x4] =	wrdreg $0x9  }
0xb1: {  	_ =	task.clear_ibuf [dreg:s7], $0x5FFFF;
	_ =	strace $0x90000046  }
0xb2: {  	s29 =	simm.s32 $0x9;
	_ =	strace $0x80000048  }
0xb3: {  	_ =	swait.ge [sflag:s29], $0x1  }
0xb4: {  	[sflag:s29] =	ssyncadd.s32 $0xFFFFFFFF  }
0xb5: {  	_ =	strace $0x90000048  }
0xb6: {  	_ =	sfence  }
0xb7: {  	s30 =	sld [smem:$0x0];
	_ =	sdelay $0x2  }
0xb8: {  	s31 =	sshll.u32 s1, $0xD;
	s1 =	sshrl.u32 s1, $0x2  }
0xb9: {  	s3 =	sand.u32 $0x4000, s31;
	s1 =	sadd.s32 s1, s30  }
0xba: {  	s0 =	sor.u32 s3, s0;
	s1 =	sshll.u32 s1, $0x11  }
0xbb: {  	s0 =	sor.u32 s1, s0  }
0xbc: {  	s0 =	sadd.s32 $0x8F2B, s0  }
0xbd: {  	[sflag:s0] =	ssyncadd.remote.s32 $0x1  }
0xbe: {  	_ =	sfence.sel $0xFFFF  }
0xbf: {  	[dreg:$0x0] =	wrdreg $0xFFFFFFFF;
	(pc) =	sbr.abs _section_cstart, $3  }
0xc0: {  	[dreg:$0x1] =	wrdreg $0xFFFFFFFF  }
0xc1: {  	_ =	task.clear_ibuf [dreg:s7], $0x2FFFF;
	_ =	strace $0x9FFFFFFF  }
0xc2: {  	(tm) =	ssettm $0x7FFFFFFF  }
0xc3: {  	_ =	shalt  }
tec
execute0_lowered:
.L_overlay_start_1:
0x0: {  	(tag) =	ssettag $0x1  }
0x1: {  	s0 =	srdreg.scid  }
0x2: {  	s15 =	stileid.u32;
	s5 =	rddreg [dreg:$0x0]  }
0x3: {  	s31 =	simm.s32 $0xF000;
	s16 =	simm.s32 $0x1A400;
	s17 =	simm.s32 $0x2  }
0x4: {  	s18 =	simm.s32 $0x1BA00;
	s0 =	sand.u32 $0x1, s0;
	s1 =	sshll.u32 s15, $0x1  }
0x5: {  	s19 =	simm.s32 $0x3;
	s20 =	simm.s32 $0x4;
	s1 =	sor.u32 s0, s1  }
0x6: {  	s21 =	simm.s32 $0x0;
	p0 =	seq.s32 s15, $0x0;
	s2 =	smul.u32 $0x27, s1  }
0x7: {  	s0 =	ssub.s32 $0x2, s0;
	s3 =	smin.u32 s1, $0x2;
	s1 =	rddreg [dreg:$0x1]  }
0x8: {  	s6 =	sshrl.u32 s0, $0x1;
	s2 =	sadd.s32 s3, s2;
	s3 =	simm.s32 $0x0  }
0x9: {  	s0 =	ssub.s32 s0, s6;
	s4 =	smul.u32 $0xA, s2;
	[smem:$0x7FF] =	sst s3  }
0xa: {  	s7 =	smax.u32 s0, $0x1;
	s0 =	simm.s32 $0x1;
	_ =	strace $0x80000047  }
.Ltmp0:
0xb: {  	s14 =	sadd.s32 s4, s5;
	s4 =	simm.s32 $0x28;
	(pc) =	sbr.rel .LBB2_1-.Ltmp0, $4  }
0xc: {  	v0 =	vlaneseq.u32;
	s5 =	sadd.s32 $0x18E00, s5;
	s4 =	simm.s32 @!p0 $0x27;
	s6 =	sadd.s32 $0x600, s14  }
0xd: {  	v0 =	vmul.u32 $0x58, v0;
	s8 =	sadd.s32 $0x36D4, s14;
	s9 =	sadd.s32 $0x67A8, s14;
	s10 =	sadd.s32 $0x987C, s14  }
0xe: {  	s11 =	sadd.s32 $0xC950, s14;
	s12 =	sadd.s32 $0xFA24, s14;
	s13 =	sadd.s32 $0x12AF8, s14  }
0xf: {  	v1 =	vadd.s32 $0x580, v0;
	v2 =	vadd.s32 $0xB00, v0;
	v3 =	vadd.s32 $0x1080, v0;
	s14 =	sadd.s32 $0x15BCC, s14;
	p0 =	sne.s32 s15, $0x0;
	s15 =	simm.s32 $0x50  }
.LBB2_12:
0x10: {  	s21 =	sadd.s32 $0x1, s21  }
0x11: {  	_ =	swait.ge [sflag:s19], $0x1400;
	p1 =	sne.s32 s21, s7  }
.Ltmp1:
0x12: {  	[sflag:s19] =	ssyncset.done $0x0;
	(pc) =	sbr.rel @!p1 .LBB2_13-.Ltmp1, $4  }
0x13: {  	[sflag:s19] =	ssyncadd.s32 $0xFFFFEC00  }
0x14: {  	_ =	swait.ge [sflag:s20], $0x1400  }
0x15: {  	[sflag:s20] =	ssyncset.done $0x0  }
0x16: {  	[sflag:s20] =	ssyncadd.s32 $0xFFFFEC00  }
.LBB2_1:
0x17: {  	s22 =	simm.s32 @p0 $0x0  }
0x18: {  	[tilespmem:s22], [sflag:$0x5] =	stream.linear.gather @p0 [hbm4b:s6+s22], $0xC30, $0x38;
	[tilespmem:$0x1D000] =	vst v63  }
0x19: {  	s23 =	simm.s32 @p0 $0xC80  }
0x1a: {  	[tilespmem:s23], [sflag:$0x5] =	stream.linear.gather @p0 [hbm4b:s8+s22], $0xC30, $0x38;
	[tilespmem:$0x1D000] =	vst v63  }
0x1b: {  	s23 =	simm.s32 @p0 $0x1900  }
0x1c: {  	[tilespmem:s23], [sflag:$0x5] =	stream.linear.gather @p0 [hbm4b:s9+s22], $0xC30, $0x38;
	[tilespmem:$0x1D000] =	vst v63  }
0x1d: {  	s23 =	simm.s32 @p0 $0x2580  }
0x1e: {  	[tilespmem:s23], [sflag:$0x5] =	stream.linear.gather @p0 [hbm4b:s10+s22], $0xC30, $0x38;
	[tilespmem:$0x1D000] =	vst v63  }
0x1f: {  	s23 =	simm.s32 @p0 $0x3200  }
0x20: {  	[tilespmem:s23], [sflag:$0x5] =	stream.linear.gather @p0 [hbm4b:s11+s22], $0xC30, $0x38;
	[tilespmem:$0x1D000] =	vst v63  }
0x21: {  	s23 =	simm.s32 @p0 $0x3E80  }
0x22: {  	[tilespmem:s23], [sflag:$0x5] =	stream.linear.gather @p0 [hbm4b:s12+s22], $0xC30, $0x38;
	[tilespmem:$0x1D000] =	vst v63  }
0x23: {  	s23 =	simm.s32 @p0 $0x4B00  }
0x24: {  	[tilespmem:s23], [sflag:$0x5] =	stream.linear.gather @p0 [hbm4b:s13+s22], $0xC30, $0x38;
	[tilespmem:$0x1D000] =	vst v63  }
0x25: {  	s23 =	simm.s32 @p0 $0x5780  }
0x26: {  	[tilespmem:s23], [sflag:$0x5] =	stream.linear.gather @p0 [hbm4b:s14+s22], $0xC30, $0x38;
	[tilespmem:$0x1D000] =	vst v63  }
0x27: {  	s22 =	simm.s32 @p0 $0x5  }
0x28: {  	_ =	swait.ge @p0 [sflag:s22], $0x6180  }
0x29: {  	s24 =	simm.s32 @!p0 $0x0;
	[sflag:s22] =	ssyncset.done @p0 $0x0  }
0x2a: {  	s23 =	simm.s32 @!p0 $0x186A0;
	[sflag:s22] =	ssyncadd.s32 @p0 $0xFFFF9E80;
	s22 =	simm.s32 @!p0 $0xC80  }
0x2b: {  	[tilespmem:s24], [sflag:$0x5] =	stream.strided.gather @!p0 [hbm4b:s6+s22], $0x6400, s23, s22, $0x38;
	[tilespmem:$0x1D000] =	vst v63  }
0x2c: {  	s22 =	simm.s32 @!p0 $0x5  }
0x2d: {  	_ =	swait.ge @!p0 [sflag:s22], $0x6400  }
0x2e: {  	[sflag:s22] =	ssyncset.done @!p0 $0x0  }
0x2f: {  	s23 =	simm.s32 $0x6400;
	[sflag:s22] =	ssyncadd.s32 @!p0 $0xFFFF9C00  }
0x30: {  	[tilespmem:s23], [sflag:$0x1] =	stream.indirect.gather [hbm4b:s1+s15], $0x40, s3, s15, $0xb8;
	[tilespmem:$0x1D000] =	vst v63  }
0x31: {  	s25 =	simm.s32 $0x7800;
	s24 =	simm.s32 $0xC80  }
0x32: {  	[tilespmem:s25], [sflag:$0x1] =	stream.indirect.gather [hbm4b:s1+s15], $0x40, s24, s15, $0xb8;
	[tilespmem:$0x1D000] =	vst v63  }
0x33: {  	s26 =	simm.s32 $0x1900;
	s28 =	simm.s32 $0x8C00  }
0x34: {  	[tilespmem:s28], [sflag:$0x1] =	stream.indirect.gather [hbm4b:s1+s15], $0x40, s26, s15, $0xb8;
	[tilespmem:$0x1D000] =	vst v63  }
0x35: {  	s29 =	simm.s32 $0x2580;
	s30 =	simm.s32 $0xA000  }
0x36: {  	[tilespmem:s30], [sflag:$0x1] =	stream.indirect.gather [hbm4b:s1+s15], $0x40, s29, s15, $0xb8;
	[tilespmem:$0x1D000] =	vst v63  }
0x37: {  	s23 =	simm.s32 $0x3200;
	s24 =	simm.s32 $0xB400  }
0x38: {  	[tilespmem:s24], [sflag:$0x1] =	stream.indirect.gather [hbm4b:s1+s15], $0x40, s23, s15, $0xb8;
	[tilespmem:$0x1D000] =	vst v63  }
0x39: {  	s25 =	simm.s32 $0x3E80;
	s26 =	simm.s32 $0xC800  }
0x3a: {  	[tilespmem:s26], [sflag:$0x1] =	stream.indirect.gather [hbm4b:s1+s15], $0x40, s25, s15, $0xb8;
	[tilespmem:$0x1D000] =	vst v63  }
.Ltmp2:
0x3b: {  	_ = 	snop;
	(pc) =	sbr.rel .LBB2_2-.Ltmp2, $4  }
0x3c: {  	s28 =	simm.s32 $0x4B00;
	s29 =	simm.s32 $0xDC00  }
0x3d: {  	[tilespmem:s29], [sflag:$0x1] =	stream.indirect.gather [hbm4b:s1+s15], $0x40, s28, s15, $0xb8;
	[tilespmem:$0x1D000] =	vst v63  }
0x3e: {  	s22 =	simm.s32 $0x0;
	s30 =	simm.s32 $0x5780  }
0x3f: {  	[tilespmem:s31], [sflag:$0x1] =	stream.indirect.gather [hbm4b:s1+s15], $0x40, s30, s15, $0xb8;
	[tilespmem:$0x1D000] =	vst v63  }
.LBB2_11:
0x40: {  	s22 =	sadd.s32 $0x1, s22  }
0x41: {  	p1 =	sne.s32 s22, $0x14  }
.Ltmp3:
0x42: {  	_ = 	snop;
	(pc) =	sbr.rel @!p1 .LBB2_12-.Ltmp3, $1  }
0x43: {  	_ =	sdelay $0x3  }
.LBB2_2:
0x44: {  	s23 =	sshllo.u32 s22, $0x1  }
0x45: {  	p1 =	sge.u32 s23, s4  }
0x46: {  	s24 =	smul.u32 @!p1 $0x140, s23;
	_ =	sdelay $0x1  }
0x47: {  	s25 =	simm.s32 @!p1 $0x50;
	s26 =	simm.s32 @!p1 $0x10400;
	s24 =	sshra.s32 @!p1 s24, $0x2  }
0x48: {  	[tilespmem:s26], [sflag:$0x2] =	stream.indirect.gather @!p1 [hbm4b:s1+s25], $0x40, s24, s25, $0xb8;
	[tilespmem:$0x1D000] =	vst v63  }
0x49: {  	s28 =	simm.s32 @!p1 $0x11800;
	s26 =	sadd.s32 @!p1 $0xC80, s24  }
0x4a: {  	[tilespmem:s28], [sflag:$0x2] =	stream.indirect.gather @!p1 [hbm4b:s1+s25], $0x40, s26, s25, $0xb8;
	[tilespmem:$0x1D000] =	vst v63  }
0x4b: {  	s26 =	sadd.s32 @!p1 $0x1900, s24;
	s28 =	simm.s32 @!p1 $0x12C00  }
0x4c: {  	[tilespmem:s28], [sflag:$0x2] =	stream.indirect.gather @!p1 [hbm4b:s1+s25], $0x40, s26, s25, $0xb8;
	[tilespmem:$0x1D000] =	vst v63  }
0x4d: {  	s26 =	sadd.s32 @!p1 $0x2580, s24;
	s28 =	simm.s32 @!p1 $0x14000  }
0x4e: {  	[tilespmem:s28], [sflag:$0x2] =	stream.indirect.gather @!p1 [hbm4b:s1+s25], $0x40, s26, s25, $0xb8;
	[tilespmem:$0x1D000] =	vst v63  }
0x4f: {  	s26 =	sadd.s32 @!p1 $0x3200, s24;
	s28 =	simm.s32 @!p1 $0x15400  }
0x50: {  	[tilespmem:s28], [sflag:$0x2] =	stream.indirect.gather @!p1 [hbm4b:s1+s25], $0x40, s26, s25, $0xb8;
	[tilespmem:$0x1D000] =	vst v63  }
0x51: {  	s26 =	sadd.s32 @!p1 $0x3E80, s24;
	s28 =	simm.s32 @!p1 $0x16800  }
0x52: {  	[tilespmem:s28], [sflag:$0x2] =	stream.indirect.gather @!p1 [hbm4b:s1+s25], $0x40, s26, s25, $0xb8;
	[tilespmem:$0x1D000] =	vst v63  }
0x53: {  	s26 =	sadd.s32 @!p1 $0x4B00, s24;
	s28 =	simm.s32 @!p1 $0x17C00  }
0x54: {  	[tilespmem:s28], [sflag:$0x2] =	stream.indirect.gather @!p1 [hbm4b:s1+s25], $0x40, s26, s25, $0xb8;
	[tilespmem:$0x1D000] =	vst v63  }
0x55: {  	s24 =	sadd.s32 @!p1 $0x5780, s24;
	s26 =	simm.s32 @!p1 $0x19000  }
0x56: {  	[tilespmem:s26], [sflag:$0x2] =	stream.indirect.gather @!p1 [hbm4b:s1+s25], $0x40, s24, s25, $0xb8;
	[tilespmem:$0x1D000] =	vst v63  }
0x57: {  	_ =	swait.ge [sflag:s0], $0x1400  }
0x58: {  	[sflag:s0] =	ssyncset.done $0x0  }
0x59: {  	[sflag:s0] =	ssyncadd.s32 $0xFFFFEC00  }
0x5a: {  	_ =	swait.ge [sflag:s0], $0x1400  }
0x5b: {  	[sflag:s0] =	ssyncset.done $0x0  }
0x5c: {  	[sflag:s0] =	ssyncadd.s32 $0xFFFFEC00  }
0x5d: {  	_ =	swait.ge [sflag:s0], $0x1400  }
0x5e: {  	[sflag:s0] =	ssyncset.done $0x0  }
0x5f: {  	[sflag:s0] =	ssyncadd.s32 $0xFFFFEC00  }
0x60: {  	_ =	swait.ge [sflag:s0], $0x1400  }
0x61: {  	[sflag:s0] =	ssyncset.done $0x0  }
0x62: {  	[sflag:s0] =	ssyncadd.s32 $0xFFFFEC00  }
0x63: {  	_ =	swait.ge [sflag:s0], $0x1400  }
0x64: {  	[sflag:s0] =	ssyncset.done $0x0  }
0x65: {  	[sflag:s0] =	ssyncadd.s32 $0xFFFFEC00  }
0x66: {  	_ =	swait.ge [sflag:s0], $0x1400  }
0x67: {  	[sflag:s0] =	ssyncset.done $0x0  }
0x68: {  	[sflag:s0] =	ssyncadd.s32 $0xFFFFEC00  }
0x69: {  	_ =	swait.ge [sflag:s0], $0x1400  }
0x6a: {  	[sflag:s0] =	ssyncset.done $0x0  }
0x6b: {  	[sflag:s0] =	ssyncadd.s32 $0xFFFFEC00  }
0x6c: {  	_ =	swait.ge [sflag:s0], $0x1400  }
0x6d: {  	p2 =	seq.s32 s22, $0x0;
	[sflag:s0] =	ssyncset.done $0x0  }
0x6e: {  	s26 =	simm.s32 @!p2 $0x3;
	[sflag:s0] =	ssyncadd.s32 $0xFFFFEC00  }
0x6f: {  	_ =	swait.ge @!p2 [sflag:s26], $0x1400  }
0x70: {  	s28 =	simm.s32 $0x0;
	s25 =	sshll.u32 s22, $0x1;
	[sflag:s26] =	ssyncset.done @!p2 $0x0  }
0x71: {  	s24 =	sadd.s32 $0x2, s25;
	[sflag:s26] =	ssyncadd.s32 @!p2 $0xFFFFEC00;
	s26 =	simm.s32 $0x0  }
.LBB2_3:
0x72: {  	s29 =	sshra.s32 s28, $0x2  }
0x73: {  	v4 =	vld [tilespmem:s29+$0x6400]  }
0x74: {  	v5 =	vld [tilespmem:s29+$0x6410]  }
0x75: {  	v6 =	vld [tilespmem:s29+$0x6420]  }
0x76: {  	v7 =	vld [tilespmem:s29+$0x6430]  }
0x77: {  	v8 =	vld [tilespmem:s29+$0x7800]  }
0x78: {  	v9 =	vld [tilespmem:s29+$0x7810]  }
0x79: {  	v10 =	vld [tilespmem:s29+$0x7820]  }
0x7a: {  	v11 =	vld [tilespmem:s29+$0x7830]  }
0x7b: {  	v12 =	vld [tilespmem:s29+$0x8C00]  }
0x7c: {  	v13 =	vld [tilespmem:s29+$0x8C10]  }
0x7d: {  	v14 =	vld [tilespmem:s29+$0x8C20]  }
0x7e: {  	v15 =	vld [tilespmem:s29+$0x8C30]  }
0x7f: {  	v16 =	vld [tilespmem:s29+$0xA000]  }
0x80: {  	v17 =	vld [tilespmem:s29+$0xA010]  }
0x81: {  	v18 =	vld [tilespmem:s29+$0xA020]  }
0x82: {  	v19 =	vld [tilespmem:s29+$0xA030]  }
0x83: {  	v20 =	vld [tilespmem:s29+$0xB400]  }
0x84: {  	v21 =	vld [tilespmem:s29+$0xB410]  }
0x85: {  	v22 =	vld [tilespmem:s29+$0xB420]  }
0x86: {  	v23 =	vld [tilespmem:s29+$0xB430]  }
0x87: {  	v24 =	vld [tilespmem:s29+$0xC800]  }
0x88: {  	v34 =	vld [tilespmem:s29+$0xC810];
	v4 =	vadd.f32 v8, v4  }
0x89: {  	v35 =	vld [tilespmem:s29+$0xC820];
	v5 =	vadd.f32 v9, v5  }
0x8a: {  	v36 =	vld [tilespmem:s29+$0xC830];
	v6 =	vadd.f32 v10, v6;
	v4 =	vadd.f32 v12, v4  }
0x8b: {  	v37 =	vld [tilespmem:s29+$0xDC00];
	v7 =	vadd.f32 v11, v7;
	v5 =	vadd.f32 v13, v5  }
0x8c: {  	v38 =	vld [tilespmem:s29+$0xDC10];
	v6 =	vadd.f32 v14, v6;
	v4 =	vadd.f32 v16, v4  }
0x8d: {  	v39 =	vld [tilespmem:s29+$0xDC20];
	v7 =	vadd.f32 v15, v7;
	v5 =	vadd.f32 v17, v5  }
0x8e: {  	v40 =	vld [tilespmem:s29+$0xDC30];
	v6 =	vadd.f32 v18, v6;
	v4 =	vadd.f32 v20, v4  }
0x8f: {  	v42 =	vmov s26;
	v41 =	vld [tilespmem:s29+$0xF000];
	v7 =	vadd.f32 v19, v7;
	v5 =	vadd.f32 v21, v5  }
0x90: {  	v43 =	vld [tilespmem:s29+$0xF010];
	v16 =	vand.u32 $0x7C, v42;
	v6 =	vadd.f32 v22, v6;
	v4 =	vadd.f32 v24, v4  }
0x91: {  	v44 =	vld [tilespmem:s29+$0xF020];
	v45 =	vadd.s32 v0, v16;
	v7 =	vadd.f32 v23, v7;
	v5 =	vadd.f32 v34, v5  }
0x92: {  	v46 =	vld [tilespmem:s29+$0xF030];
	v47 =	vadd.s32 v1, v16;
	v6 =	vadd.f32 v35, v6;
	v4 =	vadd.f32 v37, v4  }
0x93: {  	v48 =	vadd.s32 v2, v16;
	v7 =	vadd.f32 v36, v7;
	v5 =	vadd.f32 v38, v5  }
0x94: {  	v49 =	vadd.s32 v3, v16;
	v6 =	vadd.f32 v39, v6;
	v4 =	vadd.f32 v41, v4  }
0x95: {  	v7 =	vadd.f32 v40, v7;
	v5 =	vadd.f32 v43, v5  }
0x96: {  	v6 =	vadd.f32 v44, v6;
	[tilespmem:v45+s16+$0x0] =	vst.idx.msk $0xffff, v4  }
0x97: {  	v4 =	vadd.f32 v46, v7;
	[tilespmem:v47+s16+$0x0] =	vst.idx.msk $0xffff, v5  }
0x98: {  	[tilespmem:v48+s16+$0x0] =	vst.idx.msk $0xffff, v6  }
0x99: {  	[tilespmem:v49+s16+$0x0] =	vst.idx.msk $0xffff, v4  }
0x9a: {  	v4 =	vld [tilespmem:s29+$0x6440]  }
0x9b: {  	v5 =	vld [tilespmem:s29+$0x6450]  }
0x9c: {  	v6 =	vld [tilespmem:s29+$0x6460]  }
0x9d: {  	v50 =	vld [tilespmem:s29+$0x6470]  }
0x9e: {  	v51 =	vld [tilespmem:s29+$0x7840]  }
0x9f: {  	v52 =	vld [tilespmem:s29+$0x7850]  }
0xa0: {  	v10 =	vld [tilespmem:s29+$0x7860]  }
0xa1: {  	v11 =	vld [tilespmem:s29+$0x7870]  }
0xa2: {  	v12 =	vld [tilespmem:s29+$0x8C40]  }
0xa3: {  	v53 =	vld [tilespmem:s29+$0x8C50]  }
0xa4: {  	v54 =	vld [tilespmem:s29+$0x8C60]  }
0xa5: {  	v55 =	vld [tilespmem:s29+$0x8C70]  }
0xa6: {  	v56 =	vld [tilespmem:s29+$0xA040]  }
0xa7: {  	v57 =	vld [tilespmem:s29+$0xA050]  }
0xa8: {  	v18 =	vld [tilespmem:s29+$0xA060]  }
0xa9: {  	v58 =	vld [tilespmem:s29+$0xA070]  }
0xaa: {  	v59 =	vld [tilespmem:s29+$0xB440]  }
0xab: {  	v60 =	vld [tilespmem:s29+$0xB450]  }
0xac: {  	v61 =	vld [tilespmem:s29+$0xB460]  }
0xad: {  	v62 =	vld [tilespmem:s29+$0xB470]  }
0xae: {  	v63 =	vld [tilespmem:s29+$0xC840]  }
0xaf: {  	v27 =	vld [tilespmem:s29+$0xC850];
	v4 =	vadd.f32 v51, v4  }
0xb0: {  	v28 =	vld [tilespmem:s29+$0xC860];
	v5 =	vadd.f32 v52, v5  }
0xb1: {  	v29 =	vld [tilespmem:s29+$0xC870];
	v6 =	vadd.f32 v10, v6;
	v4 =	vadd.f32 v12, v4  }
0xb2: {  	v30 =	vld [tilespmem:s29+$0xDC40];
	v7 =	vadd.f32 v11, v50;
	v5 =	vadd.f32 v53, v5  }
0xb3: {  	v31 =	vld [tilespmem:s29+$0xDC50];
	v6 =	vadd.f32 v54, v6;
	v4 =	vadd.f32 v56, v4  }
0xb4: {  	v32 =	vld [tilespmem:s29+$0xDC60];
	v7 =	vadd.f32 v55, v7;
	v5 =	vadd.f32 v57, v5  }
0xb5: {  	s30 =	sadd.s32 $0x1, s26;
	v33 =	vld [tilespmem:s29+$0xDC70];
	v6 =	vadd.f32 v18, v6;
	v4 =	vadd.f32 v59, v4  }
0xb6: {  	v35 =	vmov s30;
	v34 =	vld [tilespmem:s29+$0xF040];
	v7 =	vadd.f32 v58, v7;
	v5 =	vadd.f32 v60, v5  }
0xb7: {  	v16 =	vand.u32 $0x7D, v35;
	v36 =	vld [tilespmem:s29+$0xF050];
	v6 =	vadd.f32 v61, v6;
	v4 =	vadd.f32 v63, v4  }
0xb8: {  	v38 =	vadd.s32 v0, v16;
	v37 =	vld [tilespmem:s29+$0xF060];
	v7 =	vadd.f32 v62, v7;
	v5 =	vadd.f32 v27, v5  }
0xb9: {  	v40 =	vadd.s32 v1, v16;
	v39 =	vld [tilespmem:s29+$0xF070];
	v6 =	vadd.f32 v28, v6;
	v4 =	vadd.f32 v30, v4  }
0xba: {  	v41 =	vadd.s32 v2, v16;
	v7 =	vadd.f32 v29, v7;
	v5 =	vadd.f32 v31, v5  }
0xbb: {  	v42 =	vadd.s32 v3, v16;
	v6 =	vadd.f32 v32, v6;
	v4 =	vadd.f32 v34, v4  }
0xbc: {  	v7 =	vadd.f32 v33, v7;
	v5 =	vadd.f32 v36, v5  }
0xbd: {  	v6 =	vadd.f32 v37, v6;
	[tilespmem:v38+s16+$0x0] =	vst.idx.msk $0xffff, v4  }
0xbe: {  	v4 =	vadd.f32 v39, v7;
	[tilespmem:v40+s16+$0x0] =	vst.idx.msk $0xffff, v5  }
0xbf: {  	[tilespmem:v41+s16+$0x0] =	vst.idx.msk $0xffff, v6  }
0xc0: {  	[tilespmem:v42+s16+$0x0] =	vst.idx.msk $0xffff, v4  }
0xc1: {  	v4 =	vld [tilespmem:s29+$0x6480]  }
0xc2: {  	v5 =	vld [tilespmem:s29+$0x6490]  }
0xc3: {  	v6 =	vld [tilespmem:s29+$0x64A0]  }
0xc4: {  	v43 =	vld [tilespmem:s29+$0x64B0]  }
0xc5: {  	v44 =	vld [tilespmem:s29+$0x7880]  }
0xc6: {  	v45 =	vld [tilespmem:s29+$0x7890]  }
0xc7: {  	v10 =	vld [tilespmem:s29+$0x78A0]  }
0xc8: {  	v11 =	vld [tilespmem:s29+$0x78B0]  }
0xc9: {  	v12 =	vld [tilespmem:s29+$0x8C80]  }
0xca: {  	v46 =	vld [tilespmem:s29+$0x8C90]  }
0xcb: {  	v47 =	vld [tilespmem:s29+$0x8CA0]  }
0xcc: {  	v48 =	vld [tilespmem:s29+$0x8CB0]  }
0xcd: {  	v49 =	vld [tilespmem:s29+$0xA080]  }
0xce: {  	v50 =	vld [tilespmem:s29+$0xA090]  }
0xcf: {  	v18 =	vld [tilespmem:s29+$0xA0A0]  }
0xd0: {  	v51 =	vld [tilespmem:s29+$0xA0B0]  }
0xd1: {  	v52 =	vld [tilespmem:s29+$0xB480]  }
0xd2: {  	v53 =	vld [tilespmem:s29+$0xB490]  }
0xd3: {  	v54 =	vld [tilespmem:s29+$0xB4A0]  }
0xd4: {  	v55 =	vld [tilespmem:s29+$0xB4B0]  }
0xd5: {  	v56 =	vld [tilespmem:s29+$0xC880]  }
0xd6: {  	v57 =	vld [tilespmem:s29+$0xC890];
	v4 =	vadd.f32 v44, v4  }
0xd7: {  	v58 =	vld [tilespmem:s29+$0xC8A0];
	v5 =	vadd.f32 v45, v5  }
0xd8: {  	v59 =	vld [tilespmem:s29+$0xC8B0];
	v6 =	vadd.f32 v10, v6;
	v4 =	vadd.f32 v12, v4  }
0xd9: {  	v60 =	vld [tilespmem:s29+$0xDC80];
	v7 =	vadd.f32 v11, v43;
	v5 =	vadd.f32 v46, v5  }
0xda: {  	v61 =	vld [tilespmem:s29+$0xDC90];
	v6 =	vadd.f32 v47, v6;
	v4 =	vadd.f32 v49, v4  }
0xdb: {  	v62 =	vld [tilespmem:s29+$0xDCA0];
	v7 =	vadd.f32 v48, v7;
	v5 =	vadd.f32 v50, v5  }
0xdc: {  	s30 =	sadd.s32 $0x2, s26;
	v63 =	vld [tilespmem:s29+$0xDCB0];
	v6 =	vadd.f32 v18, v6;
	v4 =	vadd.f32 v52, v4  }
0xdd: {  	v25 =	vmov s30;
	v21 =	vld [tilespmem:s29+$0xF080];
	v7 =	vadd.f32 v51, v7;
	v5 =	vadd.f32 v53, v5  }
0xde: {  	v16 =	vand.u32 $0x7E, v25;
	v26 =	vld [tilespmem:s29+$0xF090];
	v6 =	vadd.f32 v54, v6;
	v4 =	vadd.f32 v56, v4  }
0xdf: {  	v28 =	vadd.s32 v0, v16;
	v27 =	vld [tilespmem:s29+$0xF0A0];
	v7 =	vadd.f32 v55, v7;
	v5 =	vadd.f32 v57, v5  }
0xe0: {  	v30 =	vadd.s32 v1, v16;
	v29 =	vld [tilespmem:s29+$0xF0B0];
	v6 =	vadd.f32 v58, v6;
	v4 =	vadd.f32 v60, v4  }
0xe1: {  	v31 =	vadd.s32 v2, v16;
	v7 =	vadd.f32 v59, v7;
	v5 =	vadd.f32 v61, v5  }
0xe2: {  	v32 =	vadd.s32 v3, v16;
	v6 =	vadd.f32 v62, v6;
	v4 =	vadd.f32 v21, v4  }
0xe3: {  	v7 =	vadd.f32 v63, v7;
	v5 =	vadd.f32 v26, v5  }
0xe4: {  	v6 =	vadd.f32 v27, v6;
	[tilespmem:v28+s16+$0x0] =	vst.idx.msk $0xffff, v4  }
0xe5: {  	v4 =	vadd.f32 v29, v7;
	[tilespmem:v30+s16+$0x0] =	vst.idx.msk $0xffff, v5  }
0xe6: {  	[tilespmem:v31+s16+$0x0] =	vst.idx.msk $0xffff, v6  }
0xe7: {  	[tilespmem:v32+s16+$0x0] =	vst.idx.msk $0xffff, v4  }
0xe8: {  	v4 =	vld [tilespmem:s29+$0x64C0]  }
0xe9: {  	v5 =	vld [tilespmem:s29+$0x64D0]  }
0xea: {  	v6 =	vld [tilespmem:s29+$0x64E0]  }
0xeb: {  	v33 =	vld [tilespmem:s29+$0x64F0]  }
0xec: {  	v34 =	vld [tilespmem:s29+$0x78C0]  }
0xed: {  	v35 =	vld [tilespmem:s29+$0x78D0]  }
0xee: {  	v10 =	vld [tilespmem:s29+$0x78E0]  }
0xef: {  	v11 =	vld [tilespmem:s29+$0x78F0]  }
0xf0: {  	v12 =	vld [tilespmem:s29+$0x8CC0]  }
0xf1: {  	v36 =	vld [tilespmem:s29+$0x8CD0]  }
0xf2: {  	v37 =	vld [tilespmem:s29+$0x8CE0]  }
0xf3: {  	v38 =	vld [tilespmem:s29+$0x8CF0]  }
0xf4: {  	v39 =	vld [tilespmem:s29+$0xA0C0]  }
0xf5: {  	v40 =	vld [tilespmem:s29+$0xA0D0]  }
0xf6: {  	v18 =	vld [tilespmem:s29+$0xA0E0]  }
0xf7: {  	v41 =	vld [tilespmem:s29+$0xA0F0]  }
0xf8: {  	v42 =	vld [tilespmem:s29+$0xB4C0]  }
0xf9: {  	v43 =	vld [tilespmem:s29+$0xB4D0]  }
0xfa: {  	v44 =	vld [tilespmem:s29+$0xB4E0]  }
0xfb: {  	v45 =	vld [tilespmem:s29+$0xB4F0]  }
0xfc: {  	v46 =	vld [tilespmem:s29+$0xC8C0]  }
0xfd: {  	v47 =	vld [tilespmem:s29+$0xC8D0];
	v4 =	vadd.f32 v34, v4  }
0xfe: {  	v48 =	vld [tilespmem:s29+$0xC8E0];
	v5 =	vadd.f32 v35, v5  }
0xff: {  	v49 =	vld [tilespmem:s29+$0xC8F0];
	v6 =	vadd.f32 v10, v6;
	v4 =	vadd.f32 v12, v4  }
0x100: {  	v50 =	vld [tilespmem:s29+$0xDCC0];
	v7 =	vadd.f32 v11, v33;
	v5 =	vadd.f32 v36, v5  }
0x101: {  	v51 =	vld [tilespmem:s29+$0xDCD0];
	v6 =	vadd.f32 v37, v6;
	v4 =	vadd.f32 v39, v4  }
0x102: {  	v52 =	vld [tilespmem:s29+$0xDCE0];
	v7 =	vadd.f32 v38, v7;
	v5 =	vadd.f32 v40, v5  }
0x103: {  	s30 =	sadd.s32 $0x3, s26;
	v53 =	vld [tilespmem:s29+$0xDCF0];
	v6 =	vadd.f32 v18, v6;
	v4 =	vadd.f32 v42, v4  }
0x104: {  	v55 =	vmov s30;
	v54 =	vld [tilespmem:s29+$0xF0C0];
	v7 =	vadd.f32 v41, v7;
	v5 =	vadd.f32 v43, v5  }
0x105: {  	v16 =	vand.u32 $0x7F, v55;
	v56 =	vld [tilespmem:s29+$0xF0D0];
	v6 =	vadd.f32 v44, v6;
	v4 =	vadd.f32 v46, v4  }
0x106: {  	v58 =	vadd.s32 v0, v16;
	v57 =	vld [tilespmem:s29+$0xF0E0];
	v7 =	vadd.f32 v45, v7;
	v5 =	vadd.f32 v47, v5  }
0x107: {  	v60 =	vadd.s32 v1, v16;
	v59 =	vld [tilespmem:s29+$0xF0F0];
	v6 =	vadd.f32 v48, v6;
	v4 =	vadd.f32 v50, v4  }
0x108: {  	v61 =	vadd.s32 v2, v16;
	v7 =	vadd.f32 v49, v7;
	v5 =	vadd.f32 v51, v5  }
0x109: {  	p3 =	sne.s32 s28, $0x4C00;
	v62 =	vadd.s32 v3, v16;
	v6 =	vadd.f32 v52, v6;
	v4 =	vadd.f32 v54, v4  }
.Ltmp4:
0x10a: {  	v7 =	vadd.f32 v53, v7;
	v5 =	vadd.f32 v56, v5;
	(pc) =	sbr.rel @p3 .LBB2_3-.Ltmp4, $4  }
0x10b: {  	[tilespmem:v58+s16+$0x0] =	vst.idx.msk $0xffff, v4;
	v4 =	vadd.f32 v57, v6  }
0x10c: {  	v63 =	vadd.f32 v59, v7;
	[tilespmem:v60+s16+$0x0] =	vst.idx.msk $0xffff, v5  }
0x10d: {  	[tilespmem:v61+s16+$0x0] =	vst.idx.msk $0xffff, v4  }
0x10e: {  	s28 =	sadd.s32 $0x400, s28;
	s26 =	sadd.s32 $0x4, s26;
	[tilespmem:v62+s16+$0x0] =	vst.idx.msk $0xffff, v63  }
0x10f: {  	s25 =	sadd.s32 s2, s25  }
0x110: {  	s25 =	smul.u32 $0xA, s25;
	_ =	sdelay $0x1  }
0x111: {  	s26 =	simm.s32 $0x1A400;
	s25 =	sadd.s32 s5, s25  }
0x112: {  	[hbm4b:s25+s3] =	stream.linear.scatter [tilespmem:s26], [sflag:$0x3], $0x50, $0x38;
	[tilespmem:$0x1D000] =	vst v63  }
0x113: {  	s26 =	simm.s32 $0x160  }
.LBB2_5:
0x114: {  	p3 =	sne.s32 s26, $0x56A0  }
.Ltmp5:
0x115: {  	_ = 	snop;
	(pc) =	sbr.rel @p3 .LBB2_5-.Ltmp5, $4  }
0x116: {  	_ = 	snop  }
0x117: {  	s28 =	sshra.s32 s26, $0x2;
	s26 =	sadd.s32 $0x160, s26  }
0x118: {  	s25 =	sadd.s32 $0x30D4, s25;
	s28 =	sadd.s32 $0x1A400, s28  }
0x119: {  	[hbm4b:s25+s3] =	stream.linear.scatter [tilespmem:s28], [sflag:$0x3], $0x50, $0x38;
	[tilespmem:$0x1D000] =	vst v63  }
0x11a: {  	p3 =	sge.u32 s24, s4  }
0x11b: {  	s24 =	smul.u32 @!p3 $0x140, s24;
	_ =	sdelay $0x1  }
0x11c: {  	s25 =	simm.s32 @!p3 $0x50;
	s26 =	simm.s32 @!p3 $0x6400;
	s24 =	sshra.s32 @!p3 s24, $0x2  }
0x11d: {  	[tilespmem:s26], [sflag:$0x1] =	stream.indirect.gather @!p3 [hbm4b:s1+s25], $0x40, s24, s25, $0xb8;
	[tilespmem:$0x1D000] =	vst v63  }
0x11e: {  	s28 =	simm.s32 @!p3 $0x7800;
	s26 =	sadd.s32 @!p3 $0xC80, s24  }
0x11f: {  	[tilespmem:s28], [sflag:$0x1] =	stream.indirect.gather @!p3 [hbm4b:s1+s25], $0x40, s26, s25, $0xb8;
	[tilespmem:$0x1D000] =	vst v63  }
0x120: {  	s26 =	sadd.s32 @!p3 $0x1900, s24;
	s28 =	simm.s32 @!p3 $0x8C00  }
0x121: {  	[tilespmem:s28], [sflag:$0x1] =	stream.indirect.gather @!p3 [hbm4b:s1+s25], $0x40, s26, s25, $0xb8;
	[tilespmem:$0x1D000] =	vst v63  }
0x122: {  	s26 =	sadd.s32 @!p3 $0x2580, s24;
	s28 =	simm.s32 @!p3 $0xA000  }
0x123: {  	[tilespmem:s28], [sflag:$0x1] =	stream.indirect.gather @!p3 [hbm4b:s1+s25], $0x40, s26, s25, $0xb8;
	[tilespmem:$0x1D000] =	vst v63  }
0x124: {  	s26 =	sadd.s32 @!p3 $0x3200, s24;
	s28 =	simm.s32 @!p3 $0xB400  }
0x125: {  	[tilespmem:s28], [sflag:$0x1] =	stream.indirect.gather @!p3 [hbm4b:s1+s25], $0x40, s26, s25, $0xb8;
	[tilespmem:$0x1D000] =	vst v63  }
0x126: {  	s26 =	sadd.s32 @!p3 $0x3E80, s24;
	s28 =	simm.s32 @!p3 $0xC800  }
0x127: {  	[tilespmem:s28], [sflag:$0x1] =	stream.indirect.gather @!p3 [hbm4b:s1+s25], $0x40, s26, s25, $0xb8;
	[tilespmem:$0x1D000] =	vst v63  }
.Ltmp6:
0x128: {  	_ = 	snop;
	(pc) =	sbr.rel @p1 .LBB2_11-.Ltmp6, $4  }
0x129: {  	s26 =	sadd.s32 @!p3 $0x4B00, s24;
	s28 =	simm.s32 @!p3 $0xDC00  }
0x12a: {  	[tilespmem:s28], [sflag:$0x1] =	stream.indirect.gather @!p3 [hbm4b:s1+s25], $0x40, s26, s25, $0xb8;
	[tilespmem:$0x1D000] =	vst v63  }
0x12b: {  	s24 =	sadd.s32 @!p3 $0x5780, s24;
	s26 =	simm.s32 @!p3 $0xF000  }
0x12c: {  	[tilespmem:s26], [sflag:$0x1] =	stream.indirect.gather @!p3 [hbm4b:s1+s25], $0x40, s24, s25, $0xb8;
	[tilespmem:$0x1D000] =	vst v63  }
0x12d: {  	_ =	swait.ge [sflag:s17], $0x1400  }
0x12e: {  	[sflag:s17] =	ssyncset.done $0x0  }
0x12f: {  	[sflag:s17] =	ssyncadd.s32 $0xFFFFEC00  }
0x130: {  	_ =	swait.ge [sflag:s17], $0x1400  }
0x131: {  	[sflag:s17] =	ssyncset.done $0x0  }
0x132: {  	[sflag:s17] =	ssyncadd.s32 $0xFFFFEC00  }
0x133: {  	_ =	swait.ge [sflag:s17], $0x1400  }
0x134: {  	[sflag:s17] =	ssyncset.done $0x0  }
0x135: {  	[sflag:s17] =	ssyncadd.s32 $0xFFFFEC00  }
0x136: {  	_ =	swait.ge [sflag:s17], $0x1400  }
0x137: {  	[sflag:s17] =	ssyncset.done $0x0  }
0x138: {  	[sflag:s17] =	ssyncadd.s32 $0xFFFFEC00  }
0x139: {  	_ =	swait.ge [sflag:s17], $0x1400  }
0x13a: {  	[sflag:s17] =	ssyncset.done $0x0  }
0x13b: {  	[sflag:s17] =	ssyncadd.s32 $0xFFFFEC00  }
0x13c: {  	_ =	swait.ge [sflag:s17], $0x1400  }
0x13d: {  	[sflag:s17] =	ssyncset.done $0x0  }
0x13e: {  	[sflag:s17] =	ssyncadd.s32 $0xFFFFEC00  }
0x13f: {  	_ =	swait.ge [sflag:s17], $0x1400  }
0x140: {  	[sflag:s17] =	ssyncset.done $0x0  }
0x141: {  	[sflag:s17] =	ssyncadd.s32 $0xFFFFEC00  }
0x142: {  	_ =	swait.ge [sflag:s17], $0x1400  }
0x143: {  	[sflag:s17] =	ssyncset.done $0x0  }
0x144: {  	s24 =	simm.s32 @!p2 $0x4;
	[sflag:s17] =	ssyncadd.s32 $0xFFFFEC00  }
0x145: {  	_ =	swait.ge @!p2 [sflag:s24], $0x1400  }
0x146: {  	[sflag:s24] =	ssyncset.done @!p2 $0x0  }
0x147: {  	s25 =	simm.s32 $0x0;
	[sflag:s24] =	ssyncadd.s32 @!p2 $0xFFFFEC00;
	s24 =	simm.s32 $0x0  }
.LBB2_8:
0x148: {  	s26 =	sshra.s32 s25, $0x2  }
0x149: {  	v4 =	vld [tilespmem:s26+$0x10400]  }
0x14a: {  	v5 =	vld [tilespmem:s26+$0x10410]  }
0x14b: {  	v6 =	vld [tilespmem:s26+$0x10420]  }
0x14c: {  	v7 =	vld [tilespmem:s26+$0x10430]  }
0x14d: {  	v8 =	vld [tilespmem:s26+$0x11800]  }
0x14e: {  	v9 =	vld [tilespmem:s26+$0x11810]  }
0x14f: {  	v10 =	vld [tilespmem:s26+$0x11820]  }
0x150: {  	v11 =	vld [tilespmem:s26+$0x11830]  }
0x151: {  	v12 =	vld [tilespmem:s26+$0x12C00]  }
0x152: {  	v13 =	vld [tilespmem:s26+$0x12C10]  }
0x153: {  	v14 =	vld [tilespmem:s26+$0x12C20]  }
0x154: {  	v15 =	vld [tilespmem:s26+$0x12C30]  }
0x155: {  	v16 =	vld [tilespmem:s26+$0x14000]  }
0x156: {  	v17 =	vld [tilespmem:s26+$0x14010]  }
0x157: {  	v18 =	vld [tilespmem:s26+$0x14020]  }
0x158: {  	v19 =	vld [tilespmem:s26+$0x14030]  }
0x159: {  	v20 =	vld [tilespmem:s26+$0x15400]  }
0x15a: {  	v21 =	vld [tilespmem:s26+$0x15410]  }
0x15b: {  	v22 =	vld [tilespmem:s26+$0x15420]  }
0x15c: {  	v23 =	vld [tilespmem:s26+$0x15430]  }
0x15d: {  	v24 =	vld [tilespmem:s26+$0x16800]  }
0x15e: {  	v34 =	vld [tilespmem:s26+$0x16810];
	v4 =	vadd.f32 v8, v4  }
0x15f: {  	v35 =	vld [tilespmem:s26+$0x16820];
	v5 =	vadd.f32 v9, v5  }
0x160: {  	v36 =	vld [tilespmem:s26+$0x16830];
	v6 =	vadd.f32 v10, v6;
	v4 =	vadd.f32 v12, v4  }
0x161: {  	v37 =	vld [tilespmem:s26+$0x17C00];
	v7 =	vadd.f32 v11, v7;
	v5 =	vadd.f32 v13, v5  }
0x162: {  	v38 =	vld [tilespmem:s26+$0x17C10];
	v6 =	vadd.f32 v14, v6;
	v4 =	vadd.f32 v16, v4  }
0x163: {  	v39 =	vld [tilespmem:s26+$0x17C20];
	v7 =	vadd.f32 v15, v7;
	v5 =	vadd.f32 v17, v5  }
0x164: {  	v40 =	vld [tilespmem:s26+$0x17C30];
	v6 =	vadd.f32 v18, v6;
	v4 =	vadd.f32 v20, v4  }
0x165: {  	v42 =	vmov s24;
	v41 =	vld [tilespmem:s26+$0x19000];
	v7 =	vadd.f32 v19, v7;
	v5 =	vadd.f32 v21, v5  }
0x166: {  	v43 =	vld [tilespmem:s26+$0x19010];
	v16 =	vand.u32 $0x7C, v42;
	v6 =	vadd.f32 v22, v6;
	v4 =	vadd.f32 v24, v4  }
0x167: {  	v44 =	vld [tilespmem:s26+$0x19020];
	v45 =	vadd.s32 v0, v16;
	v7 =	vadd.f32 v23, v7;
	v5 =	vadd.f32 v34, v5  }
0x168: {  	v46 =	vld [tilespmem:s26+$0x19030];
	v47 =	vadd.s32 v1, v16;
	v6 =	vadd.f32 v35, v6;
	v4 =	vadd.f32 v37, v4  }
0x169: {  	v48 =	vadd.s32 v2, v16;
	v7 =	vadd.f32 v36, v7;
	v5 =	vadd.f32 v38, v5  }
0x16a: {  	v49 =	vadd.s32 v3, v16;
	v6 =	vadd.f32 v39, v6;
	v4 =	vadd.f32 v41, v4  }
0x16b: {  	v7 =	vadd.f32 v40, v7;
	v5 =	vadd.f32 v43, v5  }
0x16c: {  	v6 =	vadd.f32 v44, v6;
	[tilespmem:v45+s18+$0x0] =	vst.idx.msk $0xffff, v4  }
0x16d: {  	v4 =	vadd.f32 v46, v7;
	[tilespmem:v47+s18+$0x0] =	vst.idx.msk $0xffff, v5  }
0x16e: {  	[tilespmem:v48+s18+$0x0] =	vst.idx.msk $0xffff, v6  }
0x16f: {  	[tilespmem:v49+s18+$0x0] =	vst.idx.msk $0xffff, v4  }
0x170: {  	v4 =	vld [tilespmem:s26+$0x10440]  }
0x171: {  	v5 =	vld [tilespmem:s26+$0x10450]  }
0x172: {  	v6 =	vld [tilespmem:s26+$0x10460]  }
0x173: {  	v50 =	vld [tilespmem:s26+$0x10470]  }
0x174: {  	v51 =	vld [tilespmem:s26+$0x11840]  }
0x175: {  	v52 =	vld [tilespmem:s26+$0x11850]  }
0x176: {  	v10 =	vld [tilespmem:s26+$0x11860]  }
0x177: {  	v11 =	vld [tilespmem:s26+$0x11870]  }
0x178: {  	v12 =	vld [tilespmem:s26+$0x12C40]  }
0x179: {  	v53 =	vld [tilespmem:s26+$0x12C50]  }
0x17a: {  	v54 =	vld [tilespmem:s26+$0x12C60]  }
0x17b: {  	v55 =	vld [tilespmem:s26+$0x12C70]  }
0x17c: {  	v56 =	vld [tilespmem:s26+$0x14040]  }
0x17d: {  	v57 =	vld [tilespmem:s26+$0x14050]  }
0x17e: {  	v18 =	vld [tilespmem:s26+$0x14060]  }
0x17f: {  	v58 =	vld [tilespmem:s26+$0x14070]  }
0x180: {  	v59 =	vld [tilespmem:s26+$0x15440]  }
0x181: {  	v60 =	vld [tilespmem:s26+$0x15450]  }
0x182: {  	v61 =	vld [tilespmem:s26+$0x15460]  }
0x183: {  	v62 =	vld [tilespmem:s26+$0x15470]  }
0x184: {  	v63 =	vld [tilespmem:s26+$0x16840]  }
0x185: {  	v27 =	vld [tilespmem:s26+$0x16850];
	v4 =	vadd.f32 v51, v4  }
0x186: {  	v28 =	vld [tilespmem:s26+$0x16860];
	v5 =	vadd.f32 v52, v5  }
0x187: {  	v29 =	vld [tilespmem:s26+$0x16870];
	v6 =	vadd.f32 v10, v6;
	v4 =	vadd.f32 v12, v4  }
0x188: {  	v30 =	vld [tilespmem:s26+$0x17C40];
	v7 =	vadd.f32 v11, v50;
	v5 =	vadd.f32 v53, v5  }
0x189: {  	v31 =	vld [tilespmem:s26+$0x17C50];
	v6 =	vadd.f32 v54, v6;
	v4 =	vadd.f32 v56, v4  }
0x18a: {  	v32 =	vld [tilespmem:s26+$0x17C60];
	v7 =	vadd.f32 v55, v7;
	v5 =	vadd.f32 v57, v5  }
0x18b: {  	s28 =	sadd.s32 $0x1, s24;
	v33 =	vld [tilespmem:s26+$0x17C70];
	v6 =	vadd.f32 v18, v6;
	v4 =	vadd.f32 v59, v4  }
0x18c: {  	v35 =	vmov s28;
	v34 =	vld [tilespmem:s26+$0x19040];
	v7 =	vadd.f32 v58, v7;
	v5 =	vadd.f32 v60, v5  }
0x18d: {  	v16 =	vand.u32 $0x7D, v35;
	v36 =	vld [tilespmem:s26+$0x19050];
	v6 =	vadd.f32 v61, v6;
	v4 =	vadd.f32 v63, v4  }
0x18e: {  	v38 =	vadd.s32 v0, v16;
	v37 =	vld [tilespmem:s26+$0x19060];
	v7 =	vadd.f32 v62, v7;
	v5 =	vadd.f32 v27, v5  }
0x18f: {  	v40 =	vadd.s32 v1, v16;
	v39 =	vld [tilespmem:s26+$0x19070];
	v6 =	vadd.f32 v28, v6;
	v4 =	vadd.f32 v30, v4  }
0x190: {  	v41 =	vadd.s32 v2, v16;
	v7 =	vadd.f32 v29, v7;
	v5 =	vadd.f32 v31, v5  }
0x191: {  	v42 =	vadd.s32 v3, v16;
	v6 =	vadd.f32 v32, v6;
	v4 =	vadd.f32 v34, v4  }
0x192: {  	v7 =	vadd.f32 v33, v7;
	v5 =	vadd.f32 v36, v5  }
0x193: {  	v6 =	vadd.f32 v37, v6;
	[tilespmem:v38+s18+$0x0] =	vst.idx.msk $0xffff, v4  }
0x194: {  	v4 =	vadd.f32 v39, v7;
	[tilespmem:v40+s18+$0x0] =	vst.idx.msk $0xffff, v5  }
0x195: {  	[tilespmem:v41+s18+$0x0] =	vst.idx.msk $0xffff, v6  }
0x196: {  	[tilespmem:v42+s18+$0x0] =	vst.idx.msk $0xffff, v4  }
0x197: {  	v4 =	vld [tilespmem:s26+$0x10480]  }
0x198: {  	v5 =	vld [tilespmem:s26+$0x10490]  }
0x199: {  	v6 =	vld [tilespmem:s26+$0x104A0]  }
0x19a: {  	v43 =	vld [tilespmem:s26+$0x104B0]  }
0x19b: {  	v44 =	vld [tilespmem:s26+$0x11880]  }
0x19c: {  	v45 =	vld [tilespmem:s26+$0x11890]  }
0x19d: {  	v10 =	vld [tilespmem:s26+$0x118A0]  }
0x19e: {  	v11 =	vld [tilespmem:s26+$0x118B0]  }
0x19f: {  	v12 =	vld [tilespmem:s26+$0x12C80]  }
0x1a0: {  	v46 =	vld [tilespmem:s26+$0x12C90]  }
0x1a1: {  	v47 =	vld [tilespmem:s26+$0x12CA0]  }
0x1a2: {  	v48 =	vld [tilespmem:s26+$0x12CB0]  }
0x1a3: {  	v49 =	vld [tilespmem:s26+$0x14080]  }
0x1a4: {  	v50 =	vld [tilespmem:s26+$0x14090]  }
0x1a5: {  	v18 =	vld [tilespmem:s26+$0x140A0]  }
0x1a6: {  	v51 =	vld [tilespmem:s26+$0x140B0]  }
0x1a7: {  	v52 =	vld [tilespmem:s26+$0x15480]  }
0x1a8: {  	v53 =	vld [tilespmem:s26+$0x15490]  }
0x1a9: {  	v54 =	vld [tilespmem:s26+$0x154A0]  }
0x1aa: {  	v55 =	vld [tilespmem:s26+$0x154B0]  }
0x1ab: {  	v56 =	vld [tilespmem:s26+$0x16880]  }
0x1ac: {  	v57 =	vld [tilespmem:s26+$0x16890];
	v4 =	vadd.f32 v44, v4  }
0x1ad: {  	v58 =	vld [tilespmem:s26+$0x168A0];
	v5 =	vadd.f32 v45, v5  }
0x1ae: {  	v59 =	vld [tilespmem:s26+$0x168B0];
	v6 =	vadd.f32 v10, v6;
	v4 =	vadd.f32 v12, v4  }
0x1af: {  	v60 =	vld [tilespmem:s26+$0x17C80];
	v7 =	vadd.f32 v11, v43;
	v5 =	vadd.f32 v46, v5  }
0x1b0: {  	v61 =	vld [tilespmem:s26+$0x17C90];
	v6 =	vadd.f32 v47, v6;
	v4 =	vadd.f32 v49, v4  }
0x1b1: {  	v62 =	vld [tilespmem:s26+$0x17CA0];
	v7 =	vadd.f32 v48, v7;
	v5 =	vadd.f32 v50, v5  }
0x1b2: {  	s29 =	sadd.s32 $0x2, s24;
	v63 =	vld [tilespmem:s26+$0x17CB0];
	v6 =	vadd.f32 v18, v6;
	v4 =	vadd.f32 v52, v4  }
0x1b3: {  	v25 =	vmov s29;
	v21 =	vld [tilespmem:s26+$0x19080];
	v7 =	vadd.f32 v51, v7;
	v5 =	vadd.f32 v53, v5  }
0x1b4: {  	v16 =	vand.u32 $0x7E, v25;
	v26 =	vld [tilespmem:s26+$0x19090];
	v6 =	vadd.f32 v54, v6;
	v4 =	vadd.f32 v56, v4  }
0x1b5: {  	v28 =	vadd.s32 v0, v16;
	v27 =	vld [tilespmem:s26+$0x190A0];
	v7 =	vadd.f32 v55, v7;
	v5 =	vadd.f32 v57, v5  }
0x1b6: {  	v30 =	vadd.s32 v1, v16;
	v29 =	vld [tilespmem:s26+$0x190B0];
	v6 =	vadd.f32 v58, v6;
	v4 =	vadd.f32 v60, v4  }
0x1b7: {  	v31 =	vadd.s32 v2, v16;
	v7 =	vadd.f32 v59, v7;
	v5 =	vadd.f32 v61, v5  }
0x1b8: {  	v32 =	vadd.s32 v3, v16;
	v6 =	vadd.f32 v62, v6;
	v4 =	vadd.f32 v21, v4  }
0x1b9: {  	v7 =	vadd.f32 v63, v7;
	v5 =	vadd.f32 v26, v5  }
0x1ba: {  	v6 =	vadd.f32 v27, v6;
	[tilespmem:v28+s18+$0x0] =	vst.idx.msk $0xffff, v4  }
0x1bb: {  	v4 =	vadd.f32 v29, v7;
	[tilespmem:v30+s18+$0x0] =	vst.idx.msk $0xffff, v5  }
0x1bc: {  	[tilespmem:v31+s18+$0x0] =	vst.idx.msk $0xffff, v6  }
0x1bd: {  	[tilespmem:v32+s18+$0x0] =	vst.idx.msk $0xffff, v4  }
0x1be: {  	v4 =	vld [tilespmem:s26+$0x104C0]  }
0x1bf: {  	v5 =	vld [tilespmem:s26+$0x104D0]  }
0x1c0: {  	v6 =	vld [tilespmem:s26+$0x104E0]  }
0x1c1: {  	v33 =	vld [tilespmem:s26+$0x104F0]  }
0x1c2: {  	v34 =	vld [tilespmem:s26+$0x118C0]  }
0x1c3: {  	v35 =	vld [tilespmem:s26+$0x118D0]  }
0x1c4: {  	v10 =	vld [tilespmem:s26+$0x118E0]  }
0x1c5: {  	v11 =	vld [tilespmem:s26+$0x118F0]  }
0x1c6: {  	v12 =	vld [tilespmem:s26+$0x12CC0]  }
0x1c7: {  	v36 =	vld [tilespmem:s26+$0x12CD0]  }
0x1c8: {  	v37 =	vld [tilespmem:s26+$0x12CE0]  }
0x1c9: {  	v38 =	vld [tilespmem:s26+$0x12CF0]  }
0x1ca: {  	v39 =	vld [tilespmem:s26+$0x140C0]  }
0x1cb: {  	v40 =	vld [tilespmem:s26+$0x140D0]  }
0x1cc: {  	v18 =	vld [tilespmem:s26+$0x140E0]  }
0x1cd: {  	v41 =	vld [tilespmem:s26+$0x140F0]  }
0x1ce: {  	v42 =	vld [tilespmem:s26+$0x154C0]  }
0x1cf: {  	v43 =	vld [tilespmem:s26+$0x154D0]  }
0x1d0: {  	v44 =	vld [tilespmem:s26+$0x154E0]  }
0x1d1: {  	v45 =	vld [tilespmem:s26+$0x154F0]  }
0x1d2: {  	v46 =	vld [tilespmem:s26+$0x168C0]  }
0x1d3: {  	v47 =	vld [tilespmem:s26+$0x168D0];
	v4 =	vadd.f32 v34, v4  }
0x1d4: {  	v48 =	vld [tilespmem:s26+$0x168E0];
	v5 =	vadd.f32 v35, v5  }
0x1d5: {  	v49 =	vld [tilespmem:s26+$0x168F0];
	v6 =	vadd.f32 v10, v6;
	v4 =	vadd.f32 v12, v4  }
0x1d6: {  	v50 =	vld [tilespmem:s26+$0x17CC0];
	v7 =	vadd.f32 v11, v33;
	v5 =	vadd.f32 v36, v5  }
0x1d7: {  	v51 =	vld [tilespmem:s26+$0x17CD0];
	v6 =	vadd.f32 v37, v6;
	v4 =	vadd.f32 v39, v4  }
0x1d8: {  	v52 =	vld [tilespmem:s26+$0x17CE0];
	v7 =	vadd.f32 v38, v7;
	v5 =	vadd.f32 v40, v5  }
0x1d9: {  	s30 =	sadd.s32 $0x3, s24;
	v53 =	vld [tilespmem:s26+$0x17CF0];
	v6 =	vadd.f32 v18, v6;
	v4 =	vadd.f32 v42, v4  }
0x1da: {  	v55 =	vmov s30;
	v54 =	vld [tilespmem:s26+$0x190C0];
	v7 =	vadd.f32 v41, v7;
	v5 =	vadd.f32 v43, v5  }
0x1db: {  	v16 =	vand.u32 $0x7F, v55;
	v56 =	vld [tilespmem:s26+$0x190D0];
	v6 =	vadd.f32 v44, v6;
	v4 =	vadd.f32 v46, v4  }
0x1dc: {  	v58 =	vadd.s32 v0, v16;
	v57 =	vld [tilespmem:s26+$0x190E0];
	v7 =	vadd.f32 v45, v7;
	v5 =	vadd.f32 v47, v5  }
0x1dd: {  	v60 =	vadd.s32 v1, v16;
	v59 =	vld [tilespmem:s26+$0x190F0];
	v6 =	vadd.f32 v48, v6;
	v4 =	vadd.f32 v50, v4  }
0x1de: {  	v61 =	vadd.s32 v2, v16;
	v7 =	vadd.f32 v49, v7;
	v5 =	vadd.f32 v51, v5  }
0x1df: {  	p1 =	sne.s32 s25, $0x4C00;
	v62 =	vadd.s32 v3, v16;
	v6 =	vadd.f32 v52, v6;
	v4 =	vadd.f32 v54, v4  }
.Ltmp7:
0x1e0: {  	v7 =	vadd.f32 v53, v7;
	v5 =	vadd.f32 v56, v5;
	(pc) =	sbr.rel @p1 .LBB2_8-.Ltmp7, $4  }
0x1e1: {  	[tilespmem:v58+s18+$0x0] =	vst.idx.msk $0xffff, v4;
	v4 =	vadd.f32 v57, v6  }
0x1e2: {  	v63 =	vadd.f32 v59, v7;
	[tilespmem:v60+s18+$0x0] =	vst.idx.msk $0xffff, v5  }
0x1e3: {  	[tilespmem:v61+s18+$0x0] =	vst.idx.msk $0xffff, v4  }
0x1e4: {  	s24 =	sadd.s32 $0x4, s24;
	s25 =	sadd.s32 $0x400, s25;
	[tilespmem:v62+s18+$0x0] =	vst.idx.msk $0xffff, v63  }
0x1e5: {  	s23 =	sadd.s32 s2, s23  }
0x1e6: {  	s23 =	smul.u32 $0xA, s23;
	_ =	sdelay $0x1  }
0x1e7: {  	s24 =	simm.s32 $0x1BA00;
	s23 =	sadd.s32 s5, s23  }
0x1e8: {  	[hbm4b:s23+s3] =	stream.linear.scatter [tilespmem:s24], [sflag:$0x4], $0x50, $0x38;
	[tilespmem:$0x1D000] =	vst v63  }
0x1e9: {  	s24 =	simm.s32 $0x160  }
.LBB2_10:
0x1ea: {  	p1 =	sne.s32 s24, $0x56A0  }
.Ltmp8:
0x1eb: {  	_ = 	snop;
	(pc) =	sbr.rel @p1 .LBB2_10-.Ltmp8, $4  }
0x1ec: {  	_ = 	snop  }
0x1ed: {  	s25 =	sshra.s32 s24, $0x2;
	s24 =	sadd.s32 $0x160, s24  }
0x1ee: {  	s23 =	sadd.s32 $0x30D4, s23;
	s25 =	sadd.s32 $0x1BA00, s25  }
0x1ef: {  	[hbm4b:s23+s3] =	stream.linear.scatter [tilespmem:s25], [sflag:$0x4], $0x50, $0x38;
	[tilespmem:$0x1D000] =	vst v63  }
.Ltmp9:
0x1f0: {  	_ = 	snop;
	(pc) =	sbr.rel .LBB2_11-.Ltmp9, $1  }
0x1f1: {  	_ =	sdelay $0x3  }
.LBB2_13:
0x1f2: {  	_ =	sfence.sel $0x180000  }
0x1f3: {  	[bflag:$0x0] =	sbarrier.arrive $0xFFFF  }
0x1f4: {  	_ =	strace $0x90000047  }
0x1f5: {  	[bflag:$0x2] =	sbarrier.arrive $0xFFFF  }
0x1f6: {  	s0 =	rddreg [dreg:$0x2]  }
0x1f7: {  	s0 =	sadd.s32 @!p0 $0x100000, s0  }
0x1f8: {  	[sflag:s0] =	ssyncadd.tile.s32 @!p0 $0x1;
	_ =	shalt  }
.Lfunc_end2:
_tile_overlayer_lowered:
.L_overlay_start_2:
0x1f9: {  	(tag) =	ssettag $0x2  }
0x1fa: {  	s0 =	rddreg [dreg:$0x0];
	s2 =	stileid.u32  }
0x1fb: {  	s1 =	rddreg [dreg:$0x1];
	p0 =	sne.s32 s2, $0x0  }
0x1fc: {  	s3 =	rddreg [dreg:$0x2];
	[bflag:$0x3] =	sbarrier.arrive $0xFFFF;
	s2 =	simm.s32 @!p0 $0x1C05  }
0x1fd: {  	[timem:s3], [sflag:s2] =	dma.local @!p0 [hbm:s0], s1  }
0x1fe: {  	s0 =	simm.s32 @!p0 $0x5  }
0x1ff: {  	_ =	swait.ge @!p0 [sflag:s0], s1  }
0x200: {  	s1 =	ssub.s32 @!p0 $0x0, s1;
	[sflag:s0] =	ssyncset.done @!p0 $0x0  }
0x201: {  	[sflag:s0] =	ssyncadd.s32 @!p0 s1  }
0x202: {  	[bflag:$0x3] =	sbarrier.arrive $0xFFFF  }
0x203: {  	_ =	shalt  }

</sc_bundles>
